<compile_context>
chip_gen: v7x
topology: tpu7x:2x2x1
jax: 0.10.2.dev20260603
libtpu: 0.0.44.dev20260713+nightly
codegen_flags: <defaults>
</compile_context>

<pallas_src>
import functools

import jax
import jax.numpy as jnp
from jax import lax
from jax.experimental import pallas as pl
from jax.experimental.pallas import tpu as pltpu
from jax.experimental.pallas import tpu_sc as plsc

NC = 2
NS = 16
NW = NC * NS
L = 16

BQ = 16 * 2048
N = 2048
U = 8

SC_SHARE = 8192


def _sc_body(ppw, c_hbm, w_hbm, u1_hbm, u2_hbm, act_hbm, val_hbm,
             pd_out, pv_out,
             c_v, w_v, u1_v, u2_v, act_v, val_v, t1_v, t2_v, la_v, o_v):
    wid = lax.axis_index("s") * NC + lax.axis_index("c")
    base = wid * ppw

    pltpu.sync_copy(c_hbm.at[pl.ds(base, ppw)], c_v)
    pltpu.sync_copy(w_hbm.at[pl.ds(base, ppw)], w_v)
    pltpu.sync_copy(act_hbm.at[pl.ds(base, ppw)], act_v)
    pltpu.sync_copy(val_hbm.at[pl.ds(base, ppw)], val_v)
    pltpu.sync_copy(u1_hbm, u1_v)
    pltpu.sync_copy(u2_hbm, u2_v)

    def transform(i, carry):
        cv = c_v[pl.ds(i * L, L)]
        wv = w_v[pl.ds(i * L, L)]
        e = jnp.exp(wv)
        h = e * 0.5
        t1_v[pl.ds(i * L, L)] = cv - h
        t2_v[pl.ds(i * L, L)] = cv + h
        la_v[pl.ds(i * L, L)] = e
        return carry

    lax.fori_loop(0, ppw // L, transform, 0)

    zero = jnp.zeros((L,), jnp.float32)
    one = jnp.ones((L,), jnp.float32)

    def outer(ci, accs):
        acc_d, acc_v = accs
        b0 = ci * (L * U)
        t1s = [t1_v[pl.ds(b0 + u * L, L)] for u in range(U)]
        t2s = [t2_v[pl.ds(b0 + u * L, L)] for u in range(U)]
        las = [la_v[pl.ds(b0 + u * L, L)] for u in range(U)]

        def inner(jc, carry):
            nums = list(carry[0])
            ss = list(carry[1])
            jb = jc * L
            u1c = u1_v[pl.ds(jb, L)]
            u2c = u2_v[pl.ds(jb, L)]
            for k in range(L):
                u1k = u1c[k]
                u2k = u2c[k]
                lbk = u2k - u1k
                for u in range(U):
                    lt = jnp.maximum(t1s[u], u1k)
                    rb = jnp.minimum(t2s[u], u2k)
                    d = rb - lt
                    ls = las[u] + lbk
                    cm = d * ss[u] > nums[u] * ls
                    nums[u] = jnp.where(cm, d, nums[u])
                    ss[u] = jnp.where(cm, ls, ss[u])
            return (tuple(nums), tuple(ss))

        nums, ss = lax.fori_loop(0, N // L, inner,
                                 (tuple([zero] * U), tuple([one] * U)))
        for u in range(U):
            iou = nums[u] / (ss[u] - nums[u])
            av = act_v[pl.ds(b0 + u * L, L)]
            vv = val_v[pl.ds(b0 + u * L, L)]
            acc_d = acc_d + jnp.abs(av - iou) * vv
            acc_v = acc_v + vv
        return (acc_d, acc_v)

    acc_d, acc_v = lax.fori_loop(0, ppw // (L * U), outer, (zero, zero))

    o_v[pl.ds(0, L)] = acc_d
    o_v[pl.ds(L, L)] = acc_v
    pltpu.sync_copy(o_v.at[pl.ds(0, L)], pd_out.at[pl.ds(wid * L, L)])
    pltpu.sync_copy(o_v.at[pl.ds(L, L)], pv_out.at[pl.ds(wid * L, L)])


def _sc_call(c, w, u1, u2, act, val):
    ppw = c.shape[0] // NW
    mesh = plsc.VectorSubcoreMesh(core_axis_name="c", subcore_axis_name="s")
    f32 = jnp.float32
    kern = functools.partial(
        pl.kernel,
        mesh=mesh,
        out_type=(jax.ShapeDtypeStruct((NW * L,), f32),
                  jax.ShapeDtypeStruct((NW * L,), f32)),
        scratch_types=[
            pltpu.VMEM((ppw,), f32),
            pltpu.VMEM((ppw,), f32),
            pltpu.VMEM((N,), f32),
            pltpu.VMEM((N,), f32),
            pltpu.VMEM((ppw,), f32),
            pltpu.VMEM((ppw,), f32),
            pltpu.VMEM((ppw,), f32),
            pltpu.VMEM((ppw,), f32),
            pltpu.VMEM((ppw,), f32),
            pltpu.VMEM((2 * L,), f32),
        ],
    )(functools.partial(_sc_body, ppw))
    return kern(c, w, u1, u2, act, val)


TR = 32


def _tc_body(c_ref, w_ref, u1_ref, u2_ref, act_ref, val_ref, pd_ref, pv_ref):
    c = c_ref[...]
    e = jnp.exp(w_ref[...])
    t1 = c - 0.5 * e
    t2 = c + 0.5 * e
    la = e

    def step(j, carry):
        best = carry
        u1 = u1_ref[0, j]
        u2 = u2_ref[0, j]
        lb = u2 - u1
        lt = jnp.maximum(t1, u1)
        rb = jnp.minimum(t2, u2)
        d = rb - lt
        ls = la + lb
        return jnp.maximum(best, d * pl.reciprocal(ls, approx=True))

    zero = jnp.zeros(c.shape, jnp.float32)
    best = lax.fori_loop(0, N, step, zero, unroll=8)
    iou = best / (1.0 - best)
    vv = val_ref[...]
    diff = jnp.abs(act_ref[...] - iou) * vv
    pd_ref[...] = jnp.sum(diff, axis=0, keepdims=True)[None]
    pv_ref[...] = jnp.sum(vv, axis=0, keepdims=True)[None]


def _tc_call(c, w, u1, u2, act, val):
    f32 = jnp.float32
    rows = c.shape[0]
    assert rows % TR == 0, (rows, TR)
    grid = rows // TR
    vspec = pl.BlockSpec((TR, 128), lambda i: (i, 0))
    sspec = pl.BlockSpec((1, N), lambda i: (0, 0), memory_space=pltpu.SMEM)
    ospec = pl.BlockSpec((1, 1, 128), lambda i: (i, 0, 0))
    return pl.pallas_call(
        _tc_body,
        grid=(grid,),
        out_shape=(jax.ShapeDtypeStruct((grid, 1, 128), f32),
                   jax.ShapeDtypeStruct((grid, 1, 128), f32)),
        in_specs=[vspec, vspec, sspec, sspec, vspec, vspec],
        out_specs=(ospec, ospec),
    )(c, w, u1, u2, act, val)


@jax.jit
def _hybrid(c, w, u1, u2, act, val):
    pd_sc, pv_sc = _sc_call(c[:SC_SHARE], w[:SC_SHARE], u1, u2,
                            act[:SC_SHARE], val[:SC_SHARE])
    num = jnp.sum(pd_sc)
    den = jnp.sum(pv_sc)
    rows = (BQ - SC_SHARE) // 128
    c2 = c[SC_SHARE:].reshape(rows, 128)
    w2 = w[SC_SHARE:].reshape(rows, 128)
    act2 = act[SC_SHARE:].reshape(rows, 128)
    val2 = val[SC_SHARE:].reshape(rows, 128)
    pd_tc, pv_tc = _tc_call(c2, w2, u1.reshape(1, N), u2.reshape(1, N),
                            act2, val2)
    num = num + jnp.sum(pd_tc)
    den = den + jnp.sum(pv_tc)
    return num / jnp.clip(den, 1.0, None)


def kernel(pred_segments, pred_actionness, target_segments, mask):
    ps = pred_segments.reshape(-1, 2)
    c = ps[:, 0]
    w = ps[:, 1]
    u1 = target_segments[:, 0]
    u2 = target_segments[:, 1]
    act = pred_actionness.reshape(-1)
    val = (~mask.reshape(-1)).astype(jnp.float32)
    return _hybrid(c, w, u1, u2, act, val)

# --- scband reference (transcript-rebuilt; emitter-appended) ---
"""Pipeline reference for scband-set-criterion-65773129171134 (READ-ONLY COPY).

The authoritative reference and input builder live on the scoring server;
editing this copy changes nothing except your own understanding.
"""

import jax, jax.numpy as jnp
import numpy as np


def segment_cw_to_t1t2(x):
    return jnp.stack([x[..., 0] - x[..., 1] * 0.5, x[..., 0] + x[..., 1] * 0.5], axis=-1)


def segment_iou(a, b):
    # a: [N, 2] (t1, t2); b: [M, 2] (t1, t2) -> [N, M]
    lt = jnp.maximum(a[:, None, 0], b[None, :, 0])
    rb = jnp.minimum(a[:, None, 1], b[None, :, 1])
    inter = jnp.clip(rb - lt, 0.0, None)
    len_a = (a[:, 1] - a[:, 0])[:, None]
    len_b = (b[:, 1] - b[:, 0])[None, :]
    union = len_a + len_b - inter
    return inter / jnp.clip(union, 1e-8, None)


def setup_inputs(seed: int = 0) -> dict:
    key = jax.random.key(seed)
    k1, k2, k3 = jax.random.split(key, 3)
    B, Q, N = 16, 2048, 2048
    pred_segments = jax.random.normal(k1, (B, Q, 2), dtype=jnp.float32)
    pred_actionness = jax.random.uniform(k2, (B, Q, 1), dtype=jnp.float32)
    target_segments = jax.random.uniform(k3, (N, 2), dtype=jnp.float32)
    # ensure valid (t1 <= t2) ground-truth segments
    target_segments = jnp.sort(target_segments, axis=-1)
    mask = jnp.zeros((B, Q), dtype=bool)
    return {"pred_segments": pred_segments, "pred_actionness": pred_actionness,
            "target_segments": target_segments, "mask": mask}


def reference(pred_segments, pred_actionness, target_segments, mask):
    # SetCriterion.loss_actionness (TadTR):
    # pred segments are (center, log-width); convert width via exp, then to (t1, t2)
    src_segments = pred_segments.reshape((-1, 2))
    src_segments = jnp.stack([src_segments[..., 0], jnp.exp(src_segments[..., 1])], axis=-1)
    iou_mat = segment_iou(segment_cw_to_t1t2(src_segments), target_segments)
    gt_iou = jnp.max(iou_mat, axis=1)
    gt_iou = jax.lax.stop_gradient(gt_iou)  # .detach() in original
    valid = (~mask.reshape(-1)).astype(jnp.float32)
    diff = jnp.abs(pred_actionness.reshape(-1) - gt_iou)
    # masked mean == F.l1_loss(pred[valid], gt[valid]) when mask is static
    loss_actionness = jnp.sum(diff * valid) / jnp.clip(jnp.sum(valid), 1.0, None)
    return loss_actionness

if __name__ == "__main__":
    import jax
    _d = setup_inputs()
    print(jax.jit(kernel)(*tuple(_d.values())))

</pallas_src>

<mosaic_0001>
#map = affine_map<(d0, d1) -> (0)>
module attributes {stable_mosaic.version = 14 : i64} {
  func.func @_sc_body(%arg0: i32, %arg1: i32, %arg2: memref<8192xf32, #tpu.memory_space<hbm>>, %arg3: memref<8192xf32, #tpu.memory_space<hbm>>, %arg4: memref<2048xf32, #tpu.memory_space<hbm>>, %arg5: memref<2048xf32, #tpu.memory_space<hbm>>, %arg6: memref<8192xf32, #tpu.memory_space<hbm>>, %arg7: memref<8192xf32, #tpu.memory_space<hbm>>, %arg8: memref<512xf32, #tpu.memory_space<hbm>>, %arg9: memref<512xf32, #tpu.memory_space<hbm>>, %arg10: memref<256xf32, #tpu.memory_space<vmem>>, %arg11: memref<256xf32, #tpu.memory_space<vmem>>, %arg12: memref<2048xf32, #tpu.memory_space<vmem>>, %arg13: memref<2048xf32, #tpu.memory_space<vmem>>, %arg14: memref<256xf32, #tpu.memory_space<vmem>>, %arg15: memref<256xf32, #tpu.memory_space<vmem>>, %arg16: memref<256xf32, #tpu.memory_space<vmem>>, %arg17: memref<256xf32, #tpu.memory_space<vmem>>, %arg18: memref<256xf32, #tpu.memory_space<vmem>>, %arg19: memref<32xf32, #tpu.memory_space<vmem>>) attributes {dimension_semantics = [#tpu.dimension_semantics<core_parallel>, #tpu.dimension_semantics<subcore_parallel>], iteration_bounds = array<i64: 2, 16>, scalar_prefetch = 0 : i64, scratch_operands = 10 : i64, tpu.core_type = #tpu.core_type<sc_vector_subcore>, window_params = [{transform_indices = #map}, {transform_indices = #map}, {transform_indices = #map}, {transform_indices = #map}, {transform_indices = #map}, {transform_indices = #map}, {transform_indices = #map}, {transform_indices = #map}]} {
    %mul3A = arith.constant 2 : i32
    %mul3A_0 = arith.muli %arg1, %mul3A : i32
    %add3A = arith.addi %mul3A_0, %arg0 : i32
    %mul3A_1 = arith.constant 256 : i32
    %mul3A_2 = arith.muli %add3A, %mul3A_1 : i32
    "tpu.region"() ({
      %run_scoped3A = tpu.sem_alloc : memref<!tpu.dma_semaphore, #tpu.memory_space<semaphore_mem>>
      %dma_start3A = tpu.memref_slice %arg2[%mul3A_2] : memref<8192xf32, #tpu.memory_space<hbm>> -> memref<256xf32, #tpu.memory_space<hbm>>
      %dma_start3A_28 = tpu.memref_slice %arg2[%mul3A_2] : memref<8192xf32, #tpu.memory_space<hbm>> -> memref<256xf32, #tpu.memory_space<hbm>>
      tpu.enqueue_dma source(%dma_start3A_28 : memref<256xf32, #tpu.memory_space<hbm>>) target(%arg10 : memref<256xf32, #tpu.memory_space<vmem>>) target_semaphore(%run_scoped3A : memref<!tpu.dma_semaphore, #tpu.memory_space<semaphore_mem>>)
      %dma_wait3A = tpu.memref_slice %arg2[%mul3A_2] : memref<8192xf32, #tpu.memory_space<hbm>> -> memref<256xf32, #tpu.memory_space<hbm>>
      %dma_wait3A_29 = tpu.memref_slice %arg2[%mul3A_2] : memref<8192xf32, #tpu.memory_space<hbm>> -> memref<256xf32, #tpu.memory_space<hbm>>
      tpu.wait_dma2 semaphore(%run_scoped3A : memref<!tpu.dma_semaphore, #tpu.memory_space<semaphore_mem>>) src(%dma_wait3A_29 : memref<256xf32, #tpu.memory_space<hbm>>) dst(%arg10 : memref<256xf32, #tpu.memory_space<vmem>>)
      tpu.yield
    }) : () -> ()
    "tpu.region"() ({
      %run_scoped3A = tpu.sem_alloc : memref<!tpu.dma_semaphore, #tpu.memory_space<semaphore_mem>>
      %dma_start3A = tpu.memref_slice %arg3[%mul3A_2] : memref<8192xf32, #tpu.memory_space<hbm>> -> memref<256xf32, #tpu.memory_space<hbm>>
      %dma_start3A_28 = tpu.memref_slice %arg3[%mul3A_2] : memref<8192xf32, #tpu.memory_space<hbm>> -> memref<256xf32, #tpu.memory_space<hbm>>
      tpu.enqueue_dma source(%dma_start3A_28 : memref<256xf32, #tpu.memory_space<hbm>>) target(%arg11 : memref<256xf32, #tpu.memory_space<vmem>>) target_semaphore(%run_scoped3A : memref<!tpu.dma_semaphore, #tpu.memory_space<semaphore_mem>>)
      %dma_wait3A = tpu.memref_slice %arg3[%mul3A_2] : memref<8192xf32, #tpu.memory_space<hbm>> -> memref<256xf32, #tpu.memory_space<hbm>>
      %dma_wait3A_29 = tpu.memref_slice %arg3[%mul3A_2] : memref<8192xf32, #tpu.memory_space<hbm>> -> memref<256xf32, #tpu.memory_space<hbm>>
      tpu.wait_dma2 semaphore(%run_scoped3A : memref<!tpu.dma_semaphore, #tpu.memory_space<semaphore_mem>>) src(%dma_wait3A_29 : memref<256xf32, #tpu.memory_space<hbm>>) dst(%arg11 : memref<256xf32, #tpu.memory_space<vmem>>)
      tpu.yield
    }) : () -> ()
    "tpu.region"() ({
      %run_scoped3A = tpu.sem_alloc : memref<!tpu.dma_semaphore, #tpu.memory_space<semaphore_mem>>
      %dma_start3A = tpu.memref_slice %arg6[%mul3A_2] : memref<8192xf32, #tpu.memory_space<hbm>> -> memref<256xf32, #tpu.memory_space<hbm>>
      %dma_start3A_28 = tpu.memref_slice %arg6[%mul3A_2] : memref<8192xf32, #tpu.memory_space<hbm>> -> memref<256xf32, #tpu.memory_space<hbm>>
      tpu.enqueue_dma source(%dma_start3A_28 : memref<256xf32, #tpu.memory_space<hbm>>) target(%arg14 : memref<256xf32, #tpu.memory_space<vmem>>) target_semaphore(%run_scoped3A : memref<!tpu.dma_semaphore, #tpu.memory_space<semaphore_mem>>)
      %dma_wait3A = tpu.memref_slice %arg6[%mul3A_2] : memref<8192xf32, #tpu.memory_space<hbm>> -> memref<256xf32, #tpu.memory_space<hbm>>
      %dma_wait3A_29 = tpu.memref_slice %arg6[%mul3A_2] : memref<8192xf32, #tpu.memory_space<hbm>> -> memref<256xf32, #tpu.memory_space<hbm>>
      tpu.wait_dma2 semaphore(%run_scoped3A : memref<!tpu.dma_semaphore, #tpu.memory_space<semaphore_mem>>) src(%dma_wait3A_29 : memref<256xf32, #tpu.memory_space<hbm>>) dst(%arg14 : memref<256xf32, #tpu.memory_space<vmem>>)
      tpu.yield
    }) : () -> ()
    "tpu.region"() ({
      %run_scoped3A = tpu.sem_alloc : memref<!tpu.dma_semaphore, #tpu.memory_space<semaphore_mem>>
      %dma_start3A = tpu.memref_slice %arg7[%mul3A_2] : memref<8192xf32, #tpu.memory_space<hbm>> -> memref<256xf32, #tpu.memory_space<hbm>>
      %dma_start3A_28 = tpu.memref_slice %arg7[%mul3A_2] : memref<8192xf32, #tpu.memory_space<hbm>> -> memref<256xf32, #tpu.memory_space<hbm>>
      tpu.enqueue_dma source(%dma_start3A_28 : memref<256xf32, #tpu.memory_space<hbm>>) target(%arg15 : memref<256xf32, #tpu.memory_space<vmem>>) target_semaphore(%run_scoped3A : memref<!tpu.dma_semaphore, #tpu.memory_space<semaphore_mem>>)
      %dma_wait3A = tpu.memref_slice %arg7[%mul3A_2] : memref<8192xf32, #tpu.memory_space<hbm>> -> memref<256xf32, #tpu.memory_space<hbm>>
      %dma_wait3A_29 = tpu.memref_slice %arg7[%mul3A_2] : memref<8192xf32, #tpu.memory_space<hbm>> -> memref<256xf32, #tpu.memory_space<hbm>>
      tpu.wait_dma2 semaphore(%run_scoped3A : memref<!tpu.dma_semaphore, #tpu.memory_space<semaphore_mem>>) src(%dma_wait3A_29 : memref<256xf32, #tpu.memory_space<hbm>>) dst(%arg15 : memref<256xf32, #tpu.memory_space<vmem>>)
      tpu.yield
    }) : () -> ()
    "tpu.region"() ({
      %run_scoped3A = tpu.sem_alloc : memref<!tpu.dma_semaphore, #tpu.memory_space<semaphore_mem>>
      tpu.enqueue_dma source(%arg4 : memref<2048xf32, #tpu.memory_space<hbm>>) target(%arg12 : memref<2048xf32, #tpu.memory_space<vmem>>) target_semaphore(%run_scoped3A : memref<!tpu.dma_semaphore, #tpu.memory_space<semaphore_mem>>)
      tpu.wait_dma2 semaphore(%run_scoped3A : memref<!tpu.dma_semaphore, #tpu.memory_space<semaphore_mem>>) src(%arg4 : memref<2048xf32, #tpu.memory_space<hbm>>) dst(%arg12 : memref<2048xf32, #tpu.memory_space<vmem>>)
      tpu.yield
    }) : () -> ()
    "tpu.region"() ({
      %run_scoped3A = tpu.sem_alloc : memref<!tpu.dma_semaphore, #tpu.memory_space<semaphore_mem>>
      tpu.enqueue_dma source(%arg5 : memref<2048xf32, #tpu.memory_space<hbm>>) target(%arg13 : memref<2048xf32, #tpu.memory_space<vmem>>) target_semaphore(%run_scoped3A : memref<!tpu.dma_semaphore, #tpu.memory_space<semaphore_mem>>)
      tpu.wait_dma2 semaphore(%run_scoped3A : memref<!tpu.dma_semaphore, #tpu.memory_space<semaphore_mem>>) src(%arg5 : memref<2048xf32, #tpu.memory_space<hbm>>) dst(%arg13 : memref<2048xf32, #tpu.memory_space<vmem>>)
      tpu.yield
    }) : () -> ()
    %scan3A = arith.constant 0 : i32
    %scan3A_3 = arith.constant 0 : i32
    %scan3A_4 = arith.constant 16 : i32
    %scan3A_5 = arith.addi %scan3A_3, %scan3A_4 : i32
    %scan3A_6 = arith.constant 1 : i32
    scf.for %scan3A_28 = %scan3A_3 to %scan3A_5 step %scan3A_6  : i32 {
      %mul3A_29 = arith.constant 16 : i32
      %mul3A_30 = arith.muli %scan3A_28, %mul3A_29 : i32
      %get3A = arith.index_cast %mul3A_30 : i32 to index
      %get3A_31 = tpu.vector_load %arg10[%get3A] {strides = array<i32>} : memref<256xf32, #tpu.memory_space<vmem>>, vector<16xf32>,
      %get3A_32 = vector.shape_cast %get3A_31 : vector<16xf32> to vector<16xf32>
      %mul3A_33 = arith.constant 16 : i32
      %mul3A_34 = arith.muli %scan3A_28, %mul3A_33 : i32
      %get3A_35 = arith.index_cast %mul3A_34 : i32 to index
      %get3A_36 = tpu.vector_load %arg11[%get3A_35] {strides = array<i32>} : memref<256xf32, #tpu.memory_space<vmem>>, vector<16xf32>,
      %get3A_37 = vector.shape_cast %get3A_36 : vector<16xf32> to vector<16xf32>
      %exp3A = math.exp %get3A_37 : vector<16xf32>
      %mul3A_38 = arith.constant 5.000000e-01 : f32
      %mul3A_39 = vector.broadcast %mul3A_38 : f32 to vector<16xf32>
      %mul3A_40 = arith.mulf %exp3A, %mul3A_39 : vector<16xf32>
      %sub3A = arith.subf %get3A_32, %mul3A_40 : vector<16xf32>
      %mul3A_41 = arith.constant 16 : i32
      %mul3A_42 = arith.muli %scan3A_28, %mul3A_41 : i32
      %swap3A_43 = arith.index_cast %mul3A_42 : i32 to index
      %swap3A_44 = tpu.vector_load %arg16[%swap3A_43] {strides = array<i32>} : memref<256xf32, #tpu.memory_space<vmem>>, vector<16xf32>,
      %swap3A_45 = vector.shape_cast %swap3A_44 : vector<16xf32> to vector<16xf32>
      %swap3A_46 = vector.shape_cast %sub3A : vector<16xf32> to vector<16xf32>
      tpu.vector_store %arg16[%swap3A_43], %swap3A_46 {strides = array<i32>} : memref<256xf32, #tpu.memory_space<vmem>>, vector<16xf32>,
      %add3A_47 = arith.addf %get3A_32, %mul3A_40 : vector<16xf32>
      %mul3A_48 = arith.constant 16 : i32
      %mul3A_49 = arith.muli %scan3A_28, %mul3A_48 : i32
      %swap3A_50 = arith.index_cast %mul3A_49 : i32 to index
      %swap3A_51 = tpu.vector_load %arg17[%swap3A_50] {strides = array<i32>} : memref<256xf32, #tpu.memory_space<vmem>>, vector<16xf32>,
      %swap3A_52 = vector.shape_cast %swap3A_51 : vector<16xf32> to vector<16xf32>
      %swap3A_53 = vector.shape_cast %add3A_47 : vector<16xf32> to vector<16xf32>
      tpu.vector_store %arg17[%swap3A_50], %swap3A_53 {strides = array<i32>} : memref<256xf32, #tpu.memory_space<vmem>>, vector<16xf32>,
      %mul3A_54 = arith.constant 16 : i32
      %mul3A_55 = arith.muli %scan3A_28, %mul3A_54 : i32
      %swap3A_56 = arith.index_cast %mul3A_55 : i32 to index
      %swap3A_57 = tpu.vector_load %arg18[%swap3A_56] {strides = array<i32>} : memref<256xf32, #tpu.memory_space<vmem>>, vector<16xf32>,
      %swap3A_58 = vector.shape_cast %swap3A_57 : vector<16xf32> to vector<16xf32>
      %swap3A_59 = vector.shape_cast %exp3A : vector<16xf32> to vector<16xf32>
      tpu.vector_store %arg18[%swap3A_56], %swap3A_59 {strides = array<i32>} : memref<256xf32, #tpu.memory_space<vmem>>, vector<16xf32>,
    }
    %scan3A_7 = arith.constant 16 : i32
    %broadcast_in_dim3A = arith.constant 0.000000e+00 : f32
    %broadcast_in_dim3A_8 = vector.broadcast %broadcast_in_dim3A : f32 to vector<16xf32>
    %broadcast_in_dim3A_9 = arith.constant 1.000000e+00 : f32
    %broadcast_in_dim3A_10 = vector.broadcast %broadcast_in_dim3A_9 : f32 to vector<16xf32>
    %scan3A_11 = arith.constant 0 : i32
    %scan3A_12 = arith.constant 2 : i32
    %scan3A_13 = arith.addi %scan3A_11, %scan3A_12 : i32
    %scan3A_14 = arith.constant 1 : i32
    %scan3A_15:2 = scf.for %scan3A_28 = %scan3A_11 to %scan3A_13 step %scan3A_14 iter_args(%scan3A_29 = %broadcast_in_dim3A_8, %scan3A_30 = %broadcast_in_dim3A_8) -> (vector<16xf32>, vector<16xf32>)  : i32 {
      %mul3A_31 = arith.constant 128 : i32
      %mul3A_32 = arith.muli %scan3A_28, %mul3A_31 : i32
      %add3A_33 = arith.constant 0 : i32
      %add3A_34 = arith.addi %mul3A_32, %add3A_33 : i32
      %get3A = arith.index_cast %add3A_34 : i32 to index
      %get3A_35 = tpu.vector_load %arg16[%get3A] {strides = array<i32>} : memref<256xf32, #tpu.memory_space<vmem>>, vector<16xf32>,
      %get3A_36 = vector.shape_cast %get3A_35 : vector<16xf32> to vector<16xf32>
      %add3A_37 = arith.constant 16 : i32
      %add3A_38 = arith.addi %mul3A_32, %add3A_37 : i32
      %get3A_39 = arith.index_cast %add3A_38 : i32 to index
      %get3A_40 = tpu.vector_load %arg16[%get3A_39] {strides = array<i32>} : memref<256xf32, #tpu.memory_space<vmem>>, vector<16xf32>,
      %get3A_41 = vector.shape_cast %get3A_40 : vector<16xf32> to vector<16xf32>
      %add3A_42 = arith.constant 32 : i32
      %add3A_43 = arith.addi %mul3A_32, %add3A_42 : i32
      %get3A_44 = arith.index_cast %add3A_43 : i32 to index
      %get3A_45 = tpu.vector_load %arg16[%get3A_44] {strides = array<i32>} : memref<256xf32, #tpu.memory_space<vmem>>, vector<16xf32>,
      %get3A_46 = vector.shape_cast %get3A_45 : vector<16xf32> to vector<16xf32>
      %add3A_47 = arith.constant 48 : i32
      %add3A_48 = arith.addi %mul3A_32, %add3A_47 : i32
      %get3A_49 = arith.index_cast %add3A_48 : i32 to index
      %get3A_50 = tpu.vector_load %arg16[%get3A_49] {strides = array<i32>} : memref<256xf32, #tpu.memory_space<vmem>>, vector<16xf32>,
      %get3A_51 = vector.shape_cast %get3A_50 : vector<16xf32> to vector<16xf32>
      %add3A_52 = arith.constant 64 : i32
      %add3A_53 = arith.addi %mul3A_32, %add3A_52 : i32
      %get3A_54 = arith.index_cast %add3A_53 : i32 to index
      %get3A_55 = tpu.vector_load %arg16[%get3A_54] {strides = array<i32>} : memref<256xf32, #tpu.memory_space<vmem>>, vector<16xf32>,
      %get3A_56 = vector.shape_cast %get3A_55 : vector<16xf32> to vector<16xf32>
      %add3A_57 = arith.constant 80 : i32
      %add3A_58 = arith.addi %mul3A_32, %add3A_57 : i32
      %get3A_59 = arith.index_cast %add3A_58 : i32 to index
      %get3A_60 = tpu.vector_load %arg16[%get3A_59] {strides = array<i32>} : memref<256xf32, #tpu.memory_space<vmem>>, vector<16xf32>,
      %get3A_61 = vector.shape_cast %get3A_60 : vector<16xf32> to vector<16xf32>
      %add3A_62 = arith.constant 96 : i32
      %add3A_63 = arith.addi %mul3A_32, %add3A_62 : i32
      %get3A_64 = arith.index_cast %add3A_63 : i32 to index
      %get3A_65 = tpu.vector_load %arg16[%get3A_64] {strides = array<i32>} : memref<256xf32, #tpu.memory_space<vmem>>, vector<16xf32>,
      %get3A_66 = vector.shape_cast %get3A_65 : vector<16xf32> to vector<16xf32>
      %add3A_67 = arith.constant 112 : i32
      %add3A_68 = arith.addi %mul3A_32, %add3A_67 : i32
      %get3A_69 = arith.index_cast %add3A_68 : i32 to index
      %get3A_70 = tpu.vector_load %arg16[%get3A_69] {strides = array<i32>} : memref<256xf32, #tpu.memory_space<vmem>>, vector<16xf32>,
      %get3A_71 = vector.shape_cast %get3A_70 : vector<16xf32> to vector<16xf32>
      %add3A_72 = arith.constant 0 : i32
      %add3A_73 = arith.addi %mul3A_32, %add3A_72 : i32
      %get3A_74 = arith.index_cast %add3A_73 : i32 to index
      %get3A_75 = tpu.vector_load %arg17[%get3A_74] {strides = array<i32>} : memref<256xf32, #tpu.memory_space<vmem>>, vector<16xf32>,
      %get3A_76 = vector.shape_cast %get3A_75 : vector<16xf32> to vector<16xf32>
      %add3A_77 = arith.constant 16 : i32
      %add3A_78 = arith.addi %mul3A_32, %add3A_77 : i32
      %get3A_79 = arith.index_cast %add3A_78 : i32 to index
      %get3A_80 = tpu.vector_load %arg17[%get3A_79] {strides = array<i32>} : memref<256xf32, #tpu.memory_space<vmem>>, vector<16xf32>,
      %get3A_81 = vector.shape_cast %get3A_80 : vector<16xf32> to vector<16xf32>
      %add3A_82 = arith.constant 32 : i32
      %add3A_83 = arith.addi %mul3A_32, %add3A_82 : i32
      %get3A_84 = arith.index_cast %add3A_83 : i32 to index
      %get3A_85 = tpu.vector_load %arg17[%get3A_84] {strides = array<i32>} : memref<256xf32, #tpu.memory_space<vmem>>, vector<16xf32>,
      %get3A_86 = vector.shape_cast %get3A_85 : vector<16xf32> to vector<16xf32>
      %add3A_87 = arith.constant 48 : i32
      %add3A_88 = arith.addi %mul3A_32, %add3A_87 : i32
      %get3A_89 = arith.index_cast %add3A_88 : i32 to index
      %get3A_90 = tpu.vector_load %arg17[%get3A_89] {strides = array<i32>} : memref<256xf32, #tpu.memory_space<vmem>>, vector<16xf32>,
      %get3A_91 = vector.shape_cast %get3A_90 : vector<16xf32> to vector<16xf32>
      %add3A_92 = arith.constant 64 : i32
      %add3A_93 = arith.addi %mul3A_32, %add3A_92 : i32
      %get3A_94 = arith.index_cast %add3A_93 : i32 to index
      %get3A_95 = tpu.vector_load %arg17[%get3A_94] {strides = array<i32>} : memref<256xf32, #tpu.memory_space<vmem>>, vector<16xf32>,
      %get3A_96 = vector.shape_cast %get3A_95 : vector<16xf32> to vector<16xf32>
      %add3A_97 = arith.constant 80 : i32
      %add3A_98 = arith.addi %mul3A_32, %add3A_97 : i32
      %get3A_99 = arith.index_cast %add3A_98 : i32 to index
      %get3A_100 = tpu.vector_load %arg17[%get3A_99] {strides = array<i32>} : memref<256xf32, #tpu.memory_space<vmem>>, vector<16xf32>,
      %get3A_101 = vector.shape_cast %get3A_100 : vector<16xf32> to vector<16xf32>
      %add3A_102 = arith.constant 96 : i32
      %add3A_103 = arith.addi %mul3A_32, %add3A_102 : i32
      %get3A_104 = arith.index_cast %add3A_103 : i32 to index
      %get3A_105 = tpu.vector_load %arg17[%get3A_104] {strides = array<i32>} : memref<256xf32, #tpu.memory_space<vmem>>, vector<16xf32>,
      %get3A_106 = vector.shape_cast %get3A_105 : vector<16xf32> to vector<16xf32>
      %add3A_107 = arith.constant 112 : i32
      %add3A_108 = arith.addi %mul3A_32, %add3A_107 : i32
      %get3A_109 = arith.index_cast %add3A_108 : i32 to index
      %get3A_110 = tpu.vector_load %arg17[%get3A_109] {strides = array<i32>} : memref<256xf32, #tpu.memory_space<vmem>>, vector<16xf32>,
      %get3A_111 = vector.shape_cast %get3A_110 : vector<16xf32> to vector<16xf32>
      %add3A_112 = arith.constant 0 : i32
      %add3A_113 = arith.addi %mul3A_32, %add3A_112 : i32
      %get3A_114 = arith.index_cast %add3A_113 : i32 to index
      %get3A_115 = tpu.vector_load %arg18[%get3A_114] {strides = array<i32>} : memref<256xf32, #tpu.memory_space<vmem>>, vector<16xf32>,
      %get3A_116 = vector.shape_cast %get3A_115 : vector<16xf32> to vector<16xf32>
      %add3A_117 = arith.constant 16 : i32
      %add3A_118 = arith.addi %mul3A_32, %add3A_117 : i32
      %get3A_119 = arith.index_cast %add3A_118 : i32 to index
      %get3A_120 = tpu.vector_load %arg18[%get3A_119] {strides = array<i32>} : memref<256xf32, #tpu.memory_space<vmem>>, vector<16xf32>,
      %get3A_121 = vector.shape_cast %get3A_120 : vector<16xf32> to vector<16xf32>
      %add3A_122 = arith.constant 32 : i32
      %add3A_123 = arith.addi %mul3A_32, %add3A_122 : i32
      %get3A_124 = arith.index_cast %add3A_123 : i32 to index
      %get3A_125 = tpu.vector_load %arg18[%get3A_124] {strides = array<i32>} : memref<256xf32, #tpu.memory_space<vmem>>, vector<16xf32>,
      %get3A_126 = vector.shape_cast %get3A_125 : vector<16xf32> to vector<16xf32>
      %add3A_127 = arith.constant 48 : i32
      %add3A_128 = arith.addi %mul3A_32, %add3A_127 : i32
      %get3A_129 = arith.index_cast %add3A_128 : i32 to index
      %get3A_130 = tpu.vector_load %arg18[%get3A_129] {strides = array<i32>} : memref<256xf32, #tpu.memory_space<vmem>>, vector<16xf32>,
      %get3A_131 = vector.shape_cast %get3A_130 : vector<16xf32> to vector<16xf32>
      %add3A_132 = arith.constant 64 : i32
      %add3A_133 = arith.addi %mul3A_32, %add3A_132 : i32
      %get3A_134 = arith.index_cast %add3A_133 : i32 to index
      %get3A_135 = tpu.vector_load %arg18[%get3A_134] {strides = array<i32>} : memref<256xf32, #tpu.memory_space<vmem>>, vector<16xf32>,
      %get3A_136 = vector.shape_cast %get3A_135 : vector<16xf32> to vector<16xf32>
      %add3A_137 = arith.constant 80 : i32
      %add3A_138 = arith.addi %mul3A_32, %add3A_137 : i32
      %get3A_139 = arith.index_cast %add3A_138 : i32 to index
      %get3A_140 = tpu.vector_load %arg18[%get3A_139] {strides = array<i32>} : memref<256xf32, #tpu.memory_space<vmem>>, vector<16xf32>,
      %get3A_141 = vector.shape_cast %get3A_140 : vector<16xf32> to vector<16xf32>
      %add3A_142 = arith.constant 96 : i32
      %add3A_143 = arith.addi %mul3A_32, %add3A_142 : i32
      %get3A_144 = arith.index_cast %add3A_143 : i32 to index
      %get3A_145 = tpu.vector_load %arg18[%get3A_144] {strides = array<i32>} : memref<256xf32, #tpu.memory_space<vmem>>, vector<16xf32>,
      %get3A_146 = vector.shape_cast %get3A_145 : vector<16xf32> to vector<16xf32>
      %add3A_147 = arith.constant 112 : i32
      %add3A_148 = arith.addi %mul3A_32, %add3A_147 : i32
      %get3A_149 = arith.index_cast %add3A_148 : i32 to index
      %get3A_150 = tpu.vector_load %arg18[%get3A_149] {strides = array<i32>} : memref<256xf32, #tpu.memory_space<vmem>>, vector<16xf32>,
      %get3A_151 = vector.shape_cast %get3A_150 : vector<16xf32> to vector<16xf32>
      %scan3A_152 = arith.constant 0 : i32
      %scan3A_153 = arith.constant 128 : i32
      %scan3A_154 = arith.addi %scan3A_152, %scan3A_153 : i32
      %scan3A_155 = arith.constant 1 : i32
      %scan3A_156:16 = scf.for %scan3A_291 = %scan3A_152 to %scan3A_154 step %scan3A_155 iter_args(%scan3A_292 = %broadcast_in_dim3A_8, %scan3A_293 = %broadcast_in_dim3A_8, %scan3A_294 = %broadcast_in_dim3A_8, %scan3A_295 = %broadcast_in_dim3A_8, %scan3A_296 = %broadcast_in_dim3A_8, %scan3A_297 = %broadcast_in_dim3A_8, %scan3A_298 = %broadcast_in_dim3A_8, %scan3A_299 = %broadcast_in_dim3A_8, %scan3A_300 = %broadcast_in_dim3A_10, %scan3A_301 = %broadcast_in_dim3A_10, %scan3A_302 = %broadcast_in_dim3A_10, %scan3A_303 = %broadcast_in_dim3A_10, %scan3A_304 = %broadcast_in_dim3A_10, %scan3A_305 = %broadcast_in_dim3A_10, %scan3A_306 = %broadcast_in_dim3A_10, %scan3A_307 = %broadcast_in_dim3A_10) -> (vector<16xf32>, vector<16xf32>, vector<16xf32>, vector<16xf32>, vector<16xf32>, vector<16xf32>, vector<16xf32>, vector<16xf32>, vector<16xf32>, vector<16xf32>, vector<16xf32>, vector<16xf32>, vector<16xf32>, vector<16xf32>, vector<16xf32>, vector<16xf32>)  : i32 {
        %mul3A_308 = arith.constant 16 : i32
        %mul3A_309 = arith.muli %scan3A_291, %mul3A_308 : i32
        %get3A_310 = arith.index_cast %mul3A_309 : i32 to index
        %get3A_311 = tpu.vector_load %arg12[%get3A_310] {strides = array<i32>} : memref<2048xf32, #tpu.memory_space<vmem>>, vector<16xf32>,
        %get3A_312 = vector.shape_cast %get3A_311 : vector<16xf32> to vector<16xf32>
        %get3A_313 = arith.index_cast %mul3A_309 : i32 to index
        %get3A_314 = tpu.vector_load %arg13[%get3A_313] {strides = array<i32>} : memref<2048xf32, #tpu.memory_space<vmem>>, vector<16xf32>,
        %get3A_315 = vector.shape_cast %get3A_314 : vector<16xf32> to vector<16xf32>
        %slice3A = vector.extract_strided_slice %get3A_312 {offsets = [0], sizes = [1], strides = [1]} : vector<16xf32> to vector<1xf32>
        %squeeze3A = vector.extract %slice3A[0] : f32 from vector<1xf32>
        %slice3A_316 = vector.extract_strided_slice %get3A_315 {offsets = [0], sizes = [1], strides = [1]} : vector<16xf32> to vector<1xf32>
        %squeeze3A_317 = vector.extract %slice3A_316[0] : f32 from vector<1xf32>
        %sub3A_318 = arith.subf %squeeze3A_317, %squeeze3A : f32
        %max3A = vector.broadcast %squeeze3A : f32 to vector<16xf32>
        %max3A_319 = arith.maximumf %get3A_36, %max3A : vector<16xf32>
        %min3A = vector.broadcast %squeeze3A_317 : f32 to vector<16xf32>
        %min3A_320 = arith.minimumf %get3A_76, %min3A : vector<16xf32>
        %sub3A_321 = arith.subf %min3A_320, %max3A_319 : vector<16xf32>
        %add3A_322 = vector.broadcast %sub3A_318 : f32 to vector<16xf32>
        %add3A_323 = arith.addf %get3A_116, %add3A_322 : vector<16xf32>
        %mul3A_324 = arith.mulf %sub3A_321, %scan3A_300 : vector<16xf32>
        %mul3A_325 = arith.mulf %scan3A_292, %add3A_323 : vector<16xf32>
        %gt3A = arith.cmpf ogt, %mul3A_324, %mul3A_325 : vector<16xf32>
        %select_n3A = arith.select %gt3A, %sub3A_321, %scan3A_292 : vector<16xi1>, vector<16xf32>
        %select_n3A_326 = arith.select %gt3A, %add3A_323, %scan3A_300 : vector<16xi1>, vector<16xf32>
        %max3A_327 = vector.broadcast %squeeze3A : f32 to vector<16xf32>
        %max3A_328 = arith.maximumf %get3A_41, %max3A_327 : vector<16xf32>
        %min3A_329 = vector.broadcast %squeeze3A_317 : f32 to vector<16xf32>
        %min3A_330 = arith.minimumf %get3A_81, %min3A_329 : vector<16xf32>
        %sub3A_331 = arith.subf %min3A_330, %max3A_328 : vector<16xf32>
        %add3A_332 = vector.broadcast %sub3A_318 : f32 to vector<16xf32>
        %add3A_333 = arith.addf %get3A_121, %add3A_332 : vector<16xf32>
        %mul3A_334 = arith.mulf %sub3A_331, %scan3A_301 : vector<16xf32>
        %mul3A_335 = arith.mulf %scan3A_293, %add3A_333 : vector<16xf32>
        %gt3A_336 = arith.cmpf ogt, %mul3A_334, %mul3A_335 : vector<16xf32>
        %select_n3A_337 = arith.select %gt3A_336, %sub3A_331, %scan3A_293 : vector<16xi1>, vector<16xf32>
        %select_n3A_338 = arith.select %gt3A_336, %add3A_333, %scan3A_301 : vector<16xi1>, vector<16xf32>
        %max3A_339 = vector.broadcast %squeeze3A : f32 to vector<16xf32>
        %max3A_340 = arith.maximumf %get3A_46, %max3A_339 : vector<16xf32>
        %min3A_341 = vector.broadcast %squeeze3A_317 : f32 to vector<16xf32>
        %min3A_342 = arith.minimumf %get3A_86, %min3A_341 : vector<16xf32>
        %sub3A_343 = arith.subf %min3A_342, %max3A_340 : vector<16xf32>
        %add3A_344 = vector.broadcast %sub3A_318 : f32 to vector<16xf32>
        %add3A_345 = arith.addf %get3A_126, %add3A_344 : vector<16xf32>
        %mul3A_346 = arith.mulf %sub3A_343, %scan3A_302 : vector<16xf32>
        %mul3A_347 = arith.mulf %scan3A_294, %add3A_345 : vector<16xf32>
        %gt3A_348 = arith.cmpf ogt, %mul3A_346, %mul3A_347 : vector<16xf32>
        %select_n3A_349 = arith.select %gt3A_348, %sub3A_343, %scan3A_294 : vector<16xi1>, vector<16xf32>
        %select_n3A_350 = arith.select %gt3A_348, %add3A_345, %scan3A_302 : vector<16xi1>, vector<16xf32>
        %max3A_351 = vector.broadcast %squeeze3A : f32 to vector<16xf32>
        %max3A_352 = arith.maximumf %get3A_51, %max3A_351 : vector<16xf32>
        %min3A_353 = vector.broadcast %squeeze3A_317 : f32 to vector<16xf32>
        %min3A_354 = arith.minimumf %get3A_91, %min3A_353 : vector<16xf32>
        %sub3A_355 = arith.subf %min3A_354, %max3A_352 : vector<16xf32>
        %add3A_356 = vector.broadcast %sub3A_318 : f32 to vector<16xf32>
        %add3A_357 = arith.addf %get3A_131, %add3A_356 : vector<16xf32>
        %mul3A_358 = arith.mulf %sub3A_355, %scan3A_303 : vector<16xf32>
        %mul3A_359 = arith.mulf %scan3A_295, %add3A_357 : vector<16xf32>
        %gt3A_360 = arith.cmpf ogt, %mul3A_358, %mul3A_359 : vector<16xf32>
        %select_n3A_361 = arith.select %gt3A_360, %sub3A_355, %scan3A_295 : vector<16xi1>, vector<16xf32>
        %select_n3A_362 = arith.select %gt3A_360, %add3A_357, %scan3A_303 : vector<16xi1>, vector<16xf32>
        %max3A_363 = vector.broadcast %squeeze3A : f32 to vector<16xf32>
        %max3A_364 = arith.maximumf %get3A_56, %max3A_363 : vector<16xf32>
        %min3A_365 = vector.broadcast %squeeze3A_317 : f32 to vector<16xf32>
        %min3A_366 = arith.minimumf %get3A_96, %min3A_365 : vector<16xf32>
        %sub3A_367 = arith.subf %min3A_366, %max3A_364 : vector<16xf32>
        %add3A_368 = vector.broadcast %sub3A_318 : f32 to vector<16xf32>
        %add3A_369 = arith.addf %get3A_136, %add3A_368 : vector<16xf32>
        %mul3A_370 = arith.mulf %sub3A_367, %scan3A_304 : vector<16xf32>
        %mul3A_371 = arith.mulf %scan3A_296, %add3A_369 : vector<16xf32>
        %gt3A_372 = arith.cmpf ogt, %mul3A_370, %mul3A_371 : vector<16xf32>
        %select_n3A_373 = arith.select %gt3A_372, %sub3A_367, %scan3A_296 : vector<16xi1>, vector<16xf32>
        %select_n3A_374 = arith.select %gt3A_372, %add3A_369, %scan3A_304 : vector<16xi1>, vector<16xf32>
        %max3A_375 = vector.broadcast %squeeze3A : f32 to vector<16xf32>
        %max3A_376 = arith.maximumf %get3A_61, %max3A_375 : vector<16xf32>
        %min3A_377 = vector.broadcast %squeeze3A_317 : f32 to vector<16xf32>
        %min3A_378 = arith.minimumf %get3A_101, %min3A_377 : vector<16xf32>
        %sub3A_379 = arith.subf %min3A_378, %max3A_376 : vector<16xf32>
        %add3A_380 = vector.broadcast %sub3A_318 : f32 to vector<16xf32>
        %add3A_381 = arith.addf %get3A_141, %add3A_380 : vector<16xf32>
        %mul3A_382 = arith.mulf %sub3A_379, %scan3A_305 : vector<16xf32>
        %mul3A_383 = arith.mulf %scan3A_297, %add3A_381 : vector<16xf32>
        %gt3A_384 = arith.cmpf ogt, %mul3A_382, %mul3A_383 : vector<16xf32>
        %select_n3A_385 = arith.select %gt3A_384, %sub3A_379, %scan3A_297 : vector<16xi1>, vector<16xf32>
        %select_n3A_386 = arith.select %gt3A_384, %add3A_381, %scan3A_305 : vector<16xi1>, vector<16xf32>
        %max3A_387 = vector.broadcast %squeeze3A : f32 to vector<16xf32>
        %max3A_388 = arith.maximumf %get3A_66, %max3A_387 : vector<16xf32>
        %min3A_389 = vector.broadcast %squeeze3A_317 : f32 to vector<16xf32>
        %min3A_390 = arith.minimumf %get3A_106, %min3A_389 : vector<16xf32>
        %sub3A_391 = arith.subf %min3A_390, %max3A_388 : vector<16xf32>
        %add3A_392 = vector.broadcast %sub3A_318 : f32 to vector<16xf32>
        %add3A_393 = arith.addf %get3A_146, %add3A_392 : vector<16xf32>
        %mul3A_394 = arith.mulf %sub3A_391, %scan3A_306 : vector<16xf32>
        %mul3A_395 = arith.mulf %scan3A_298, %add3A_393 : vector<16xf32>
        %gt3A_396 = arith.cmpf ogt, %mul3A_394, %mul3A_395 : vector<16xf32>
        %select_n3A_397 = arith.select %gt3A_396, %sub3A_391, %scan3A_298 : vector<16xi1>, vector<16xf32>
        %select_n3A_398 = arith.select %gt3A_396, %add3A_393, %scan3A_306 : vector<16xi1>, vector<16xf32>
        %max3A_399 = vector.broadcast %squeeze3A : f32 to vector<16xf32>
        %max3A_400 = arith.maximumf %get3A_71, %max3A_399 : vector<16xf32>
        %min3A_401 = vector.broadcast %squeeze3A_317 : f32 to vector<16xf32>
        %min3A_402 = arith.minimumf %get3A_111, %min3A_401 : vector<16xf32>
        %sub3A_403 = arith.subf %min3A_402, %max3A_400 : vector<16xf32>
        %add3A_404 = vector.broadcast %sub3A_318 : f32 to vector<16xf32>
        %add3A_405 = arith.addf %get3A_151, %add3A_404 : vector<16xf32>
        %mul3A_406 = arith.mulf %sub3A_403, %scan3A_307 : vector<16xf32>
        %mul3A_407 = arith.mulf %scan3A_299, %add3A_405 : vector<16xf32>
        %gt3A_408 = arith.cmpf ogt, %mul3A_406, %mul3A_407 : vector<16xf32>
        %select_n3A_409 = arith.select %gt3A_408, %sub3A_403, %scan3A_299 : vector<16xi1>, vector<16xf32>
        %select_n3A_410 = arith.select %gt3A_408, %add3A_405, %scan3A_307 : vector<16xi1>, vector<16xf32>
        %slice3A_411 = vector.extract_strided_slice %get3A_312 {offsets = [1], sizes = [1], strides = [1]} : vector<16xf32> to vector<1xf32>
        %squeeze3A_412 = vector.extract %slice3A_411[0] : f32 from vector<1xf32>
        %slice3A_413 = vector.extract_strided_slice %get3A_315 {offsets = [1], sizes = [1], strides = [1]} : vector<16xf32> to vector<1xf32>
        %squeeze3A_414 = vector.extract %slice3A_413[0] : f32 from vector<1xf32>
        %sub3A_415 = arith.subf %squeeze3A_414, %squeeze3A_412 : f32
        %max3A_416 = vector.broadcast %squeeze3A_412 : f32 to vector<16xf32>
        %max3A_417 = arith.maximumf %get3A_36, %max3A_416 : vector<16xf32>
        %min3A_418 = vector.broadcast %squeeze3A_414 : f32 to vector<16xf32>
        %min3A_419 = arith.minimumf %get3A_76, %min3A_418 : vector<16xf32>
        %sub3A_420 = arith.subf %min3A_419, %max3A_417 : vector<16xf32>
        %add3A_421 = vector.broadcast %sub3A_415 : f32 to vector<16xf32>
        %add3A_422 = arith.addf %get3A_116, %add3A_421 : vector<16xf32>
        %mul3A_423 = arith.mulf %sub3A_420, %select_n3A_326 : vector<16xf32>
        %mul3A_424 = arith.mulf %select_n3A, %add3A_422 : vector<16xf32>
        %gt3A_425 = arith.cmpf ogt, %mul3A_423, %mul3A_424 : vector<16xf32>
        %select_n3A_426 = arith.select %gt3A_425, %sub3A_420, %select_n3A : vector<16xi1>, vector<16xf32>
        %select_n3A_427 = arith.select %gt3A_425, %add3A_422, %select_n3A_326 : vector<16xi1>, vector<16xf32>
        %max3A_428 = vector.broadcast %squeeze3A_412 : f32 to vector<16xf32>
        %max3A_429 = arith.maximumf %get3A_41, %max3A_428 : vector<16xf32>
        %min3A_430 = vector.broadcast %squeeze3A_414 : f32 to vector<16xf32>
        %min3A_431 = arith.minimumf %get3A_81, %min3A_430 : vector<16xf32>
        %sub3A_432 = arith.subf %min3A_431, %max3A_429 : vector<16xf32>
        %add3A_433 = vector.broadcast %sub3A_415 : f32 to vector<16xf32>
        %add3A_434 = arith.addf %get3A_121, %add3A_433 : vector<16xf32>
        %mul3A_435 = arith.mulf %sub3A_432, %select_n3A_338 : vector<16xf32>
        %mul3A_436 = arith.mulf %select_n3A_337, %add3A_434 : vector<16xf32>
        %gt3A_437 = arith.cmpf ogt, %mul3A_435, %mul3A_436 : vector<16xf32>
        %select_n3A_438 = arith.select %gt3A_437, %sub3A_432, %select_n3A_337 : vector<16xi1>, vector<16xf32>
        %select_n3A_439 = arith.select %gt3A_437, %add3A_434, %select_n3A_338 : vector<16xi1>, vector<16xf32>
        %max3A_440 = vector.broadcast %squeeze3A_412 : f32 to vector<16xf32>
        %max3A_441 = arith.maximumf %get3A_46, %max3A_440 : vector<16xf32>
        %min3A_442 = vector.broadcast %squeeze3A_414 : f32 to vector<16xf32>
        %min3A_443 = arith.minimumf %get3A_86, %min3A_442 : vector<16xf32>
        %sub3A_444 = arith.subf %min3A_443, %max3A_441 : vector<16xf32>
        %add3A_445 = vector.broadcast %sub3A_415 : f32 to vector<16xf32>
        %add3A_446 = arith.addf %get3A_126, %add3A_445 : vector<16xf32>
        %mul3A_447 = arith.mulf %sub3A_444, %select_n3A_350 : vector<16xf32>
        %mul3A_448 = arith.mulf %select_n3A_349, %add3A_446 : vector<16xf32>
        %gt3A_449 = arith.cmpf ogt, %mul3A_447, %mul3A_448 : vector<16xf32>
        %select_n3A_450 = arith.select %gt3A_449, %sub3A_444, %select_n3A_349 : vector<16xi1>, vector<16xf32>
        %select_n3A_451 = arith.select %gt3A_449, %add3A_446, %select_n3A_350 : vector<16xi1>, vector<16xf32>
        %max3A_452 = vector.broadcast %squeeze3A_412 : f32 to vector<16xf32>
        %max3A_453 = arith.maximumf %get3A_51, %max3A_452 : vector<16xf32>
        %min3A_454 = vector.broadcast %squeeze3A_414 : f32 to vector<16xf32>
        %min3A_455 = arith.minimumf %get3A_91, %min3A_454 : vector<16xf32>
        %sub3A_456 = arith.subf %min3A_455, %max3A_453 : vector<16xf32>
        %add3A_457 = vector.broadcast %sub3A_415 : f32 to vector<16xf32>
        %add3A_458 = arith.addf %get3A_131, %add3A_457 : vector<16xf32>
        %mul3A_459 = arith.mulf %sub3A_456, %select_n3A_362 : vector<16xf32>
        %mul3A_460 = arith.mulf %select_n3A_361, %add3A_458 : vector<16xf32>
        %gt3A_461 = arith.cmpf ogt, %mul3A_459, %mul3A_460 : vector<16xf32>
        %select_n3A_462 = arith.select %gt3A_461, %sub3A_456, %select_n3A_361 : vector<16xi1>, vector<16xf32>
        %select_n3A_463 = arith.select %gt3A_461, %add3A_458, %select_n3A_362 : vector<16xi1>, vector<16xf32>
        %max3A_464 = vector.broadcast %squeeze3A_412 : f32 to vector<16xf32>
        %max3A_465 = arith.maximumf %get3A_56, %max3A_464 : vector<16xf32>
        %min3A_466 = vector.broadcast %squeeze3A_414 : f32 to vector<16xf32>
        %min3A_467 = arith.minimumf %get3A_96, %min3A_466 : vector<16xf32>
        %sub3A_468 = arith.subf %min3A_467, %max3A_465 : vector<16xf32>
        %add3A_469 = vector.broadcast %sub3A_415 : f32 to vector<16xf32>
        %add3A_470 = arith.addf %get3A_136, %add3A_469 : vector<16xf32>
        %mul3A_471 = arith.mulf %sub3A_468, %select_n3A_374 : vector<16xf32>
        %mul3A_472 = arith.mulf %select_n3A_373, %add3A_470 : vector<16xf32>
        %gt3A_473 = arith.cmpf ogt, %mul3A_471, %mul3A_472 : vector<16xf32>
        %select_n3A_474 = arith.select %gt3A_473, %sub3A_468, %select_n3A_373 : vector<16xi1>, vector<16xf32>
        %select_n3A_475 = arith.select %gt3A_473, %add3A_470, %select_n3A_374 : vector<16xi1>, vector<16xf32>
        %max3A_476 = vector.broadcast %squeeze3A_412 : f32 to vector<16xf32>
        %max3A_477 = arith.maximumf %get3A_61, %max3A_476 : vector<16xf32>
        %min3A_478 = vector.broadcast %squeeze3A_414 : f32 to vector<16xf32>
        %min3A_479 = arith.minimumf %get3A_101, %min3A_478 : vector<16xf32>
        %sub3A_480 = arith.subf %min3A_479, %max3A_477 : vector<16xf32>
        %add3A_481 = vector.broadcast %sub3A_415 : f32 to vector<16xf32>
        %add3A_482 = arith.addf %get3A_141, %add3A_481 : vector<16xf32>
        %mul3A_483 = arith.mulf %sub3A_480, %select_n3A_386 : vector<16xf32>
        %mul3A_484 = arith.mulf %select_n3A_385, %add3A_482 : vector<16xf32>
        %gt3A_485 = arith.cmpf ogt, %mul3A_483, %mul3A_484 : vector<16xf32>
        %select_n3A_486 = arith.select %gt3A_485, %sub3A_480, %select_n3A_385 : vector<16xi1>, vector<16xf32>
        %select_n3A_487 = arith.select %gt3A_485, %add3A_482, %select_n3A_386 : vector<16xi1>, vector<16xf32>
        %max3A_488 = vector.broadcast %squeeze3A_412 : f32 to vector<16xf32>
        %max3A_489 = arith.maximumf %get3A_66, %max3A_488 : vector<16xf32>
        %min3A_490 = vector.broadcast %squeeze3A_414 : f32 to vector<16xf32>
        %min3A_491 = arith.minimumf %get3A_106, %min3A_490 : vector<16xf32>
        %sub3A_492 = arith.subf %min3A_491, %max3A_489 : vector<16xf32>
        %add3A_493 = vector.broadcast %sub3A_415 : f32 to vector<16xf32>
        %add3A_494 = arith.addf %get3A_146, %add3A_493 : vector<16xf32>
        %mul3A_495 = arith.mulf %sub3A_492, %select_n3A_398 : vector<16xf32>
        %mul3A_496 = arith.mulf %select_n3A_397, %add3A_494 : vector<16xf32>
        %gt3A_497 = arith.cmpf ogt, %mul3A_495, %mul3A_496 : vector<16xf32>
        %select_n3A_498 = arith.select %gt3A_497, %sub3A_492, %select_n3A_397 : vector<16xi1>, vector<16xf32>
        %select_n3A_499 = arith.select %gt3A_497, %add3A_494, %select_n3A_398 : vector<16xi1>, vector<16xf32>
        %max3A_500 = vector.broadcast %squeeze3A_412 : f32 to vector<16xf32>
        %max3A_501 = arith.maximumf %get3A_71, %max3A_500 : vector<16xf32>
        %min3A_502 = vector.broadcast %squeeze3A_414 : f32 to vector<16xf32>
        %min3A_503 = arith.minimumf %get3A_111, %min3A_502 : vector<16xf32>
        %sub3A_504 = arith.subf %min3A_503, %max3A_501 : vector<16xf32>
        %add3A_505 = vector.broadcast %sub3A_415 : f32 to vector<16xf32>
        %add3A_506 = arith.addf %get3A_151, %add3A_505 : vector<16xf32>
        %mul3A_507 = arith.mulf %sub3A_504, %select_n3A_410 : vector<16xf32>
        %mul3A_508 = arith.mulf %select_n3A_409, %add3A_506 : vector<16xf32>
        %gt3A_509 = arith.cmpf ogt, %mul3A_507, %mul3A_508 : vector<16xf32>
        %select_n3A_510 = arith.select %gt3A_509, %sub3A_504, %select_n3A_409 : vector<16xi1>, vector<16xf32>
        %select_n3A_511 = arith.select %gt3A_509, %add3A_506, %select_n3A_410 : vector<16xi1>, vector<16xf32>
        %slice3A_512 = vector.extract_strided_slice %get3A_312 {offsets = [2], sizes = [1], strides = [1]} : vector<16xf32> to vector<1xf32>
        %squeeze3A_513 = vector.extract %slice3A_512[0] : f32 from vector<1xf32>
        %slice3A_514 = vector.extract_strided_slice %get3A_315 {offsets = [2], sizes = [1], strides = [1]} : vector<16xf32> to vector<1xf32>
        %squeeze3A_515 = vector.extract %slice3A_514[0] : f32 from vector<1xf32>
        %sub3A_516 = arith.subf %squeeze3A_515, %squeeze3A_513 : f32
        %max3A_517 = vector.broadcast %squeeze3A_513 : f32 to vector<16xf32>
        %max3A_518 = arith.maximumf %get3A_36, %max3A_517 : vector<16xf32>
        %min3A_519 = vector.broadcast %squeeze3A_515 : f32 to vector<16xf32>
        %min3A_520 = arith.minimumf %get3A_76, %min3A_519 : vector<16xf32>
        %sub3A_521 = arith.subf %min3A_520, %max3A_518 : vector<16xf32>
        %add3A_522 = vector.broadcast %sub3A_516 : f32 to vector<16xf32>
        %add3A_523 = arith.addf %get3A_116, %add3A_522 : vector<16xf32>
        %mul3A_524 = arith.mulf %sub3A_521, %select_n3A_427 : vector<16xf32>
        %mul3A_525 = arith.mulf %select_n3A_426, %add3A_523 : vector<16xf32>
        %gt3A_526 = arith.cmpf ogt, %mul3A_524, %mul3A_525 : vector<16xf32>
        %select_n3A_527 = arith.select %gt3A_526, %sub3A_521, %select_n3A_426 : vector<16xi1>, vector<16xf32>
        %select_n3A_528 = arith.select %gt3A_526, %add3A_523, %select_n3A_427 : vector<16xi1>, vector<16xf32>
        %max3A_529 = vector.broadcast %squeeze3A_513 : f32 to vector<16xf32>
        %max3A_530 = arith.maximumf %get3A_41, %max3A_529 : vector<16xf32>
        %min3A_531 = vector.broadcast %squeeze3A_515 : f32 to vector<16xf32>
        %min3A_532 = arith.minimumf %get3A_81, %min3A_531 : vector<16xf32>
        %sub3A_533 = arith.subf %min3A_532, %max3A_530 : vector<16xf32>
        %add3A_534 = vector.broadcast %sub3A_516 : f32 to vector<16xf32>
        %add3A_535 = arith.addf %get3A_121, %add3A_534 : vector<16xf32>
        %mul3A_536 = arith.mulf %sub3A_533, %select_n3A_439 : vector<16xf32>
        %mul3A_537 = arith.mulf %select_n3A_438, %add3A_535 : vector<16xf32>
        %gt3A_538 = arith.cmpf ogt, %mul3A_536, %mul3A_537 : vector<16xf32>
        %select_n3A_539 = arith.select %gt3A_538, %sub3A_533, %select_n3A_438 : vector<16xi1>, vector<16xf32>
        %select_n3A_540 = arith.select %gt3A_538, %add3A_535, %select_n3A_439 : vector<16xi1>, vector<16xf32>
        %max3A_541 = vector.broadcast %squeeze3A_513 : f32 to vector<16xf32>
        %max3A_542 = arith.maximumf %get3A_46, %max3A_541 : vector<16xf32>
        %min3A_543 = vector.broadcast %squeeze3A_515 : f32 to vector<16xf32>
        %min3A_544 = arith.minimumf %get3A_86, %min3A_543 : vector<16xf32>
        %sub3A_545 = arith.subf %min3A_544, %max3A_542 : vector<16xf32>
        %add3A_546 = vector.broadcast %sub3A_516 : f32 to vector<16xf32>
        %add3A_547 = arith.addf %get3A_126, %add3A_546 : vector<16xf32>
        %mul3A_548 = arith.mulf %sub3A_545, %select_n3A_451 : vector<16xf32>
        %mul3A_549 = arith.mulf %select_n3A_450, %add3A_547 : vector<16xf32>
        %gt3A_550 = arith.cmpf ogt, %mul3A_548, %mul3A_549 : vector<16xf32>
        %select_n3A_551 = arith.select %gt3A_550, %sub3A_545, %select_n3A_450 : vector<16xi1>, vector<16xf32>
        %select_n3A_552 = arith.select %gt3A_550, %add3A_547, %select_n3A_451 : vector<16xi1>, vector<16xf32>
        %max3A_553 = vector.broadcast %squeeze3A_513 : f32 to vector<16xf32>
        %max3A_554 = arith.maximumf %get3A_51, %max3A_553 : vector<16xf32>
        %min3A_555 = vector.broadcast %squeeze3A_515 : f32 to vector<16xf32>
        %min3A_556 = arith.minimumf %get3A_91, %min3A_555 : vector<16xf32>
        %sub3A_557 = arith.subf %min3A_556, %max3A_554 : vector<16xf32>
        %add3A_558 = vector.broadcast %sub3A_516 : f32 to vector<16xf32>
        %add3A_559 = arith.addf %get3A_131, %add3A_558 : vector<16xf32>
        %mul3A_560 = arith.mulf %sub3A_557, %select_n3A_463 : vector<16xf32>
        %mul3A_561 = arith.mulf %select_n3A_462, %add3A_559 : vector<16xf32>
        %gt3A_562 = arith.cmpf ogt, %mul3A_560, %mul3A_561 : vector<16xf32>
        %select_n3A_563 = arith.select %gt3A_562, %sub3A_557, %select_n3A_462 : vector<16xi1>, vector<16xf32>
        %select_n3A_564 = arith.select %gt3A_562, %add3A_559, %select_n3A_463 : vector<16xi1>, vector<16xf32>
        %max3A_565 = vector.broadcast %squeeze3A_513 : f32 to vector<16xf32>
        %max3A_566 = arith.maximumf %get3A_56, %max3A_565 : vector<16xf32>
        %min3A_567 = vector.broadcast %squeeze3A_515 : f32 to vector<16xf32>
        %min3A_568 = arith.minimumf %get3A_96, %min3A_567 : vector<16xf32>
        %sub3A_569 = arith.subf %min3A_568, %max3A_566 : vector<16xf32>
        %add3A_570 = vector.broadcast %sub3A_516 : f32 to vector<16xf32>
        %add3A_571 = arith.addf %get3A_136, %add3A_570 : vector<16xf32>
        %mul3A_572 = arith.mulf %sub3A_569, %select_n3A_475 : vector<16xf32>
        %mul3A_573 = arith.mulf %select_n3A_474, %add3A_571 : vector<16xf32>
        %gt3A_574 = arith.cmpf ogt, %mul3A_572, %mul3A_573 : vector<16xf32>
        %select_n3A_575 = arith.select %gt3A_574, %sub3A_569, %select_n3A_474 : vector<16xi1>, vector<16xf32>
        %select_n3A_576 = arith.select %gt3A_574, %add3A_571, %select_n3A_475 : vector<16xi1>, vector<16xf32>
        %max3A_577 = vector.broadcast %squeeze3A_513 : f32 to vector<16xf32>
        %max3A_578 = arith.maximumf %get3A_61, %max3A_577 : vector<16xf32>
        %min3A_579 = vector.broadcast %squeeze3A_515 : f32 to vector<16xf32>
        %min3A_580 = arith.minimumf %get3A_101, %min3A_579 : vector<16xf32>
        %sub3A_581 = arith.subf %min3A_580, %max3A_578 : vector<16xf32>
        %add3A_582 = vector.broadcast %sub3A_516 : f32 to vector<16xf32>
        %add3A_583 = arith.addf %get3A_141, %add3A_582 : vector<16xf32>
        %mul3A_584 = arith.mulf %sub3A_581, %select_n3A_487 : vector<16xf32>
        %mul3A_585 = arith.mulf %select_n3A_486, %add3A_583 : vector<16xf32>
        %gt3A_586 = arith.cmpf ogt, %mul3A_584, %mul3A_585 : vector<16xf32>
        %select_n3A_587 = arith.select %gt3A_586, %sub3A_581, %select_n3A_486 : vector<16xi1>, vector<16xf32>
        %select_n3A_588 = arith.select %gt3A_586, %add3A_583, %select_n3A_487 : vector<16xi1>, vector<16xf32>
        %max3A_589 = vector.broadcast %squeeze3A_513 : f32 to vector<16xf32>
        %max3A_590 = arith.maximumf %get3A_66, %max3A_589 : vector<16xf32>
        %min3A_591 = vector.broadcast %squeeze3A_515 : f32 to vector<16xf32>
        %min3A_592 = arith.minimumf %get3A_106, %min3A_591 : vector<16xf32>
        %sub3A_593 = arith.subf %min3A_592, %max3A_590 : vector<16xf32>
        %add3A_594 = vector.broadcast %sub3A_516 : f32 to vector<16xf32>
        %add3A_595 = arith.addf %get3A_146, %add3A_594 : vector<16xf32>
        %mul3A_596 = arith.mulf %sub3A_593, %select_n3A_499 : vector<16xf32>
        %mul3A_597 = arith.mulf %select_n3A_498, %add3A_595 : vector<16xf32>
        %gt3A_598 = arith.cmpf ogt, %mul3A_596, %mul3A_597 : vector<16xf32>
        %select_n3A_599 = arith.select %gt3A_598, %sub3A_593, %select_n3A_498 : vector<16xi1>, vector<16xf32>
        %select_n3A_600 = arith.select %gt3A_598, %add3A_595, %select_n3A_499 : vector<16xi1>, vector<16xf32>
        %max3A_601 = vector.broadcast %squeeze3A_513 : f32 to vector<16xf32>
        %max3A_602 = arith.maximumf %get3A_71, %max3A_601 : vector<16xf32>
        %min3A_603 = vector.broadcast %squeeze3A_515 : f32 to vector<16xf32>
        %min3A_604 = arith.minimumf %get3A_111, %min3A_603 : vector<16xf32>
        %sub3A_605 = arith.subf %min3A_604, %max3A_602 : vector<16xf32>
        %add3A_606 = vector.broadcast %sub3A_516 : f32 to vector<16xf32>
        %add3A_607 = arith.addf %get3A_151, %add3A_606 : vector<16xf32>
        %mul3A_608 = arith.mulf %sub3A_605, %select_n3A_511 : vector<16xf32>
        %mul3A_609 = arith.mulf %select_n3A_510, %add3A_607 : vector<16xf32>
        %gt3A_610 = arith.cmpf ogt, %mul3A_608, %mul3A_609 : vector<16xf32>
        %select_n3A_611 = arith.select %gt3A_610, %sub3A_605, %select_n3A_510 : vector<16xi1>, vector<16xf32>
        %select_n3A_612 = arith.select %gt3A_610, %add3A_607, %select_n3A_511 : vector<16xi1>, vector<16xf32>
        %slice3A_613 = vector.extract_strided_slice %get3A_312 {offsets = [3], sizes = [1], strides = [1]} : vector<16xf32> to vector<1xf32>
        %squeeze3A_614 = vector.extract %slice3A_613[0] : f32 from vector<1xf32>
        %slice3A_615 = vector.extract_strided_slice %get3A_315 {offsets = [3], sizes = [1], strides = [1]} : vector<16xf32> to vector<1xf32>
        %squeeze3A_616 = vector.extract %slice3A_615[0] : f32 from vector<1xf32>
        %sub3A_617 = arith.subf %squeeze3A_616, %squeeze3A_614 : f32
        %max3A_618 = vector.broadcast %squeeze3A_614 : f32 to vector<16xf32>
        %max3A_619 = arith.maximumf %get3A_36, %max3A_618 : vector<16xf32>
        %min3A_620 = vector.broadcast %squeeze3A_616 : f32 to vector<16xf32>
        %min3A_621 = arith.minimumf %get3A_76, %min3A_620 : vector<16xf32>
        %sub3A_622 = arith.subf %min3A_621, %max3A_619 : vector<16xf32>
        %add3A_623 = vector.broadcast %sub3A_617 : f32 to vector<16xf32>
        %add3A_624 = arith.addf %get3A_116, %add3A_623 : vector<16xf32>
        %mul3A_625 = arith.mulf %sub3A_622, %select_n3A_528 : vector<16xf32>
        %mul3A_626 = arith.mulf %select_n3A_527, %add3A_624 : vector<16xf32>
        %gt3A_627 = arith.cmpf ogt, %mul3A_625, %mul3A_626 : vector<16xf32>
        %select_n3A_628 = arith.select %gt3A_627, %sub3A_622, %select_n3A_527 : vector<16xi1>, vector<16xf32>
        %select_n3A_629 = arith.select %gt3A_627, %add3A_624, %select_n3A_528 : vector<16xi1>, vector<16xf32>
        %max3A_630 = vector.broadcast %squeeze3A_614 : f32 to vector<16xf32>
        %max3A_631 = arith.maximumf %get3A_41, %max3A_630 : vector<16xf32>
        %min3A_632 = vector.broadcast %squeeze3A_616 : f32 to vector<16xf32>
        %min3A_633 = arith.minimumf %get3A_81, %min3A_632 : vector<16xf32>
        %sub3A_634 = arith.subf %min3A_633, %max3A_631 : vector<16xf32>
        %add3A_635 = vector.broadcast %sub3A_617 : f32 to vector<16xf32>
        %add3A_636 = arith.addf %get3A_121, %add3A_635 : vector<16xf32>
        %mul3A_637 = arith.mulf %sub3A_634, %select_n3A_540 : vector<16xf32>
        %mul3A_638 = arith.mulf %select_n3A_539, %add3A_636 : vector<16xf32>
        %gt3A_639 = arith.cmpf ogt, %mul3A_637, %mul3A_638 : vector<16xf32>
        %select_n3A_640 = arith.select %gt3A_639, %sub3A_634, %select_n3A_539 : vector<16xi1>, vector<16xf32>
        %select_n3A_641 = arith.select %gt3A_639, %add3A_636, %select_n3A_540 : vector<16xi1>, vector<16xf32>
        %max3A_642 = vector.broadcast %squeeze3A_614 : f32 to vector<16xf32>
        %max3A_643 = arith.maximumf %get3A_46, %max3A_642 : vector<16xf32>
        %min3A_644 = vector.broadcast %squeeze3A_616 : f32 to vector<16xf32>
        %min3A_645 = arith.minimumf %get3A_86, %min3A_644 : vector<16xf32>
        %sub3A_646 = arith.subf %min3A_645, %max3A_643 : vector<16xf32>
        %add3A_647 = vector.broadcast %sub3A_617 : f32 to vector<16xf32>
        %add3A_648 = arith.addf %get3A_126, %add3A_647 : vector<16xf32>
        %mul3A_649 = arith.mulf %sub3A_646, %select_n3A_552 : vector<16xf32>
        %mul3A_650 = arith.mulf %select_n3A_551, %add3A_648 : vector<16xf32>
        %gt3A_651 = arith.cmpf ogt, %mul3A_649, %mul3A_650 : vector<16xf32>
        %select_n3A_652 = arith.select %gt3A_651, %sub3A_646, %select_n3A_551 : vector<16xi1>, vector<16xf32>
        %select_n3A_653 = arith.select %gt3A_651, %add3A_648, %select_n3A_552 : vector<16xi1>, vector<16xf32>
        %max3A_654 = vector.broadcast %squeeze3A_614 : f32 to vector<16xf32>
        %max3A_655 = arith.maximumf %get3A_51, %max3A_654 : vector<16xf32>
        %min3A_656 = vector.broadcast %squeeze3A_616 : f32 to vector<16xf32>
        %min3A_657 = arith.minimumf %get3A_91, %min3A_656 : vector<16xf32>
        %sub3A_658 = arith.subf %min3A_657, %max3A_655 : vector<16xf32>
        %add3A_659 = vector.broadcast %sub3A_617 : f32 to vector<16xf32>
        %add3A_660 = arith.addf %get3A_131, %add3A_659 : vector<16xf32>
        %mul3A_661 = arith.mulf %sub3A_658, %select_n3A_564 : vector<16xf32>
        %mul3A_662 = arith.mulf %select_n3A_563, %add3A_660 : vector<16xf32>
        %gt3A_663 = arith.cmpf ogt, %mul3A_661, %mul3A_662 : vector<16xf32>
        %select_n3A_664 = arith.select %gt3A_663, %sub3A_658, %select_n3A_563 : vector<16xi1>, vector<16xf32>
        %select_n3A_665 = arith.select %gt3A_663, %add3A_660, %select_n3A_564 : vector<16xi1>, vector<16xf32>
        %max3A_666 = vector.broadcast %squeeze3A_614 : f32 to vector<16xf32>
        %max3A_667 = arith.maximumf %get3A_56, %max3A_666 : vector<16xf32>
        %min3A_668 = vector.broadcast %squeeze3A_616 : f32 to vector<16xf32>
        %min3A_669 = arith.minimumf %get3A_96, %min3A_668 : vector<16xf32>
        %sub3A_670 = arith.subf %min3A_669, %max3A_667 : vector<16xf32>
        %add3A_671 = vector.broadcast %sub3A_617 : f32 to vector<16xf32>
        %add3A_672 = arith.addf %get3A_136, %add3A_671 : vector<16xf32>
        %mul3A_673 = arith.mulf %sub3A_670, %select_n3A_576 : vector<16xf32>
        %mul3A_674 = arith.mulf %select_n3A_575, %add3A_672 : vector<16xf32>
        %gt3A_675 = arith.cmpf ogt, %mul3A_673, %mul3A_674 : vector<16xf32>
        %select_n3A_676 = arith.select %gt3A_675, %sub3A_670, %select_n3A_575 : vector<16xi1>, vector<16xf32>
        %select_n3A_677 = arith.select %gt3A_675, %add3A_672, %select_n3A_576 : vector<16xi1>, vector<16xf32>
        %max3A_678 = vector.broadcast %squeeze3A_614 : f32 to vector<16xf32>
        %max3A_679 = arith.maximumf %get3A_61, %max3A_678 : vector<16xf32>
        %min3A_680 = vector.broadcast %squeeze3A_616 : f32 to vector<16xf32>
        %min3A_681 = arith.minimumf %get3A_101, %min3A_680 : vector<16xf32>
        %sub3A_682 = arith.subf %min3A_681, %max3A_679 : vector<16xf32>
        %add3A_683 = vector.broadcast %sub3A_617 : f32 to vector<16xf32>
        %add3A_684 = arith.addf %get3A_141, %add3A_683 : vector<16xf32>
        %mul3A_685 = arith.mulf %sub3A_682, %select_n3A_588 : vector<16xf32>
        %mul3A_686 = arith.mulf %select_n3A_587, %add3A_684 : vector<16xf32>
        %gt3A_687 = arith.cmpf ogt, %mul3A_685, %mul3A_686 : vector<16xf32>
        %select_n3A_688 = arith.select %gt3A_687, %sub3A_682, %select_n3A_587 : vector<16xi1>, vector<16xf32>
        %select_n3A_689 = arith.select %gt3A_687, %add3A_684, %select_n3A_588 : vector<16xi1>, vector<16xf32>
        %max3A_690 = vector.broadcast %squeeze3A_614 : f32 to vector<16xf32>
        %max3A_691 = arith.maximumf %get3A_66, %max3A_690 : vector<16xf32>
        %min3A_692 = vector.broadcast %squeeze3A_616 : f32 to vector<16xf32>
        %min3A_693 = arith.minimumf %get3A_106, %min3A_692 : vector<16xf32>
        %sub3A_694 = arith.subf %min3A_693, %max3A_691 : vector<16xf32>
        %add3A_695 = vector.broadcast %sub3A_617 : f32 to vector<16xf32>
        %add3A_696 = arith.addf %get3A_146, %add3A_695 : vector<16xf32>
        %mul3A_697 = arith.mulf %sub3A_694, %select_n3A_600 : vector<16xf32>
        %mul3A_698 = arith.mulf %select_n3A_599, %add3A_696 : vector<16xf32>
        %gt3A_699 = arith.cmpf ogt, %mul3A_697, %mul3A_698 : vector<16xf32>
        %select_n3A_700 = arith.select %gt3A_699, %sub3A_694, %select_n3A_599 : vector<16xi1>, vector<16xf32>
        %select_n3A_701 = arith.select %gt3A_699, %add3A_696, %select_n3A_600 : vector<16xi1>, vector<16xf32>
        %max3A_702 = vector.broadcast %squeeze3A_614 : f32 to vector<16xf32>
        %max3A_703 = arith.maximumf %get3A_71, %max3A_702 : vector<16xf32>
        %min3A_704 = vector.broadcast %squeeze3A_616 : f32 to vector<16xf32>
        %min3A_705 = arith.minimumf %get3A_111, %min3A_704 : vector<16xf32>
        %sub3A_706 = arith.subf %min3A_705, %max3A_703 : vector<16xf32>
        %add3A_707 = vector.broadcast %sub3A_617 : f32 to vector<16xf32>
        %add3A_708 = arith.addf %get3A_151, %add3A_707 : vector<16xf32>
        %mul3A_709 = arith.mulf %sub3A_706, %select_n3A_612 : vector<16xf32>
        %mul3A_710 = arith.mulf %select_n3A_611, %add3A_708 : vector<16xf32>
        %gt3A_711 = arith.cmpf ogt, %mul3A_709, %mul3A_710 : vector<16xf32>
        %select_n3A_712 = arith.select %gt3A_711, %sub3A_706, %select_n3A_611 : vector<16xi1>, vector<16xf32>
        %select_n3A_713 = arith.select %gt3A_711, %add3A_708, %select_n3A_612 : vector<16xi1>, vector<16xf32>
        %slice3A_714 = vector.extract_strided_slice %get3A_312 {offsets = [4], sizes = [1], strides = [1]} : vector<16xf32> to vector<1xf32>
        %squeeze3A_715 = vector.extract %slice3A_714[0] : f32 from vector<1xf32>
        %slice3A_716 = vector.extract_strided_slice %get3A_315 {offsets = [4], sizes = [1], strides = [1]} : vector<16xf32> to vector<1xf32>
        %squeeze3A_717 = vector.extract %slice3A_716[0] : f32 from vector<1xf32>
        %sub3A_718 = arith.subf %squeeze3A_717, %squeeze3A_715 : f32
        %max3A_719 = vector.broadcast %squeeze3A_715 : f32 to vector<16xf32>
        %max3A_720 = arith.maximumf %get3A_36, %max3A_719 : vector<16xf32>
        %min3A_721 = vector.broadcast %squeeze3A_717 : f32 to vector<16xf32>
        %min3A_722 = arith.minimumf %get3A_76, %min3A_721 : vector<16xf32>
        %sub3A_723 = arith.subf %min3A_722, %max3A_720 : vector<16xf32>
        %add3A_724 = vector.broadcast %sub3A_718 : f32 to vector<16xf32>
        %add3A_725 = arith.addf %get3A_116, %add3A_724 : vector<16xf32>
        %mul3A_726 = arith.mulf %sub3A_723, %select_n3A_629 : vector<16xf32>
        %mul3A_727 = arith.mulf %select_n3A_628, %add3A_725 : vector<16xf32>
        %gt3A_728 = arith.cmpf ogt, %mul3A_726, %mul3A_727 : vector<16xf32>
        %select_n3A_729 = arith.select %gt3A_728, %sub3A_723, %select_n3A_628 : vector<16xi1>, vector<16xf32>
        %select_n3A_730 = arith.select %gt3A_728, %add3A_725, %select_n3A_629 : vector<16xi1>, vector<16xf32>
        %max3A_731 = vector.broadcast %squeeze3A_715 : f32 to vector<16xf32>
        %max3A_732 = arith.maximumf %get3A_41, %max3A_731 : vector<16xf32>
        %min3A_733 = vector.broadcast %squeeze3A_717 : f32 to vector<16xf32>
        %min3A_734 = arith.minimumf %get3A_81, %min3A_733 : vector<16xf32>
        %sub3A_735 = arith.subf %min3A_734, %max3A_732 : vector<16xf32>
        %add3A_736 = vector.broadcast %sub3A_718 : f32 to vector<16xf32>
        %add3A_737 = arith.addf %get3A_121, %add3A_736 : vector<16xf32>
        %mul3A_738 = arith.mulf %sub3A_735, %select_n3A_641 : vector<16xf32>
        %mul3A_739 = arith.mulf %select_n3A_640, %add3A_737 : vector<16xf32>
        %gt3A_740 = arith.cmpf ogt, %mul3A_738, %mul3A_739 : vector<16xf32>
        %select_n3A_741 = arith.select %gt3A_740, %sub3A_735, %select_n3A_640 : vector<16xi1>, vector<16xf32>
        %select_n3A_742 = arith.select %gt3A_740, %add3A_737, %select_n3A_641 : vector<16xi1>, vector<16xf32>
        %max3A_743 = vector.broadcast %squeeze3A_715 : f32 to vector<16xf32>
        %max3A_744 = arith.maximumf %get3A_46, %max3A_743 : vector<16xf32>
        %min3A_745 = vector.broadcast %squeeze3A_717 : f32 to vector<16xf32>
        %min3A_746 = arith.minimumf %get3A_86, %min3A_745 : vector<16xf32>
        %sub3A_747 = arith.subf %min3A_746, %max3A_744 : vector<16xf32>
        %add3A_748 = vector.broadcast %sub3A_718 : f32 to vector<16xf32>
        %add3A_749 = arith.addf %get3A_126, %add3A_748 : vector<16xf32>
        %mul3A_750 = arith.mulf %sub3A_747, %select_n3A_653 : vector<16xf32>
        %mul3A_751 = arith.mulf %select_n3A_652, %add3A_749 : vector<16xf32>
        %gt3A_752 = arith.cmpf ogt, %mul3A_750, %mul3A_751 : vector<16xf32>
        %select_n3A_753 = arith.select %gt3A_752, %sub3A_747, %select_n3A_652 : vector<16xi1>, vector<16xf32>
        %select_n3A_754 = arith.select %gt3A_752, %add3A_749, %select_n3A_653 : vector<16xi1>, vector<16xf32>
        %max3A_755 = vector.broadcast %squeeze3A_715 : f32 to vector<16xf32>
        %max3A_756 = arith.maximumf %get3A_51, %max3A_755 : vector<16xf32>
        %min3A_757 = vector.broadcast %squeeze3A_717 : f32 to vector<16xf32>
        %min3A_758 = arith.minimumf %get3A_91, %min3A_757 : vector<16xf32>
        %sub3A_759 = arith.subf %min3A_758, %max3A_756 : vector<16xf32>
        %add3A_760 = vector.broadcast %sub3A_718 : f32 to vector<16xf32>
        %add3A_761 = arith.addf %get3A_131, %add3A_760 : vector<16xf32>
        %mul3A_762 = arith.mulf %sub3A_759, %select_n3A_665 : vector<16xf32>
        %mul3A_763 = arith.mulf %select_n3A_664, %add3A_761 : vector<16xf32>
        %gt3A_764 = arith.cmpf ogt, %mul3A_762, %mul3A_763 : vector<16xf32>
        %select_n3A_765 = arith.select %gt3A_764, %sub3A_759, %select_n3A_664 : vector<16xi1>, vector<16xf32>
        %select_n3A_766 = arith.select %gt3A_764, %add3A_761, %select_n3A_665 : vector<16xi1>, vector<16xf32>
        %max3A_767 = vector.broadcast %squeeze3A_715 : f32 to vector<16xf32>
        %max3A_768 = arith.maximumf %get3A_56, %max3A_767 : vector<16xf32>
        %min3A_769 = vector.broadcast %squeeze3A_717 : f32 to vector<16xf32>
        %min3A_770 = arith.minimumf %get3A_96, %min3A_769 : vector<16xf32>
        %sub3A_771 = arith.subf %min3A_770, %max3A_768 : vector<16xf32>
        %add3A_772 = vector.broadcast %sub3A_718 : f32 to vector<16xf32>
        %add3A_773 = arith.addf %get3A_136, %add3A_772 : vector<16xf32>
        %mul3A_774 = arith.mulf %sub3A_771, %select_n3A_677 : vector<16xf32>
        %mul3A_775 = arith.mulf %select_n3A_676, %add3A_773 : vector<16xf32>
        %gt3A_776 = arith.cmpf ogt, %mul3A_774, %mul3A_775 : vector<16xf32>
        %select_n3A_777 = arith.select %gt3A_776, %sub3A_771, %select_n3A_676 : vector<16xi1>, vector<16xf32>
        %select_n3A_778 = arith.select %gt3A_776, %add3A_773, %select_n3A_677 : vector<16xi1>, vector<16xf32>
        %max3A_779 = vector.broadcast %squeeze3A_715 : f32 to vector<16xf32>
        %max3A_780 = arith.maximumf %get3A_61, %max3A_779 : vector<16xf32>
        %min3A_781 = vector.broadcast %squeeze3A_717 : f32 to vector<16xf32>
        %min3A_782 = arith.minimumf %get3A_101, %min3A_781 : vector<16xf32>
        %sub3A_783 = arith.subf %min3A_782, %max3A_780 : vector<16xf32>
        %add3A_784 = vector.broadcast %sub3A_718 : f32 to vector<16xf32>
        %add3A_785 = arith.addf %get3A_141, %add3A_784 : vector<16xf32>
        %mul3A_786 = arith.mulf %sub3A_783, %select_n3A_689 : vector<16xf32>
        %mul3A_787 = arith.mulf %select_n3A_688, %add3A_785 : vector<16xf32>
        %gt3A_788 = arith.cmpf ogt, %mul3A_786, %mul3A_787 : vector<16xf32>
        %select_n3A_789 = arith.select %gt3A_788, %sub3A_783, %select_n3A_688 : vector<16xi1>, vector<16xf32>
        %select_n3A_790 = arith.select %gt3A_788, %add3A_785, %select_n3A_689 : vector<16xi1>, vector<16xf32>
        %max3A_791 = vector.broadcast %squeeze3A_715 : f32 to vector<16xf32>
        %max3A_792 = arith.maximumf %get3A_66, %max3A_791 : vector<16xf32>
        %min3A_793 = vector.broadcast %squeeze3A_717 : f32 to vector<16xf32>
        %min3A_794 = arith.minimumf %get3A_106, %min3A_793 : vector<16xf32>
        %sub3A_795 = arith.subf %min3A_794, %max3A_792 : vector<16xf32>
        %add3A_796 = vector.broadcast %sub3A_718 : f32 to vector<16xf32>
        %add3A_797 = arith.addf %get3A_146, %add3A_796 : vector<16xf32>
        %mul3A_798 = arith.mulf %sub3A_795, %select_n3A_701 : vector<16xf32>
        %mul3A_799 = arith.mulf %select_n3A_700, %add3A_797 : vector<16xf32>
        %gt3A_800 = arith.cmpf ogt, %mul3A_798, %mul3A_799 : vector<16xf32>
        %select_n3A_801 = arith.select %gt3A_800, %sub3A_795, %select_n3A_700 : vector<16xi1>, vector<16xf32>
        %select_n3A_802 = arith.select %gt3A_800, %add3A_797, %select_n3A_701 : vector<16xi1>, vector<16xf32>
        %max3A_803 = vector.broadcast %squeeze3A_715 : f32 to vector<16xf32>
        %max3A_804 = arith.maximumf %get3A_71, %max3A_803 : vector<16xf32>
        %min3A_805 = vector.broadcast %squeeze3A_717 : f32 to vector<16xf32>
        %min3A_806 = arith.minimumf %get3A_111, %min3A_805 : vector<16xf32>
        %sub3A_807 = arith.subf %min3A_806, %max3A_804 : vector<16xf32>
        %add3A_808 = vector.broadcast %sub3A_718 : f32 to vector<16xf32>
        %add3A_809 = arith.addf %get3A_151, %add3A_808 : vector<16xf32>
        %mul3A_810 = arith.mulf %sub3A_807, %select_n3A_713 : vector<16xf32>
        %mul3A_811 = arith.mulf %select_n3A_712, %add3A_809 : vector<16xf32>
        %gt3A_812 = arith.cmpf ogt, %mul3A_810, %mul3A_811 : vector<16xf32>
        %select_n3A_813 = arith.select %gt3A_812, %sub3A_807, %select_n3A_712 : vector<16xi1>, vector<16xf32>
        %select_n3A_814 = arith.select %gt3A_812, %add3A_809, %select_n3A_713 : vector<16xi1>, vector<16xf32>
        %slice3A_815 = vector.extract_strided_slice %get3A_312 {offsets = [5], sizes = [1], strides = [1]} : vector<16xf32> to vector<1xf32>
        %squeeze3A_816 = vector.extract %slice3A_815[0] : f32 from vector<1xf32>
        %slice3A_817 = vector.extract_strided_slice %get3A_315 {offsets = [5], sizes = [1], strides = [1]} : vector<16xf32> to vector<1xf32>
        %squeeze3A_818 = vector.extract %slice3A_817[0] : f32 from vector<1xf32>
        %sub3A_819 = arith.subf %squeeze3A_818, %squeeze3A_816 : f32
        %max3A_820 = vector.broadcast %squeeze3A_816 : f32 to vector<16xf32>
        %max3A_821 = arith.maximumf %get3A_36, %max3A_820 : vector<16xf32>
        %min3A_822 = vector.broadcast %squeeze3A_818 : f32 to vector<16xf32>
        %min3A_823 = arith.minimumf %get3A_76, %min3A_822 : vector<16xf32>
        %sub3A_824 = arith.subf %min3A_823, %max3A_821 : vector<16xf32>
        %add3A_825 = vector.broadcast %sub3A_819 : f32 to vector<16xf32>
        %add3A_826 = arith.addf %get3A_116, %add3A_825 : vector<16xf32>
        %mul3A_827 = arith.mulf %sub3A_824, %select_n3A_730 : vector<16xf32>
        %mul3A_828 = arith.mulf %select_n3A_729, %add3A_826 : vector<16xf32>
        %gt3A_829 = arith.cmpf ogt, %mul3A_827, %mul3A_828 : vector<16xf32>
        %select_n3A_830 = arith.select %gt3A_829, %sub3A_824, %select_n3A_729 : vector<16xi1>, vector<16xf32>
        %select_n3A_831 = arith.select %gt3A_829, %add3A_826, %select_n3A_730 : vector<16xi1>, vector<16xf32>
        %max3A_832 = vector.broadcast %squeeze3A_816 : f32 to vector<16xf32>
        %max3A_833 = arith.maximumf %get3A_41, %max3A_832 : vector<16xf32>
        %min3A_834 = vector.broadcast %squeeze3A_818 : f32 to vector<16xf32>
        %min3A_835 = arith.minimumf %get3A_81, %min3A_834 : vector<16xf32>
        %sub3A_836 = arith.subf %min3A_835, %max3A_833 : vector<16xf32>
        %add3A_837 = vector.broadcast %sub3A_819 : f32 to vector<16xf32>
        %add3A_838 = arith.addf %get3A_121, %add3A_837 : vector<16xf32>
        %mul3A_839 = arith.mulf %sub3A_836, %select_n3A_742 : vector<16xf32>
        %mul3A_840 = arith.mulf %select_n3A_741, %add3A_838 : vector<16xf32>
        %gt3A_841 = arith.cmpf ogt, %mul3A_839, %mul3A_840 : vector<16xf32>
        %select_n3A_842 = arith.select %gt3A_841, %sub3A_836, %select_n3A_741 : vector<16xi1>, vector<16xf32>
        %select_n3A_843 = arith.select %gt3A_841, %add3A_838, %select_n3A_742 : vector<16xi1>, vector<16xf32>
        %max3A_844 = vector.broadcast %squeeze3A_816 : f32 to vector<16xf32>
        %max3A_845 = arith.maximumf %get3A_46, %max3A_844 : vector<16xf32>
        %min3A_846 = vector.broadcast %squeeze3A_818 : f32 to vector<16xf32>
        %min3A_847 = arith.minimumf %get3A_86, %min3A_846 : vector<16xf32>
        %sub3A_848 = arith.subf %min3A_847, %max3A_845 : vector<16xf32>
        %add3A_849 = vector.broadcast %sub3A_819 : f32 to vector<16xf32>
        %add3A_850 = arith.addf %get3A_126, %add3A_849 : vector<16xf32>
        %mul3A_851 = arith.mulf %sub3A_848, %select_n3A_754 : vector<16xf32>
        %mul3A_852 = arith.mulf %select_n3A_753, %add3A_850 : vector<16xf32>
        %gt3A_853 = arith.cmpf ogt, %mul3A_851, %mul3A_852 : vector<16xf32>
        %select_n3A_854 = arith.select %gt3A_853, %sub3A_848, %select_n3A_753 : vector<16xi1>, vector<16xf32>
        %select_n3A_855 = arith.select %gt3A_853, %add3A_850, %select_n3A_754 : vector<16xi1>, vector<16xf32>
        %max3A_856 = vector.broadcast %squeeze3A_816 : f32 to vector<16xf32>
        %max3A_857 = arith.maximumf %get3A_51, %max3A_856 : vector<16xf32>
        %min3A_858 = vector.broadcast %squeeze3A_818 : f32 to vector<16xf32>
        %min3A_859 = arith.minimumf %get3A_91, %min3A_858 : vector<16xf32>
        %sub3A_860 = arith.subf %min3A_859, %max3A_857 : vector<16xf32>
        %add3A_861 = vector.broadcast %sub3A_819 : f32 to vector<16xf32>
        %add3A_862 = arith.addf %get3A_131, %add3A_861 : vector<16xf32>
        %mul3A_863 = arith.mulf %sub3A_860, %select_n3A_766 : vector<16xf32>
        %mul3A_864 = arith.mulf %select_n3A_765, %add3A_862 : vector<16xf32>
        %gt3A_865 = arith.cmpf ogt, %mul3A_863, %mul3A_864 : vector<16xf32>
        %select_n3A_866 = arith.select %gt3A_865, %sub3A_860, %select_n3A_765 : vector<16xi1>, vector<16xf32>
        %select_n3A_867 = arith.select %gt3A_865, %add3A_862, %select_n3A_766 : vector<16xi1>, vector<16xf32>
        %max3A_868 = vector.broadcast %squeeze3A_816 : f32 to vector<16xf32>
        %max3A_869 = arith.maximumf %get3A_56, %max3A_868 : vector<16xf32>
        %min3A_870 = vector.broadcast %squeeze3A_818 : f32 to vector<16xf32>
        %min3A_871 = arith.minimumf %get3A_96, %min3A_870 : vector<16xf32>
        %sub3A_872 = arith.subf %min3A_871, %max3A_869 : vector<16xf32>
        %add3A_873 = vector.broadcast %sub3A_819 : f32 to vector<16xf32>
        %add3A_874 = arith.addf %get3A_136, %add3A_873 : vector<16xf32>
        %mul3A_875 = arith.mulf %sub3A_872, %select_n3A_778 : vector<16xf32>
        %mul3A_876 = arith.mulf %select_n3A_777, %add3A_874 : vector<16xf32>
        %gt3A_877 = arith.cmpf ogt, %mul3A_875, %mul3A_876 : vector<16xf32>
        %select_n3A_878 = arith.select %gt3A_877, %sub3A_872, %select_n3A_777 : vector<16xi1>, vector<16xf32>
        %select_n3A_879 = arith.select %gt3A_877, %add3A_874, %select_n3A_778 : vector<16xi1>, vector<16xf32>
        %max3A_880 = vector.broadcast %squeeze3A_816 : f32 to vector<16xf32>
        %max3A_881 = arith.maximumf %get3A_61, %max3A_880 : vector<16xf32>
        %min3A_882 = vector.broadcast %squeeze3A_818 : f32 to vector<16xf32>
        %min3A_883 = arith.minimumf %get3A_101, %min3A_882 : vector<16xf32>
        %sub3A_884 = arith.subf %min3A_883, %max3A_881 : vector<16xf32>
        %add3A_885 = vector.broadcast %sub3A_819 : f32 to vector<16xf32>
        %add3A_886 = arith.addf %get3A_141, %add3A_885 : vector<16xf32>
        %mul3A_887 = arith.mulf %sub3A_884, %select_n3A_790 : vector<16xf32>
        %mul3A_888 = arith.mulf %select_n3A_789, %add3A_886 : vector<16xf32>
        %gt3A_889 = arith.cmpf ogt, %mul3A_887, %mul3A_888 : vector<16xf32>
        %select_n3A_890 = arith.select %gt3A_889, %sub3A_884, %select_n3A_789 : vector<16xi1>, vector<16xf32>
        %select_n3A_891 = arith.select %gt3A_889, %add3A_886, %select_n3A_790 : vector<16xi1>, vector<16xf32>
        %max3A_892 = vector.broadcast %squeeze3A_816 : f32 to vector<16xf32>
        %max3A_893 = arith.maximumf %get3A_66, %max3A_892 : vector<16xf32>
        %min3A_894 = vector.broadcast %squeeze3A_818 : f32 to vector<16xf32>
        %min3A_895 = arith.minimumf %get3A_106, %min3A_894 : vector<16xf32>
        %sub3A_896 = arith.subf %min3A_895, %max3A_893 : vector<16xf32>
        %add3A_897 = vector.broadcast %sub3A_819 : f32 to vector<16xf32>
        %add3A_898 = arith.addf %get3A_146, %add3A_897 : vector<16xf32>
        %mul3A_899 = arith.mulf %sub3A_896, %select_n3A_802 : vector<16xf32>
        %mul3A_900 = arith.mulf %select_n3A_801, %add3A_898 : vector<16xf32>
        %gt3A_901 = arith.cmpf ogt, %mul3A_899, %mul3A_900 : vector<16xf32>
        %select_n3A_902 = arith.select %gt3A_901, %sub3A_896, %select_n3A_801 : vector<16xi1>, vector<16xf32>
        %select_n3A_903 = arith.select %gt3A_901, %add3A_898, %select_n3A_802 : vector<16xi1>, vector<16xf32>
        %max3A_904 = vector.broadcast %squeeze3A_816 : f32 to vector<16xf32>
        %max3A_905 = arith.maximumf %get3A_71, %max3A_904 : vector<16xf32>
        %min3A_906 = vector.broadcast %squeeze3A_818 : f32 to vector<16xf32>
        %min3A_907 = arith.minimumf %get3A_111, %min3A_906 : vector<16xf32>
        %sub3A_908 = arith.subf %min3A_907, %max3A_905 : vector<16xf32>
        %add3A_909 = vector.broadcast %sub3A_819 : f32 to vector<16xf32>
        %add3A_910 = arith.addf %get3A_151, %add3A_909 : vector<16xf32>
        %mul3A_911 = arith.mulf %sub3A_908, %select_n3A_814 : vector<16xf32>
        %mul3A_912 = arith.mulf %select_n3A_813, %add3A_910 : vector<16xf32>
        %gt3A_913 = arith.cmpf ogt, %mul3A_911, %mul3A_912 : vector<16xf32>
        %select_n3A_914 = arith.select %gt3A_913, %sub3A_908, %select_n3A_813 : vector<16xi1>, vector<16xf32>
        %select_n3A_915 = arith.select %gt3A_913, %add3A_910, %select_n3A_814 : vector<16xi1>, vector<16xf32>
        %slice3A_916 = vector.extract_strided_slice %get3A_312 {offsets = [6], sizes = [1], strides = [1]} : vector<16xf32> to vector<1xf32>
        %squeeze3A_917 = vector.extract %slice3A_916[0] : f32 from vector<1xf32>
        %slice3A_918 = vector.extract_strided_slice %get3A_315 {offsets = [6], sizes = [1], strides = [1]} : vector<16xf32> to vector<1xf32>
        %squeeze3A_919 = vector.extract %slice3A_918[0] : f32 from vector<1xf32>
        %sub3A_920 = arith.subf %squeeze3A_919, %squeeze3A_917 : f32
        %max3A_921 = vector.broadcast %squeeze3A_917 : f32 to vector<16xf32>
        %max3A_922 = arith.maximumf %get3A_36, %max3A_921 : vector<16xf32>
        %min3A_923 = vector.broadcast %squeeze3A_919 : f32 to vector<16xf32>
        %min3A_924 = arith.minimumf %get3A_76, %min3A_923 : vector<16xf32>
        %sub3A_925 = arith.subf %min3A_924, %max3A_922 : vector<16xf32>
        %add3A_926 = vector.broadcast %sub3A_920 : f32 to vector<16xf32>
        %add3A_927 = arith.addf %get3A_116, %add3A_926 : vector<16xf32>
        %mul3A_928 = arith.mulf %sub3A_925, %select_n3A_831 : vector<16xf32>
        %mul3A_929 = arith.mulf %select_n3A_830, %add3A_927 : vector<16xf32>
        %gt3A_930 = arith.cmpf ogt, %mul3A_928, %mul3A_929 : vector<16xf32>
        %select_n3A_931 = arith.select %gt3A_930, %sub3A_925, %select_n3A_830 : vector<16xi1>, vector<16xf32>
        %select_n3A_932 = arith.select %gt3A_930, %add3A_927, %select_n3A_831 : vector<16xi1>, vector<16xf32>
        %max3A_933 = vector.broadcast %squeeze3A_917 : f32 to vector<16xf32>
        %max3A_934 = arith.maximumf %get3A_41, %max3A_933 : vector<16xf32>
        %min3A_935 = vector.broadcast %squeeze3A_919 : f32 to vector<16xf32>
        %min3A_936 = arith.minimumf %get3A_81, %min3A_935 : vector<16xf32>
        %sub3A_937 = arith.subf %min3A_936, %max3A_934 : vector<16xf32>
        %add3A_938 = vector.broadcast %sub3A_920 : f32 to vector<16xf32>
        %add3A_939 = arith.addf %get3A_121, %add3A_938 : vector<16xf32>
        %mul3A_940 = arith.mulf %sub3A_937, %select_n3A_843 : vector<16xf32>
        %mul3A_941 = arith.mulf %select_n3A_842, %add3A_939 : vector<16xf32>
        %gt3A_942 = arith.cmpf ogt, %mul3A_940, %mul3A_941 : vector<16xf32>
        %select_n3A_943 = arith.select %gt3A_942, %sub3A_937, %select_n3A_842 : vector<16xi1>, vector<16xf32>
        %select_n3A_944 = arith.select %gt3A_942, %add3A_939, %select_n3A_843 : vector<16xi1>, vector<16xf32>
        %max3A_945 = vector.broadcast %squeeze3A_917 : f32 to vector<16xf32>
        %max3A_946 = arith.maximumf %get3A_46, %max3A_945 : vector<16xf32>
        %min3A_947 = vector.broadcast %squeeze3A_919 : f32 to vector<16xf32>
        %min3A_948 = arith.minimumf %get3A_86, %min3A_947 : vector<16xf32>
        %sub3A_949 = arith.subf %min3A_948, %max3A_946 : vector<16xf32>
        %add3A_950 = vector.broadcast %sub3A_920 : f32 to vector<16xf32>
        %add3A_951 = arith.addf %get3A_126, %add3A_950 : vector<16xf32>
        %mul3A_952 = arith.mulf %sub3A_949, %select_n3A_855 : vector<16xf32>
        %mul3A_953 = arith.mulf %select_n3A_854, %add3A_951 : vector<16xf32>
        %gt3A_954 = arith.cmpf ogt, %mul3A_952, %mul3A_953 : vector<16xf32>
        %select_n3A_955 = arith.select %gt3A_954, %sub3A_949, %select_n3A_854 : vector<16xi1>, vector<16xf32>
        %select_n3A_956 = arith.select %gt3A_954, %add3A_951, %select_n3A_855 : vector<16xi1>, vector<16xf32>
        %max3A_957 = vector.broadcast %squeeze3A_917 : f32 to vector<16xf32>
        %max3A_958 = arith.maximumf %get3A_51, %max3A_957 : vector<16xf32>
        %min3A_959 = vector.broadcast %squeeze3A_919 : f32 to vector<16xf32>
        %min3A_960 = arith.minimumf %get3A_91, %min3A_959 : vector<16xf32>
        %sub3A_961 = arith.subf %min3A_960, %max3A_958 : vector<16xf32>
        %add3A_962 = vector.broadcast %sub3A_920 : f32 to vector<16xf32>
        %add3A_963 = arith.addf %get3A_131, %add3A_962 : vector<16xf32>
        %mul3A_964 = arith.mulf %sub3A_961, %select_n3A_867 : vector<16xf32>
        %mul3A_965 = arith.mulf %select_n3A_866, %add3A_963 : vector<16xf32>
        %gt3A_966 = arith.cmpf ogt, %mul3A_964, %mul3A_965 : vector<16xf32>
        %select_n3A_967 = arith.select %gt3A_966, %sub3A_961, %select_n3A_866 : vector<16xi1>, vector<16xf32>
        %select_n3A_968 = arith.select %gt3A_966, %add3A_963, %select_n3A_867 : vector<16xi1>, vector<16xf32>
        %max3A_969 = vector.broadcast %squeeze3A_917 : f32 to vector<16xf32>
        %max3A_970 = arith.maximumf %get3A_56, %max3A_969 : vector<16xf32>
        %min3A_971 = vector.broadcast %squeeze3A_919 : f32 to vector<16xf32>
        %min3A_972 = arith.minimumf %get3A_96, %min3A_971 : vector<16xf32>
        %sub3A_973 = arith.subf %min3A_972, %max3A_970 : vector<16xf32>
        %add3A_974 = vector.broadcast %sub3A_920 : f32 to vector<16xf32>
        %add3A_975 = arith.addf %get3A_136, %add3A_974 : vector<16xf32>
        %mul3A_976 = arith.mulf %sub3A_973, %select_n3A_879 : vector<16xf32>
        %mul3A_977 = arith.mulf %select_n3A_878, %add3A_975 : vector<16xf32>
        %gt3A_978 = arith.cmpf ogt, %mul3A_976, %mul3A_977 : vector<16xf32>
        %select_n3A_979 = arith.select %gt3A_978, %sub3A_973, %select_n3A_878 : vector<16xi1>, vector<16xf32>
        %select_n3A_980 = arith.select %gt3A_978, %add3A_975, %select_n3A_879 : vector<16xi1>, vector<16xf32>
        %max3A_981 = vector.broadcast %squeeze3A_917 : f32 to vector<16xf32>
        %max3A_982 = arith.maximumf %get3A_61, %max3A_981 : vector<16xf32>
        %min3A_983 = vector.broadcast %squeeze3A_919 : f32 to vector<16xf32>
        %min3A_984 = arith.minimumf %get3A_101, %min3A_983 : vector<16xf32>
        %sub3A_985 = arith.subf %min3A_984, %max3A_982 : vector<16xf32>
        %add3A_986 = vector.broadcast %sub3A_920 : f32 to vector<16xf32>
        %add3A_987 = arith.addf %get3A_141, %add3A_986 : vector<16xf32>
        %mul3A_988 = arith.mulf %sub3A_985, %select_n3A_891 : vector<16xf32>
        %mul3A_989 = arith.mulf %select_n3A_890, %add3A_987 : vector<16xf32>
        %gt3A_990 = arith.cmpf ogt, %mul3A_988, %mul3A_989 : vector<16xf32>
        %select_n3A_991 = arith.select %gt3A_990, %sub3A_985, %select_n3A_890 : vector<16xi1>, vector<16xf32>
        %select_n3A_992 = arith.select %gt3A_990, %add3A_987, %select_n3A_891 : vector<16xi1>, vector<16xf32>
        %max3A_993 = vector.broadcast %squeeze3A_917 : f32 to vector<16xf32>
        %max3A_994 = arith.maximumf %get3A_66, %max3A_993 : vector<16xf32>
        %min3A_995 = vector.broadcast %squeeze3A_919 : f32 to vector<16xf32>
        %min3A_996 = arith.minimumf %get3A_106, %min3A_995 : vector<16xf32>
        %sub3A_997 = arith.subf %min3A_996, %max3A_994 : vector<16xf32>
        %add3A_998 = vector.broadcast %sub3A_920 : f32 to vector<16xf32>
        %add3A_999 = arith.addf %get3A_146, %add3A_998 : vector<16xf32>
        %mul3A_1000 = arith.mulf %sub3A_997, %select_n3A_903 : vector<16xf32>
        %mul3A_1001 = arith.mulf %select_n3A_902, %add3A_999 : vector<16xf32>
        %gt3A_1002 = arith.cmpf ogt, %mul3A_1000, %mul3A_1001 : vector<16xf32>
        %select_n3A_1003 = arith.select %gt3A_1002, %sub3A_997, %select_n3A_902 : vector<16xi1>, vector<16xf32>
        %select_n3A_1004 = arith.select %gt3A_1002, %add3A_999, %select_n3A_903 : vector<16xi1>, vector<16xf32>
        %max3A_1005 = vector.broadcast %squeeze3A_917 : f32 to vector<16xf32>
        %max3A_1006 = arith.maximumf %get3A_71, %max3A_1005 : vector<16xf32>
        %min3A_1007 = vector.broadcast %squeeze3A_919 : f32 to vector<16xf32>
        %min3A_1008 = arith.minimumf %get3A_111, %min3A_1007 : vector<16xf32>
        %sub3A_1009 = arith.subf %min3A_1008, %max3A_1006 : vector<16xf32>
        %add3A_1010 = vector.broadcast %sub3A_920 : f32 to vector<16xf32>
        %add3A_1011 = arith.addf %get3A_151, %add3A_1010 : vector<16xf32>
        %mul3A_1012 = arith.mulf %sub3A_1009, %select_n3A_915 : vector<16xf32>
        %mul3A_1013 = arith.mulf %select_n3A_914, %add3A_1011 : vector<16xf32>
        %gt3A_1014 = arith.cmpf ogt, %mul3A_1012, %mul3A_1013 : vector<16xf32>
        %select_n3A_1015 = arith.select %gt3A_1014, %sub3A_1009, %select_n3A_914 : vector<16xi1>, vector<16xf32>
        %select_n3A_1016 = arith.select %gt3A_1014, %add3A_1011, %select_n3A_915 : vector<16xi1>, vector<16xf32>
        %slice3A_1017 = vector.extract_strided_slice %get3A_312 {offsets = [7], sizes = [1], strides = [1]} : vector<16xf32> to vector<1xf32>
        %squeeze3A_1018 = vector.extract %slice3A_1017[0] : f32 from vector<1xf32>
        %slice3A_1019 = vector.extract_strided_slice %get3A_315 {offsets = [7], sizes = [1], strides = [1]} : vector<16xf32> to vector<1xf32>
        %squeeze3A_1020 = vector.extract %slice3A_1019[0] : f32 from vector<1xf32>
        %sub3A_1021 = arith.subf %squeeze3A_1020, %squeeze3A_1018 : f32
        %max3A_1022 = vector.broadcast %squeeze3A_1018 : f32 to vector<16xf32>
        %max3A_1023 = arith.maximumf %get3A_36, %max3A_1022 : vector<16xf32>
        %min3A_1024 = vector.broadcast %squeeze3A_1020 : f32 to vector<16xf32>
        %min3A_1025 = arith.minimumf %get3A_76, %min3A_1024 : vector<16xf32>
        %sub3A_1026 = arith.subf %min3A_1025, %max3A_1023 : vector<16xf32>
        %add3A_1027 = vector.broadcast %sub3A_1021 : f32 to vector<16xf32>
        %add3A_1028 = arith.addf %get3A_116, %add3A_1027 : vector<16xf32>
        %mul3A_1029 = arith.mulf %sub3A_1026, %select_n3A_932 : vector<16xf32>
        %mul3A_1030 = arith.mulf %select_n3A_931, %add3A_1028 : vector<16xf32>
        %gt3A_1031 = arith.cmpf ogt, %mul3A_1029, %mul3A_1030 : vector<16xf32>
        %select_n3A_1032 = arith.select %gt3A_1031, %sub3A_1026, %select_n3A_931 : vector<16xi1>, vector<16xf32>
        %select_n3A_1033 = arith.select %gt3A_1031, %add3A_1028, %select_n3A_932 : vector<16xi1>, vector<16xf32>
        %max3A_1034 = vector.broadcast %squeeze3A_1018 : f32 to vector<16xf32>
        %max3A_1035 = arith.maximumf %get3A_41, %max3A_1034 : vector<16xf32>
        %min3A_1036 = vector.broadcast %squeeze3A_1020 : f32 to vector<16xf32>
        %min3A_1037 = arith.minimumf %get3A_81, %min3A_1036 : vector<16xf32>
        %sub3A_1038 = arith.subf %min3A_1037, %max3A_1035 : vector<16xf32>
        %add3A_1039 = vector.broadcast %sub3A_1021 : f32 to vector<16xf32>
        %add3A_1040 = arith.addf %get3A_121, %add3A_1039 : vector<16xf32>
        %mul3A_1041 = arith.mulf %sub3A_1038, %select_n3A_944 : vector<16xf32>
        %mul3A_1042 = arith.mulf %select_n3A_943, %add3A_1040 : vector<16xf32>
        %gt3A_1043 = arith.cmpf ogt, %mul3A_1041, %mul3A_1042 : vector<16xf32>
        %select_n3A_1044 = arith.select %gt3A_1043, %sub3A_1038, %select_n3A_943 : vector<16xi1>, vector<16xf32>
        %select_n3A_1045 = arith.select %gt3A_1043, %add3A_1040, %select_n3A_944 : vector<16xi1>, vector<16xf32>
        %max3A_1046 = vector.broadcast %squeeze3A_1018 : f32 to vector<16xf32>
        %max3A_1047 = arith.maximumf %get3A_46, %max3A_1046 : vector<16xf32>
        %min3A_1048 = vector.broadcast %squeeze3A_1020 : f32 to vector<16xf32>
        %min3A_1049 = arith.minimumf %get3A_86, %min3A_1048 : vector<16xf32>
        %sub3A_1050 = arith.subf %min3A_1049, %max3A_1047 : vector<16xf32>
        %add3A_1051 = vector.broadcast %sub3A_1021 : f32 to vector<16xf32>
        %add3A_1052 = arith.addf %get3A_126, %add3A_1051 : vector<16xf32>
        %mul3A_1053 = arith.mulf %sub3A_1050, %select_n3A_956 : vector<16xf32>
        %mul3A_1054 = arith.mulf %select_n3A_955, %add3A_1052 : vector<16xf32>
        %gt3A_1055 = arith.cmpf ogt, %mul3A_1053, %mul3A_1054 : vector<16xf32>
        %select_n3A_1056 = arith.select %gt3A_1055, %sub3A_1050, %select_n3A_955 : vector<16xi1>, vector<16xf32>
        %select_n3A_1057 = arith.select %gt3A_1055, %add3A_1052, %select_n3A_956 : vector<16xi1>, vector<16xf32>
        %max3A_1058 = vector.broadcast %squeeze3A_1018 : f32 to vector<16xf32>
        %max3A_1059 = arith.maximumf %get3A_51, %max3A_1058 : vector<16xf32>
        %min3A_1060 = vector.broadcast %squeeze3A_1020 : f32 to vector<16xf32>
        %min3A_1061 = arith.minimumf %get3A_91, %min3A_1060 : vector<16xf32>
        %sub3A_1062 = arith.subf %min3A_1061, %max3A_1059 : vector<16xf32>
        %add3A_1063 = vector.broadcast %sub3A_1021 : f32 to vector<16xf32>
        %add3A_1064 = arith.addf %get3A_131, %add3A_1063 : vector<16xf32>
        %mul3A_1065 = arith.mulf %sub3A_1062, %select_n3A_968 : vector<16xf32>
        %mul3A_1066 = arith.mulf %select_n3A_967, %add3A_1064 : vector<16xf32>
        %gt3A_1067 = arith.cmpf ogt, %mul3A_1065, %mul3A_1066 : vector<16xf32>
        %select_n3A_1068 = arith.select %gt3A_1067, %sub3A_1062, %select_n3A_967 : vector<16xi1>, vector<16xf32>
        %select_n3A_1069 = arith.select %gt3A_1067, %add3A_1064, %select_n3A_968 : vector<16xi1>, vector<16xf32>
        %max3A_1070 = vector.broadcast %squeeze3A_1018 : f32 to vector<16xf32>
        %max3A_1071 = arith.maximumf %get3A_56, %max3A_1070 : vector<16xf32>
        %min3A_1072 = vector.broadcast %squeeze3A_1020 : f32 to vector<16xf32>
        %min3A_1073 = arith.minimumf %get3A_96, %min3A_1072 : vector<16xf32>
        %sub3A_1074 = arith.subf %min3A_1073, %max3A_1071 : vector<16xf32>
        %add3A_1075 = vector.broadcast %sub3A_1021 : f32 to vector<16xf32>
        %add3A_1076 = arith.addf %get3A_136, %add3A_1075 : vector<16xf32>
        %mul3A_1077 = arith.mulf %sub3A_1074, %select_n3A_980 : vector<16xf32>
        %mul3A_1078 = arith.mulf %select_n3A_979, %add3A_1076 : vector<16xf32>
        %gt3A_1079 = arith.cmpf ogt, %mul3A_1077, %mul3A_1078 : vector<16xf32>
        %select_n3A_1080 = arith.select %gt3A_1079, %sub3A_1074, %select_n3A_979 : vector<16xi1>, vector<16xf32>
        %select_n3A_1081 = arith.select %gt3A_1079, %add3A_1076, %select_n3A_980 : vector<16xi1>, vector<16xf32>
        %max3A_1082 = vector.broadcast %squeeze3A_1018 : f32 to vector<16xf32>
        %max3A_1083 = arith.maximumf %get3A_61, %max3A_1082 : vector<16xf32>
        %min3A_1084 = vector.broadcast %squeeze3A_1020 : f32 to vector<16xf32>
        %min3A_1085 = arith.minimumf %get3A_101, %min3A_1084 : vector<16xf32>
        %sub3A_1086 = arith.subf %min3A_1085, %max3A_1083 : vector<16xf32>
        %add3A_1087 = vector.broadcast %sub3A_1021 : f32 to vector<16xf32>
        %add3A_1088 = arith.addf %get3A_141, %add3A_1087 : vector<16xf32>
        %mul3A_1089 = arith.mulf %sub3A_1086, %select_n3A_992 : vector<16xf32>
        %mul3A_1090 = arith.mulf %select_n3A_991, %add3A_1088 : vector<16xf32>
        %gt3A_1091 = arith.cmpf ogt, %mul3A_1089, %mul3A_1090 : vector<16xf32>
        %select_n3A_1092 = arith.select %gt3A_1091, %sub3A_1086, %select_n3A_991 : vector<16xi1>, vector<16xf32>
        %select_n3A_1093 = arith.select %gt3A_1091, %add3A_1088, %select_n3A_992 : vector<16xi1>, vector<16xf32>
        %max3A_1094 = vector.broadcast %squeeze3A_1018 : f32 to vector<16xf32>
        %max3A_1095 = arith.maximumf %get3A_66, %max3A_1094 : vector<16xf32>
        %min3A_1096 = vector.broadcast %squeeze3A_1020 : f32 to vector<16xf32>
        %min3A_1097 = arith.minimumf %get3A_106, %min3A_1096 : vector<16xf32>
        %sub3A_1098 = arith.subf %min3A_1097, %max3A_1095 : vector<16xf32>
        %add3A_1099 = vector.broadcast %sub3A_1021 : f32 to vector<16xf32>
        %add3A_1100 = arith.addf %get3A_146, %add3A_1099 : vector<16xf32>
        %mul3A_1101 = arith.mulf %sub3A_1098, %select_n3A_1004 : vector<16xf32>
        %mul3A_1102 = arith.mulf %select_n3A_1003, %add3A_1100 : vector<16xf32>
        %gt3A_1103 = arith.cmpf ogt, %mul3A_1101, %mul3A_1102 : vector<16xf32>
        %select_n3A_1104 = arith.select %gt3A_1103, %sub3A_1098, %select_n3A_1003 : vector<16xi1>, vector<16xf32>
        %select_n3A_1105 = arith.select %gt3A_1103, %add3A_1100, %select_n3A_1004 : vector<16xi1>, vector<16xf32>
        %max3A_1106 = vector.broadcast %squeeze3A_1018 : f32 to vector<16xf32>
        %max3A_1107 = arith.maximumf %get3A_71, %max3A_1106 : vector<16xf32>
        %min3A_1108 = vector.broadcast %squeeze3A_1020 : f32 to vector<16xf32>
        %min3A_1109 = arith.minimumf %get3A_111, %min3A_1108 : vector<16xf32>
        %sub3A_1110 = arith.subf %min3A_1109, %max3A_1107 : vector<16xf32>
        %add3A_1111 = vector.broadcast %sub3A_1021 : f32 to vector<16xf32>
        %add3A_1112 = arith.addf %get3A_151, %add3A_1111 : vector<16xf32>
        %mul3A_1113 = arith.mulf %sub3A_1110, %select_n3A_1016 : vector<16xf32>
        %mul3A_1114 = arith.mulf %select_n3A_1015, %add3A_1112 : vector<16xf32>
        %gt3A_1115 = arith.cmpf ogt, %mul3A_1113, %mul3A_1114 : vector<16xf32>
        %select_n3A_1116 = arith.select %gt3A_1115, %sub3A_1110, %select_n3A_1015 : vector<16xi1>, vector<16xf32>
        %select_n3A_1117 = arith.select %gt3A_1115, %add3A_1112, %select_n3A_1016 : vector<16xi1>, vector<16xf32>
        %slice3A_1118 = vector.extract_strided_slice %get3A_312 {offsets = [8], sizes = [1], strides = [1]} : vector<16xf32> to vector<1xf32>
        %squeeze3A_1119 = vector.extract %slice3A_1118[0] : f32 from vector<1xf32>
        %slice3A_1120 = vector.extract_strided_slice %get3A_315 {offsets = [8], sizes = [1], strides = [1]} : vector<16xf32> to vector<1xf32>
        %squeeze3A_1121 = vector.extract %slice3A_1120[0] : f32 from vector<1xf32>
        %sub3A_1122 = arith.subf %squeeze3A_1121, %squeeze3A_1119 : f32
        %max3A_1123 = vector.broadcast %squeeze3A_1119 : f32 to vector<16xf32>
        %max3A_1124 = arith.maximumf %get3A_36, %max3A_1123 : vector<16xf32>
        %min3A_1125 = vector.broadcast %squeeze3A_1121 : f32 to vector<16xf32>
        %min3A_1126 = arith.minimumf %get3A_76, %min3A_1125 : vector<16xf32>
        %sub3A_1127 = arith.subf %min3A_1126, %max3A_1124 : vector<16xf32>
        %add3A_1128 = vector.broadcast %sub3A_1122 : f32 to vector<16xf32>
        %add3A_1129 = arith.addf %get3A_116, %add3A_1128 : vector<16xf32>
        %mul3A_1130 = arith.mulf %sub3A_1127, %select_n3A_1033 : vector<16xf32>
        %mul3A_1131 = arith.mulf %select_n3A_1032, %add3A_1129 : vector<16xf32>
        %gt3A_1132 = arith.cmpf ogt, %mul3A_1130, %mul3A_1131 : vector<16xf32>
        %select_n3A_1133 = arith.select %gt3A_1132, %sub3A_1127, %select_n3A_1032 : vector<16xi1>, vector<16xf32>
        %select_n3A_1134 = arith.select %gt3A_1132, %add3A_1129, %select_n3A_1033 : vector<16xi1>, vector<16xf32>
        %max3A_1135 = vector.broadcast %squeeze3A_1119 : f32 to vector<16xf32>
        %max3A_1136 = arith.maximumf %get3A_41, %max3A_1135 : vector<16xf32>
        %min3A_1137 = vector.broadcast %squeeze3A_1121 : f32 to vector<16xf32>
        %min3A_1138 = arith.minimumf %get3A_81, %min3A_1137 : vector<16xf32>
        %sub3A_1139 = arith.subf %min3A_1138, %max3A_1136 : vector<16xf32>
        %add3A_1140 = vector.broadcast %sub3A_1122 : f32 to vector<16xf32>
        %add3A_1141 = arith.addf %get3A_121, %add3A_1140 : vector<16xf32>
        %mul3A_1142 = arith.mulf %sub3A_1139, %select_n3A_1045 : vector<16xf32>
        %mul3A_1143 = arith.mulf %select_n3A_1044, %add3A_1141 : vector<16xf32>
        %gt3A_1144 = arith.cmpf ogt, %mul3A_1142, %mul3A_1143 : vector<16xf32>
        %select_n3A_1145 = arith.select %gt3A_1144, %sub3A_1139, %select_n3A_1044 : vector<16xi1>, vector<16xf32>
        %select_n3A_1146 = arith.select %gt3A_1144, %add3A_1141, %select_n3A_1045 : vector<16xi1>, vector<16xf32>
        %max3A_1147 = vector.broadcast %squeeze3A_1119 : f32 to vector<16xf32>
        %max3A_1148 = arith.maximumf %get3A_46, %max3A_1147 : vector<16xf32>
        %min3A_1149 = vector.broadcast %squeeze3A_1121 : f32 to vector<16xf32>
        %min3A_1150 = arith.minimumf %get3A_86, %min3A_1149 : vector<16xf32>
        %sub3A_1151 = arith.subf %min3A_1150, %max3A_1148 : vector<16xf32>
        %add3A_1152 = vector.broadcast %sub3A_1122 : f32 to vector<16xf32>
        %add3A_1153 = arith.addf %get3A_126, %add3A_1152 : vector<16xf32>
        %mul3A_1154 = arith.mulf %sub3A_1151, %select_n3A_1057 : vector<16xf32>
        %mul3A_1155 = arith.mulf %select_n3A_1056, %add3A_1153 : vector<16xf32>
        %gt3A_1156 = arith.cmpf ogt, %mul3A_1154, %mul3A_1155 : vector<16xf32>
        %select_n3A_1157 = arith.select %gt3A_1156, %sub3A_1151, %select_n3A_1056 : vector<16xi1>, vector<16xf32>
        %select_n3A_1158 = arith.select %gt3A_1156, %add3A_1153, %select_n3A_1057 : vector<16xi1>, vector<16xf32>
        %max3A_1159 = vector.broadcast %squeeze3A_1119 : f32 to vector<16xf32>
        %max3A_1160 = arith.maximumf %get3A_51, %max3A_1159 : vector<16xf32>
        %min3A_1161 = vector.broadcast %squeeze3A_1121 : f32 to vector<16xf32>
        %min3A_1162 = arith.minimumf %get3A_91, %min3A_1161 : vector<16xf32>
        %sub3A_1163 = arith.subf %min3A_1162, %max3A_1160 : vector<16xf32>
        %add3A_1164 = vector.broadcast %sub3A_1122 : f32 to vector<16xf32>
        %add3A_1165 = arith.addf %get3A_131, %add3A_1164 : vector<16xf32>
        %mul3A_1166 = arith.mulf %sub3A_1163, %select_n3A_1069 : vector<16xf32>
        %mul3A_1167 = arith.mulf %select_n3A_1068, %add3A_1165 : vector<16xf32>
        %gt3A_1168 = arith.cmpf ogt, %mul3A_1166, %mul3A_1167 : vector<16xf32>
        %select_n3A_1169 = arith.select %gt3A_1168, %sub3A_1163, %select_n3A_1068 : vector<16xi1>, vector<16xf32>
        %select_n3A_1170 = arith.select %gt3A_1168, %add3A_1165, %select_n3A_1069 : vector<16xi1>, vector<16xf32>
        %max3A_1171 = vector.broadcast %squeeze3A_1119 : f32 to vector<16xf32>
        %max3A_1172 = arith.maximumf %get3A_56, %max3A_1171 : vector<16xf32>
        %min3A_1173 = vector.broadcast %squeeze3A_1121 : f32 to vector<16xf32>
        %min3A_1174 = arith.minimumf %get3A_96, %min3A_1173 : vector<16xf32>
        %sub3A_1175 = arith.subf %min3A_1174, %max3A_1172 : vector<16xf32>
        %add3A_1176 = vector.broadcast %sub3A_1122 : f32 to vector<16xf32>
        %add3A_1177 = arith.addf %get3A_136, %add3A_1176 : vector<16xf32>
        %mul3A_1178 = arith.mulf %sub3A_1175, %select_n3A_1081 : vector<16xf32>
        %mul3A_1179 = arith.mulf %select_n3A_1080, %add3A_1177 : vector<16xf32>
        %gt3A_1180 = arith.cmpf ogt, %mul3A_1178, %mul3A_1179 : vector<16xf32>
        %select_n3A_1181 = arith.select %gt3A_1180, %sub3A_1175, %select_n3A_1080 : vector<16xi1>, vector<16xf32>
        %select_n3A_1182 = arith.select %gt3A_1180, %add3A_1177, %select_n3A_1081 : vector<16xi1>, vector<16xf32>
        %max3A_1183 = vector.broadcast %squeeze3A_1119 : f32 to vector<16xf32>
        %max3A_1184 = arith.maximumf %get3A_61, %max3A_1183 : vector<16xf32>
        %min3A_1185 = vector.broadcast %squeeze3A_1121 : f32 to vector<16xf32>
        %min3A_1186 = arith.minimumf %get3A_101, %min3A_1185 : vector<16xf32>
        %sub3A_1187 = arith.subf %min3A_1186, %max3A_1184 : vector<16xf32>
        %add3A_1188 = vector.broadcast %sub3A_1122 : f32 to vector<16xf32>
        %add3A_1189 = arith.addf %get3A_141, %add3A_1188 : vector<16xf32>
        %mul3A_1190 = arith.mulf %sub3A_1187, %select_n3A_1093 : vector<16xf32>
        %mul3A_1191 = arith.mulf %select_n3A_1092, %add3A_1189 : vector<16xf32>
        %gt3A_1192 = arith.cmpf ogt, %mul3A_1190, %mul3A_1191 : vector<16xf32>
        %select_n3A_1193 = arith.select %gt3A_1192, %sub3A_1187, %select_n3A_1092 : vector<16xi1>, vector<16xf32>
        %select_n3A_1194 = arith.select %gt3A_1192, %add3A_1189, %select_n3A_1093 : vector<16xi1>, vector<16xf32>
        %max3A_1195 = vector.broadcast %squeeze3A_1119 : f32 to vector<16xf32>
        %max3A_1196 = arith.maximumf %get3A_66, %max3A_1195 : vector<16xf32>
        %min3A_1197 = vector.broadcast %squeeze3A_1121 : f32 to vector<16xf32>
        %min3A_1198 = arith.minimumf %get3A_106, %min3A_1197 : vector<16xf32>
        %sub3A_1199 = arith.subf %min3A_1198, %max3A_1196 : vector<16xf32>
        %add3A_1200 = vector.broadcast %sub3A_1122 : f32 to vector<16xf32>
        %add3A_1201 = arith.addf %get3A_146, %add3A_1200 : vector<16xf32>
        %mul3A_1202 = arith.mulf %sub3A_1199, %select_n3A_1105 : vector<16xf32>
        %mul3A_1203 = arith.mulf %select_n3A_1104, %add3A_1201 : vector<16xf32>
        %gt3A_1204 = arith.cmpf ogt, %mul3A_1202, %mul3A_1203 : vector<16xf32>
        %select_n3A_1205 = arith.select %gt3A_1204, %sub3A_1199, %select_n3A_1104 : vector<16xi1>, vector<16xf32>
        %select_n3A_1206 = arith.select %gt3A_1204, %add3A_1201, %select_n3A_1105 : vector<16xi1>, vector<16xf32>
        %max3A_1207 = vector.broadcast %squeeze3A_1119 : f32 to vector<16xf32>
        %max3A_1208 = arith.maximumf %get3A_71, %max3A_1207 : vector<16xf32>
        %min3A_1209 = vector.broadcast %squeeze3A_1121 : f32 to vector<16xf32>
        %min3A_1210 = arith.minimumf %get3A_111, %min3A_1209 : vector<16xf32>
        %sub3A_1211 = arith.subf %min3A_1210, %max3A_1208 : vector<16xf32>
        %add3A_1212 = vector.broadcast %sub3A_1122 : f32 to vector<16xf32>
        %add3A_1213 = arith.addf %get3A_151, %add3A_1212 : vector<16xf32>
        %mul3A_1214 = arith.mulf %sub3A_1211, %select_n3A_1117 : vector<16xf32>
        %mul3A_1215 = arith.mulf %select_n3A_1116, %add3A_1213 : vector<16xf32>
        %gt3A_1216 = arith.cmpf ogt, %mul3A_1214, %mul3A_1215 : vector<16xf32>
        %select_n3A_1217 = arith.select %gt3A_1216, %sub3A_1211, %select_n3A_1116 : vector<16xi1>, vector<16xf32>
        %select_n3A_1218 = arith.select %gt3A_1216, %add3A_1213, %select_n3A_1117 : vector<16xi1>, vector<16xf32>
        %slice3A_1219 = vector.extract_strided_slice %get3A_312 {offsets = [9], sizes = [1], strides = [1]} : vector<16xf32> to vector<1xf32>
        %squeeze3A_1220 = vector.extract %slice3A_1219[0] : f32 from vector<1xf32>
        %slice3A_1221 = vector.extract_strided_slice %get3A_315 {offsets = [9], sizes = [1], strides = [1]} : vector<16xf32> to vector<1xf32>
        %squeeze3A_1222 = vector.extract %slice3A_1221[0] : f32 from vector<1xf32>
        %sub3A_1223 = arith.subf %squeeze3A_1222, %squeeze3A_1220 : f32
        %max3A_1224 = vector.broadcast %squeeze3A_1220 : f32 to vector<16xf32>
        %max3A_1225 = arith.maximumf %get3A_36, %max3A_1224 : vector<16xf32>
        %min3A_1226 = vector.broadcast %squeeze3A_1222 : f32 to vector<16xf32>
        %min3A_1227 = arith.minimumf %get3A_76, %min3A_1226 : vector<16xf32>
        %sub3A_1228 = arith.subf %min3A_1227, %max3A_1225 : vector<16xf32>
        %add3A_1229 = vector.broadcast %sub3A_1223 : f32 to vector<16xf32>
        %add3A_1230 = arith.addf %get3A_116, %add3A_1229 : vector<16xf32>
        %mul3A_1231 = arith.mulf %sub3A_1228, %select_n3A_1134 : vector<16xf32>
        %mul3A_1232 = arith.mulf %select_n3A_1133, %add3A_1230 : vector<16xf32>
        %gt3A_1233 = arith.cmpf ogt, %mul3A_1231, %mul3A_1232 : vector<16xf32>
        %select_n3A_1234 = arith.select %gt3A_1233, %sub3A_1228, %select_n3A_1133 : vector<16xi1>, vector<16xf32>
        %select_n3A_1235 = arith.select %gt3A_1233, %add3A_1230, %select_n3A_1134 : vector<16xi1>, vector<16xf32>
        %max3A_1236 = vector.broadcast %squeeze3A_1220 : f32 to vector<16xf32>
        %max3A_1237 = arith.maximumf %get3A_41, %max3A_1236 : vector<16xf32>
        %min3A_1238 = vector.broadcast %squeeze3A_1222 : f32 to vector<16xf32>
        %min3A_1239 = arith.minimumf %get3A_81, %min3A_1238 : vector<16xf32>
        %sub3A_1240 = arith.subf %min3A_1239, %max3A_1237 : vector<16xf32>
        %add3A_1241 = vector.broadcast %sub3A_1223 : f32 to vector<16xf32>
        %add3A_1242 = arith.addf %get3A_121, %add3A_1241 : vector<16xf32>
        %mul3A_1243 = arith.mulf %sub3A_1240, %select_n3A_1146 : vector<16xf32>
        %mul3A_1244 = arith.mulf %select_n3A_1145, %add3A_1242 : vector<16xf32>
        %gt3A_1245 = arith.cmpf ogt, %mul3A_1243, %mul3A_1244 : vector<16xf32>
        %select_n3A_1246 = arith.select %gt3A_1245, %sub3A_1240, %select_n3A_1145 : vector<16xi1>, vector<16xf32>
        %select_n3A_1247 = arith.select %gt3A_1245, %add3A_1242, %select_n3A_1146 : vector<16xi1>, vector<16xf32>
        %max3A_1248 = vector.broadcast %squeeze3A_1220 : f32 to vector<16xf32>
        %max3A_1249 = arith.maximumf %get3A_46, %max3A_1248 : vector<16xf32>
        %min3A_1250 = vector.broadcast %squeeze3A_1222 : f32 to vector<16xf32>
        %min3A_1251 = arith.minimumf %get3A_86, %min3A_1250 : vector<16xf32>
        %sub3A_1252 = arith.subf %min3A_1251, %max3A_1249 : vector<16xf32>
        %add3A_1253 = vector.broadcast %sub3A_1223 : f32 to vector<16xf32>
        %add3A_1254 = arith.addf %get3A_126, %add3A_1253 : vector<16xf32>
        %mul3A_1255 = arith.mulf %sub3A_1252, %select_n3A_1158 : vector<16xf32>
        %mul3A_1256 = arith.mulf %select_n3A_1157, %add3A_1254 : vector<16xf32>
        %gt3A_1257 = arith.cmpf ogt, %mul3A_1255, %mul3A_1256 : vector<16xf32>
        %select_n3A_1258 = arith.select %gt3A_1257, %sub3A_1252, %select_n3A_1157 : vector<16xi1>, vector<16xf32>
        %select_n3A_1259 = arith.select %gt3A_1257, %add3A_1254, %select_n3A_1158 : vector<16xi1>, vector<16xf32>
        %max3A_1260 = vector.broadcast %squeeze3A_1220 : f32 to vector<16xf32>
        %max3A_1261 = arith.maximumf %get3A_51, %max3A_1260 : vector<16xf32>
        %min3A_1262 = vector.broadcast %squeeze3A_1222 : f32 to vector<16xf32>
        %min3A_1263 = arith.minimumf %get3A_91, %min3A_1262 : vector<16xf32>
        %sub3A_1264 = arith.subf %min3A_1263, %max3A_1261 : vector<16xf32>
        %add3A_1265 = vector.broadcast %sub3A_1223 : f32 to vector<16xf32>
        %add3A_1266 = arith.addf %get3A_131, %add3A_1265 : vector<16xf32>
        %mul3A_1267 = arith.mulf %sub3A_1264, %select_n3A_1170 : vector<16xf32>
        %mul3A_1268 = arith.mulf %select_n3A_1169, %add3A_1266 : vector<16xf32>
        %gt3A_1269 = arith.cmpf ogt, %mul3A_1267, %mul3A_1268 : vector<16xf32>
        %select_n3A_1270 = arith.select %gt3A_1269, %sub3A_1264, %select_n3A_1169 : vector<16xi1>, vector<16xf32>
        %select_n3A_1271 = arith.select %gt3A_1269, %add3A_1266, %select_n3A_1170 : vector<16xi1>, vector<16xf32>
        %max3A_1272 = vector.broadcast %squeeze3A_1220 : f32 to vector<16xf32>
        %max3A_1273 = arith.maximumf %get3A_56, %max3A_1272 : vector<16xf32>
        %min3A_1274 = vector.broadcast %squeeze3A_1222 : f32 to vector<16xf32>
        %min3A_1275 = arith.minimumf %get3A_96, %min3A_1274 : vector<16xf32>
        %sub3A_1276 = arith.subf %min3A_1275, %max3A_1273 : vector<16xf32>
        %add3A_1277 = vector.broadcast %sub3A_1223 : f32 to vector<16xf32>
        %add3A_1278 = arith.addf %get3A_136, %add3A_1277 : vector<16xf32>
        %mul3A_1279 = arith.mulf %sub3A_1276, %select_n3A_1182 : vector<16xf32>
        %mul3A_1280 = arith.mulf %select_n3A_1181, %add3A_1278 : vector<16xf32>
        %gt3A_1281 = arith.cmpf ogt, %mul3A_1279, %mul3A_1280 : vector<16xf32>
        %select_n3A_1282 = arith.select %gt3A_1281, %sub3A_1276, %select_n3A_1181 : vector<16xi1>, vector<16xf32>
        %select_n3A_1283 = arith.select %gt3A_1281, %add3A_1278, %select_n3A_1182 : vector<16xi1>, vector<16xf32>
        %max3A_1284 = vector.broadcast %squeeze3A_1220 : f32 to vector<16xf32>
        %max3A_1285 = arith.maximumf %get3A_61, %max3A_1284 : vector<16xf32>
        %min3A_1286 = vector.broadcast %squeeze3A_1222 : f32 to vector<16xf32>
        %min3A_1287 = arith.minimumf %get3A_101, %min3A_1286 : vector<16xf32>
        %sub3A_1288 = arith.subf %min3A_1287, %max3A_1285 : vector<16xf32>
        %add3A_1289 = vector.broadcast %sub3A_1223 : f32 to vector<16xf32>
        %add3A_1290 = arith.addf %get3A_141, %add3A_1289 : vector<16xf32>
        %mul3A_1291 = arith.mulf %sub3A_1288, %select_n3A_1194 : vector<16xf32>
        %mul3A_1292 = arith.mulf %select_n3A_1193, %add3A_1290 : vector<16xf32>
        %gt3A_1293 = arith.cmpf ogt, %mul3A_1291, %mul3A_1292 : vector<16xf32>
        %select_n3A_1294 = arith.select %gt3A_1293, %sub3A_1288, %select_n3A_1193 : vector<16xi1>, vector<16xf32>
        %select_n3A_1295 = arith.select %gt3A_1293, %add3A_1290, %select_n3A_1194 : vector<16xi1>, vector<16xf32>
        %max3A_1296 = vector.broadcast %squeeze3A_1220 : f32 to vector<16xf32>
        %max3A_1297 = arith.maximumf %get3A_66, %max3A_1296 : vector<16xf32>
        %min3A_1298 = vector.broadcast %squeeze3A_1222 : f32 to vector<16xf32>
        %min3A_1299 = arith.minimumf %get3A_106, %min3A_1298 : vector<16xf32>
        %sub3A_1300 = arith.subf %min3A_1299, %max3A_1297 : vector<16xf32>
        %add3A_1301 = vector.broadcast %sub3A_1223 : f32 to vector<16xf32>
        %add3A_1302 = arith.addf %get3A_146, %add3A_1301 : vector<16xf32>
        %mul3A_1303 = arith.mulf %sub3A_1300, %select_n3A_1206 : vector<16xf32>
        %mul3A_1304 = arith.mulf %select_n3A_1205, %add3A_1302 : vector<16xf32>
        %gt3A_1305 = arith.cmpf ogt, %mul3A_1303, %mul3A_1304 : vector<16xf32>
        %select_n3A_1306 = arith.select %gt3A_1305, %sub3A_1300, %select_n3A_1205 : vector<16xi1>, vector<16xf32>
        %select_n3A_1307 = arith.select %gt3A_1305, %add3A_1302, %select_n3A_1206 : vector<16xi1>, vector<16xf32>
        %max3A_1308 = vector.broadcast %squeeze3A_1220 : f32 to vector<16xf32>
        %max3A_1309 = arith.maximumf %get3A_71, %max3A_1308 : vector<16xf32>
        %min3A_1310 = vector.broadcast %squeeze3A_1222 : f32 to vector<16xf32>
        %min3A_1311 = arith.minimumf %get3A_111, %min3A_1310 : vector<16xf32>
        %sub3A_1312 = arith.subf %min3A_1311, %max3A_1309 : vector<16xf32>
        %add3A_1313 = vector.broadcast %sub3A_1223 : f32 to vector<16xf32>
        %add3A_1314 = arith.addf %get3A_151, %add3A_1313 : vector<16xf32>
        %mul3A_1315 = arith.mulf %sub3A_1312, %select_n3A_1218 : vector<16xf32>
        %mul3A_1316 = arith.mulf %select_n3A_1217, %add3A_1314 : vector<16xf32>
        %gt3A_1317 = arith.cmpf ogt, %mul3A_1315, %mul3A_1316 : vector<16xf32>
        %select_n3A_1318 = arith.select %gt3A_1317, %sub3A_1312, %select_n3A_1217 : vector<16xi1>, vector<16xf32>
        %select_n3A_1319 = arith.select %gt3A_1317, %add3A_1314, %select_n3A_1218 : vector<16xi1>, vector<16xf32>
        %slice3A_1320 = vector.extract_strided_slice %get3A_312 {offsets = [10], sizes = [1], strides = [1]} : vector<16xf32> to vector<1xf32>
        %squeeze3A_1321 = vector.extract %slice3A_1320[0] : f32 from vector<1xf32>
        %slice3A_1322 = vector.extract_strided_slice %get3A_315 {offsets = [10], sizes = [1], strides = [1]} : vector<16xf32> to vector<1xf32>
        %squeeze3A_1323 = vector.extract %slice3A_1322[0] : f32 from vector<1xf32>
        %sub3A_1324 = arith.subf %squeeze3A_1323, %squeeze3A_1321 : f32
        %max3A_1325 = vector.broadcast %squeeze3A_1321 : f32 to vector<16xf32>
        %max3A_1326 = arith.maximumf %get3A_36, %max3A_1325 : vector<16xf32>
        %min3A_1327 = vector.broadcast %squeeze3A_1323 : f32 to vector<16xf32>
        %min3A_1328 = arith.minimumf %get3A_76, %min3A_1327 : vector<16xf32>
        %sub3A_1329 = arith.subf %min3A_1328, %max3A_1326 : vector<16xf32>
        %add3A_1330 = vector.broadcast %sub3A_1324 : f32 to vector<16xf32>
        %add3A_1331 = arith.addf %get3A_116, %add3A_1330 : vector<16xf32>
        %mul3A_1332 = arith.mulf %sub3A_1329, %select_n3A_1235 : vector<16xf32>
        %mul3A_1333 = arith.mulf %select_n3A_1234, %add3A_1331 : vector<16xf32>
        %gt3A_1334 = arith.cmpf ogt, %mul3A_1332, %mul3A_1333 : vector<16xf32>
        %select_n3A_1335 = arith.select %gt3A_1334, %sub3A_1329, %select_n3A_1234 : vector<16xi1>, vector<16xf32>
        %select_n3A_1336 = arith.select %gt3A_1334, %add3A_1331, %select_n3A_1235 : vector<16xi1>, vector<16xf32>
        %max3A_1337 = vector.broadcast %squeeze3A_1321 : f32 to vector<16xf32>
        %max3A_1338 = arith.maximumf %get3A_41, %max3A_1337 : vector<16xf32>
        %min3A_1339 = vector.broadcast %squeeze3A_1323 : f32 to vector<16xf32>
        %min3A_1340 = arith.minimumf %get3A_81, %min3A_1339 : vector<16xf32>
        %sub3A_1341 = arith.subf %min3A_1340, %max3A_1338 : vector<16xf32>
        %add3A_1342 = vector.broadcast %sub3A_1324 : f32 to vector<16xf32>
        %add3A_1343 = arith.addf %get3A_121, %add3A_1342 : vector<16xf32>
        %mul3A_1344 = arith.mulf %sub3A_1341, %select_n3A_1247 : vector<16xf32>
        %mul3A_1345 = arith.mulf %select_n3A_1246, %add3A_1343 : vector<16xf32>
        %gt3A_1346 = arith.cmpf ogt, %mul3A_1344, %mul3A_1345 : vector<16xf32>
        %select_n3A_1347 = arith.select %gt3A_1346, %sub3A_1341, %select_n3A_1246 : vector<16xi1>, vector<16xf32>
        %select_n3A_1348 = arith.select %gt3A_1346, %add3A_1343, %select_n3A_1247 : vector<16xi1>, vector<16xf32>
        %max3A_1349 = vector.broadcast %squeeze3A_1321 : f32 to vector<16xf32>
        %max3A_1350 = arith.maximumf %get3A_46, %max3A_1349 : vector<16xf32>
        %min3A_1351 = vector.broadcast %squeeze3A_1323 : f32 to vector<16xf32>
        %min3A_1352 = arith.minimumf %get3A_86, %min3A_1351 : vector<16xf32>
        %sub3A_1353 = arith.subf %min3A_1352, %max3A_1350 : vector<16xf32>
        %add3A_1354 = vector.broadcast %sub3A_1324 : f32 to vector<16xf32>
        %add3A_1355 = arith.addf %get3A_126, %add3A_1354 : vector<16xf32>
        %mul3A_1356 = arith.mulf %sub3A_1353, %select_n3A_1259 : vector<16xf32>
        %mul3A_1357 = arith.mulf %select_n3A_1258, %add3A_1355 : vector<16xf32>
        %gt3A_1358 = arith.cmpf ogt, %mul3A_1356, %mul3A_1357 : vector<16xf32>
        %select_n3A_1359 = arith.select %gt3A_1358, %sub3A_1353, %select_n3A_1258 : vector<16xi1>, vector<16xf32>
        %select_n3A_1360 = arith.select %gt3A_1358, %add3A_1355, %select_n3A_1259 : vector<16xi1>, vector<16xf32>
        %max3A_1361 = vector.broadcast %squeeze3A_1321 : f32 to vector<16xf32>
        %max3A_1362 = arith.maximumf %get3A_51, %max3A_1361 : vector<16xf32>
        %min3A_1363 = vector.broadcast %squeeze3A_1323 : f32 to vector<16xf32>
        %min3A_1364 = arith.minimumf %get3A_91, %min3A_1363 : vector<16xf32>
        %sub3A_1365 = arith.subf %min3A_1364, %max3A_1362 : vector<16xf32>
        %add3A_1366 = vector.broadcast %sub3A_1324 : f32 to vector<16xf32>
        %add3A_1367 = arith.addf %get3A_131, %add3A_1366 : vector<16xf32>
        %mul3A_1368 = arith.mulf %sub3A_1365, %select_n3A_1271 : vector<16xf32>
        %mul3A_1369 = arith.mulf %select_n3A_1270, %add3A_1367 : vector<16xf32>
        %gt3A_1370 = arith.cmpf ogt, %mul3A_1368, %mul3A_1369 : vector<16xf32>
        %select_n3A_1371 = arith.select %gt3A_1370, %sub3A_1365, %select_n3A_1270 : vector<16xi1>, vector<16xf32>
        %select_n3A_1372 = arith.select %gt3A_1370, %add3A_1367, %select_n3A_1271 : vector<16xi1>, vector<16xf32>
        %max3A_1373 = vector.broadcast %squeeze3A_1321 : f32 to vector<16xf32>
        %max3A_1374 = arith.maximumf %get3A_56, %max3A_1373 : vector<16xf32>
        %min3A_1375 = vector.broadcast %squeeze3A_1323 : f32 to vector<16xf32>
        %min3A_1376 = arith.minimumf %get3A_96, %min3A_1375 : vector<16xf32>
        %sub3A_1377 = arith.subf %min3A_1376, %max3A_1374 : vector<16xf32>
        %add3A_1378 = vector.broadcast %sub3A_1324 : f32 to vector<16xf32>
        %add3A_1379 = arith.addf %get3A_136, %add3A_1378 : vector<16xf32>
        %mul3A_1380 = arith.mulf %sub3A_1377, %select_n3A_1283 : vector<16xf32>
        %mul3A_1381 = arith.mulf %select_n3A_1282, %add3A_1379 : vector<16xf32>
        %gt3A_1382 = arith.cmpf ogt, %mul3A_1380, %mul3A_1381 : vector<16xf32>
        %select_n3A_1383 = arith.select %gt3A_1382, %sub3A_1377, %select_n3A_1282 : vector<16xi1>, vector<16xf32>
        %select_n3A_1384 = arith.select %gt3A_1382, %add3A_1379, %select_n3A_1283 : vector<16xi1>, vector<16xf32>
        %max3A_1385 = vector.broadcast %squeeze3A_1321 : f32 to vector<16xf32>
        %max3A_1386 = arith.maximumf %get3A_61, %max3A_1385 : vector<16xf32>
        %min3A_1387 = vector.broadcast %squeeze3A_1323 : f32 to vector<16xf32>
        %min3A_1388 = arith.minimumf %get3A_101, %min3A_1387 : vector<16xf32>
        %sub3A_1389 = arith.subf %min3A_1388, %max3A_1386 : vector<16xf32>
        %add3A_1390 = vector.broadcast %sub3A_1324 : f32 to vector<16xf32>
        %add3A_1391 = arith.addf %get3A_141, %add3A_1390 : vector<16xf32>
        %mul3A_1392 = arith.mulf %sub3A_1389, %select_n3A_1295 : vector<16xf32>
        %mul3A_1393 = arith.mulf %select_n3A_1294, %add3A_1391 : vector<16xf32>
        %gt3A_1394 = arith.cmpf ogt, %mul3A_1392, %mul3A_1393 : vector<16xf32>
        %select_n3A_1395 = arith.select %gt3A_1394, %sub3A_1389, %select_n3A_1294 : vector<16xi1>, vector<16xf32>
        %select_n3A_1396 = arith.select %gt3A_1394, %add3A_1391, %select_n3A_1295 : vector<16xi1>, vector<16xf32>
        %max3A_1397 = vector.broadcast %squeeze3A_1321 : f32 to vector<16xf32>
        %max3A_1398 = arith.maximumf %get3A_66, %max3A_1397 : vector<16xf32>
        %min3A_1399 = vector.broadcast %squeeze3A_1323 : f32 to vector<16xf32>
        %min3A_1400 = arith.minimumf %get3A_106, %min3A_1399 : vector<16xf32>
        %sub3A_1401 = arith.subf %min3A_1400, %max3A_1398 : vector<16xf32>
        %add3A_1402 = vector.broadcast %sub3A_1324 : f32 to vector<16xf32>
        %add3A_1403 = arith.addf %get3A_146, %add3A_1402 : vector<16xf32>
        %mul3A_1404 = arith.mulf %sub3A_1401, %select_n3A_1307 : vector<16xf32>
        %mul3A_1405 = arith.mulf %select_n3A_1306, %add3A_1403 : vector<16xf32>
        %gt3A_1406 = arith.cmpf ogt, %mul3A_1404, %mul3A_1405 : vector<16xf32>
        %select_n3A_1407 = arith.select %gt3A_1406, %sub3A_1401, %select_n3A_1306 : vector<16xi1>, vector<16xf32>
        %select_n3A_1408 = arith.select %gt3A_1406, %add3A_1403, %select_n3A_1307 : vector<16xi1>, vector<16xf32>
        %max3A_1409 = vector.broadcast %squeeze3A_1321 : f32 to vector<16xf32>
        %max3A_1410 = arith.maximumf %get3A_71, %max3A_1409 : vector<16xf32>
        %min3A_1411 = vector.broadcast %squeeze3A_1323 : f32 to vector<16xf32>
        %min3A_1412 = arith.minimumf %get3A_111, %min3A_1411 : vector<16xf32>
        %sub3A_1413 = arith.subf %min3A_1412, %max3A_1410 : vector<16xf32>
        %add3A_1414 = vector.broadcast %sub3A_1324 : f32 to vector<16xf32>
        %add3A_1415 = arith.addf %get3A_151, %add3A_1414 : vector<16xf32>
        %mul3A_1416 = arith.mulf %sub3A_1413, %select_n3A_1319 : vector<16xf32>
        %mul3A_1417 = arith.mulf %select_n3A_1318, %add3A_1415 : vector<16xf32>
        %gt3A_1418 = arith.cmpf ogt, %mul3A_1416, %mul3A_1417 : vector<16xf32>
        %select_n3A_1419 = arith.select %gt3A_1418, %sub3A_1413, %select_n3A_1318 : vector<16xi1>, vector<16xf32>
        %select_n3A_1420 = arith.select %gt3A_1418, %add3A_1415, %select_n3A_1319 : vector<16xi1>, vector<16xf32>
        %slice3A_1421 = vector.extract_strided_slice %get3A_312 {offsets = [11], sizes = [1], strides = [1]} : vector<16xf32> to vector<1xf32>
        %squeeze3A_1422 = vector.extract %slice3A_1421[0] : f32 from vector<1xf32>
        %slice3A_1423 = vector.extract_strided_slice %get3A_315 {offsets = [11], sizes = [1], strides = [1]} : vector<16xf32> to vector<1xf32>
        %squeeze3A_1424 = vector.extract %slice3A_1423[0] : f32 from vector<1xf32>
        %sub3A_1425 = arith.subf %squeeze3A_1424, %squeeze3A_1422 : f32
        %max3A_1426 = vector.broadcast %squeeze3A_1422 : f32 to vector<16xf32>
        %max3A_1427 = arith.maximumf %get3A_36, %max3A_1426 : vector<16xf32>
        %min3A_1428 = vector.broadcast %squeeze3A_1424 : f32 to vector<16xf32>
        %min3A_1429 = arith.minimumf %get3A_76, %min3A_1428 : vector<16xf32>
        %sub3A_1430 = arith.subf %min3A_1429, %max3A_1427 : vector<16xf32>
        %add3A_1431 = vector.broadcast %sub3A_1425 : f32 to vector<16xf32>
        %add3A_1432 = arith.addf %get3A_116, %add3A_1431 : vector<16xf32>
        %mul3A_1433 = arith.mulf %sub3A_1430, %select_n3A_1336 : vector<16xf32>
        %mul3A_1434 = arith.mulf %select_n3A_1335, %add3A_1432 : vector<16xf32>
        %gt3A_1435 = arith.cmpf ogt, %mul3A_1433, %mul3A_1434 : vector<16xf32>
        %select_n3A_1436 = arith.select %gt3A_1435, %sub3A_1430, %select_n3A_1335 : vector<16xi1>, vector<16xf32>
        %select_n3A_1437 = arith.select %gt3A_1435, %add3A_1432, %select_n3A_1336 : vector<16xi1>, vector<16xf32>
        %max3A_1438 = vector.broadcast %squeeze3A_1422 : f32 to vector<16xf32>
        %max3A_1439 = arith.maximumf %get3A_41, %max3A_1438 : vector<16xf32>
        %min3A_1440 = vector.broadcast %squeeze3A_1424 : f32 to vector<16xf32>
        %min3A_1441 = arith.minimumf %get3A_81, %min3A_1440 : vector<16xf32>
        %sub3A_1442 = arith.subf %min3A_1441, %max3A_1439 : vector<16xf32>
        %add3A_1443 = vector.broadcast %sub3A_1425 : f32 to vector<16xf32>
        %add3A_1444 = arith.addf %get3A_121, %add3A_1443 : vector<16xf32>
        %mul3A_1445 = arith.mulf %sub3A_1442, %select_n3A_1348 : vector<16xf32>
        %mul3A_1446 = arith.mulf %select_n3A_1347, %add3A_1444 : vector<16xf32>
        %gt3A_1447 = arith.cmpf ogt, %mul3A_1445, %mul3A_1446 : vector<16xf32>
        %select_n3A_1448 = arith.select %gt3A_1447, %sub3A_1442, %select_n3A_1347 : vector<16xi1>, vector<16xf32>
        %select_n3A_1449 = arith.select %gt3A_1447, %add3A_1444, %select_n3A_1348 : vector<16xi1>, vector<16xf32>
        %max3A_1450 = vector.broadcast %squeeze3A_1422 : f32 to vector<16xf32>
        %max3A_1451 = arith.maximumf %get3A_46, %max3A_1450 : vector<16xf32>
        %min3A_1452 = vector.broadcast %squeeze3A_1424 : f32 to vector<16xf32>
        %min3A_1453 = arith.minimumf %get3A_86, %min3A_1452 : vector<16xf32>
        %sub3A_1454 = arith.subf %min3A_1453, %max3A_1451 : vector<16xf32>
        %add3A_1455 = vector.broadcast %sub3A_1425 : f32 to vector<16xf32>
        %add3A_1456 = arith.addf %get3A_126, %add3A_1455 : vector<16xf32>
        %mul3A_1457 = arith.mulf %sub3A_1454, %select_n3A_1360 : vector<16xf32>
        %mul3A_1458 = arith.mulf %select_n3A_1359, %add3A_1456 : vector<16xf32>
        %gt3A_1459 = arith.cmpf ogt, %mul3A_1457, %mul3A_1458 : vector<16xf32>
        %select_n3A_1460 = arith.select %gt3A_1459, %sub3A_1454, %select_n3A_1359 : vector<16xi1>, vector<16xf32>
        %select_n3A_1461 = arith.select %gt3A_1459, %add3A_1456, %select_n3A_1360 : vector<16xi1>, vector<16xf32>
        %max3A_1462 = vector.broadcast %squeeze3A_1422 : f32 to vector<16xf32>
        %max3A_1463 = arith.maximumf %get3A_51, %max3A_1462 : vector<16xf32>
        %min3A_1464 = vector.broadcast %squeeze3A_1424 : f32 to vector<16xf32>
        %min3A_1465 = arith.minimumf %get3A_91, %min3A_1464 : vector<16xf32>
        %sub3A_1466 = arith.subf %min3A_1465, %max3A_1463 : vector<16xf32>
        %add3A_1467 = vector.broadcast %sub3A_1425 : f32 to vector<16xf32>
        %add3A_1468 = arith.addf %get3A_131, %add3A_1467 : vector<16xf32>
        %mul3A_1469 = arith.mulf %sub3A_1466, %select_n3A_1372 : vector<16xf32>
        %mul3A_1470 = arith.mulf %select_n3A_1371, %add3A_1468 : vector<16xf32>
        %gt3A_1471 = arith.cmpf ogt, %mul3A_1469, %mul3A_1470 : vector<16xf32>
        %select_n3A_1472 = arith.select %gt3A_1471, %sub3A_1466, %select_n3A_1371 : vector<16xi1>, vector<16xf32>
        %select_n3A_1473 = arith.select %gt3A_1471, %add3A_1468, %select_n3A_1372 : vector<16xi1>, vector<16xf32>
        %max3A_1474 = vector.broadcast %squeeze3A_1422 : f32 to vector<16xf32>
        %max3A_1475 = arith.maximumf %get3A_56, %max3A_1474 : vector<16xf32>
        %min3A_1476 = vector.broadcast %squeeze3A_1424 : f32 to vector<16xf32>
        %min3A_1477 = arith.minimumf %get3A_96, %min3A_1476 : vector<16xf32>
        %sub3A_1478 = arith.subf %min3A_1477, %max3A_1475 : vector<16xf32>
        %add3A_1479 = vector.broadcast %sub3A_1425 : f32 to vector<16xf32>
        %add3A_1480 = arith.addf %get3A_136, %add3A_1479 : vector<16xf32>
        %mul3A_1481 = arith.mulf %sub3A_1478, %select_n3A_1384 : vector<16xf32>
        %mul3A_1482 = arith.mulf %select_n3A_1383, %add3A_1480 : vector<16xf32>
        %gt3A_1483 = arith.cmpf ogt, %mul3A_1481, %mul3A_1482 : vector<16xf32>
        %select_n3A_1484 = arith.select %gt3A_1483, %sub3A_1478, %select_n3A_1383 : vector<16xi1>, vector<16xf32>
        %select_n3A_1485 = arith.select %gt3A_1483, %add3A_1480, %select_n3A_1384 : vector<16xi1>, vector<16xf32>
        %max3A_1486 = vector.broadcast %squeeze3A_1422 : f32 to vector<16xf32>
        %max3A_1487 = arith.maximumf %get3A_61, %max3A_1486 : vector<16xf32>
        %min3A_1488 = vector.broadcast %squeeze3A_1424 : f32 to vector<16xf32>
        %min3A_1489 = arith.minimumf %get3A_101, %min3A_1488 : vector<16xf32>
        %sub3A_1490 = arith.subf %min3A_1489, %max3A_1487 : vector<16xf32>
        %add3A_1491 = vector.broadcast %sub3A_1425 : f32 to vector<16xf32>
        %add3A_1492 = arith.addf %get3A_141, %add3A_1491 : vector<16xf32>
        %mul3A_1493 = arith.mulf %sub3A_1490, %select_n3A_1396 : vector<16xf32>
        %mul3A_1494 = arith.mulf %select_n3A_1395, %add3A_1492 : vector<16xf32>
        %gt3A_1495 = arith.cmpf ogt, %mul3A_1493, %mul3A_1494 : vector<16xf32>
        %select_n3A_1496 = arith.select %gt3A_1495, %sub3A_1490, %select_n3A_1395 : vector<16xi1>, vector<16xf32>
        %select_n3A_1497 = arith.select %gt3A_1495, %add3A_1492, %select_n3A_1396 : vector<16xi1>, vector<16xf32>
        %max3A_1498 = vector.broadcast %squeeze3A_1422 : f32 to vector<16xf32>
        %max3A_1499 = arith.maximumf %get3A_66, %max3A_1498 : vector<16xf32>
        %min3A_1500 = vector.broadcast %squeeze3A_1424 : f32 to vector<16xf32>
        %min3A_1501 = arith.minimumf %get3A_106, %min3A_1500 : vector<16xf32>
        %sub3A_1502 = arith.subf %min3A_1501, %max3A_1499 : vector<16xf32>
        %add3A_1503 = vector.broadcast %sub3A_1425 : f32 to vector<16xf32>
        %add3A_1504 = arith.addf %get3A_146, %add3A_1503 : vector<16xf32>
        %mul3A_1505 = arith.mulf %sub3A_1502, %select_n3A_1408 : vector<16xf32>
        %mul3A_1506 = arith.mulf %select_n3A_1407, %add3A_1504 : vector<16xf32>
        %gt3A_1507 = arith.cmpf ogt, %mul3A_1505, %mul3A_1506 : vector<16xf32>
        %select_n3A_1508 = arith.select %gt3A_1507, %sub3A_1502, %select_n3A_1407 : vector<16xi1>, vector<16xf32>
        %select_n3A_1509 = arith.select %gt3A_1507, %add3A_1504, %select_n3A_1408 : vector<16xi1>, vector<16xf32>
        %max3A_1510 = vector.broadcast %squeeze3A_1422 : f32 to vector<16xf32>
        %max3A_1511 = arith.maximumf %get3A_71, %max3A_1510 : vector<16xf32>
        %min3A_1512 = vector.broadcast %squeeze3A_1424 : f32 to vector<16xf32>
        %min3A_1513 = arith.minimumf %get3A_111, %min3A_1512 : vector<16xf32>
        %sub3A_1514 = arith.subf %min3A_1513, %max3A_1511 : vector<16xf32>
        %add3A_1515 = vector.broadcast %sub3A_1425 : f32 to vector<16xf32>
        %add3A_1516 = arith.addf %get3A_151, %add3A_1515 : vector<16xf32>
        %mul3A_1517 = arith.mulf %sub3A_1514, %select_n3A_1420 : vector<16xf32>
        %mul3A_1518 = arith.mulf %select_n3A_1419, %add3A_1516 : vector<16xf32>
        %gt3A_1519 = arith.cmpf ogt, %mul3A_1517, %mul3A_1518 : vector<16xf32>
        %select_n3A_1520 = arith.select %gt3A_1519, %sub3A_1514, %select_n3A_1419 : vector<16xi1>, vector<16xf32>
        %select_n3A_1521 = arith.select %gt3A_1519, %add3A_1516, %select_n3A_1420 : vector<16xi1>, vector<16xf32>
        %slice3A_1522 = vector.extract_strided_slice %get3A_312 {offsets = [12], sizes = [1], strides = [1]} : vector<16xf32> to vector<1xf32>
        %squeeze3A_1523 = vector.extract %slice3A_1522[0] : f32 from vector<1xf32>
        %slice3A_1524 = vector.extract_strided_slice %get3A_315 {offsets = [12], sizes = [1], strides = [1]} : vector<16xf32> to vector<1xf32>
        %squeeze3A_1525 = vector.extract %slice3A_1524[0] : f32 from vector<1xf32>
        %sub3A_1526 = arith.subf %squeeze3A_1525, %squeeze3A_1523 : f32
        %max3A_1527 = vector.broadcast %squeeze3A_1523 : f32 to vector<16xf32>
        %max3A_1528 = arith.maximumf %get3A_36, %max3A_1527 : vector<16xf32>
        %min3A_1529 = vector.broadcast %squeeze3A_1525 : f32 to vector<16xf32>
        %min3A_1530 = arith.minimumf %get3A_76, %min3A_1529 : vector<16xf32>
        %sub3A_1531 = arith.subf %min3A_1530, %max3A_1528 : vector<16xf32>
        %add3A_1532 = vector.broadcast %sub3A_1526 : f32 to vector<16xf32>
        %add3A_1533 = arith.addf %get3A_116, %add3A_1532 : vector<16xf32>
        %mul3A_1534 = arith.mulf %sub3A_1531, %select_n3A_1437 : vector<16xf32>
        %mul3A_1535 = arith.mulf %select_n3A_1436, %add3A_1533 : vector<16xf32>
        %gt3A_1536 = arith.cmpf ogt, %mul3A_1534, %mul3A_1535 : vector<16xf32>
        %select_n3A_1537 = arith.select %gt3A_1536, %sub3A_1531, %select_n3A_1436 : vector<16xi1>, vector<16xf32>
        %select_n3A_1538 = arith.select %gt3A_1536, %add3A_1533, %select_n3A_1437 : vector<16xi1>, vector<16xf32>
        %max3A_1539 = vector.broadcast %squeeze3A_1523 : f32 to vector<16xf32>
        %max3A_1540 = arith.maximumf %get3A_41, %max3A_1539 : vector<16xf32>
        %min3A_1541 = vector.broadcast %squeeze3A_1525 : f32 to vector<16xf32>
        %min3A_1542 = arith.minimumf %get3A_81, %min3A_1541 : vector<16xf32>
        %sub3A_1543 = arith.subf %min3A_1542, %max3A_1540 : vector<16xf32>
        %add3A_1544 = vector.broadcast %sub3A_1526 : f32 to vector<16xf32>
        %add3A_1545 = arith.addf %get3A_121, %add3A_1544 : vector<16xf32>
        %mul3A_1546 = arith.mulf %sub3A_1543, %select_n3A_1449 : vector<16xf32>
        %mul3A_1547 = arith.mulf %select_n3A_1448, %add3A_1545 : vector<16xf32>
        %gt3A_1548 = arith.cmpf ogt, %mul3A_1546, %mul3A_1547 : vector<16xf32>
        %select_n3A_1549 = arith.select %gt3A_1548, %sub3A_1543, %select_n3A_1448 : vector<16xi1>, vector<16xf32>
        %select_n3A_1550 = arith.select %gt3A_1548, %add3A_1545, %select_n3A_1449 : vector<16xi1>, vector<16xf32>
        %max3A_1551 = vector.broadcast %squeeze3A_1523 : f32 to vector<16xf32>
        %max3A_1552 = arith.maximumf %get3A_46, %max3A_1551 : vector<16xf32>
        %min3A_1553 = vector.broadcast %squeeze3A_1525 : f32 to vector<16xf32>
        %min3A_1554 = arith.minimumf %get3A_86, %min3A_1553 : vector<16xf32>
        %sub3A_1555 = arith.subf %min3A_1554, %max3A_1552 : vector<16xf32>
        %add3A_1556 = vector.broadcast %sub3A_1526 : f32 to vector<16xf32>
        %add3A_1557 = arith.addf %get3A_126, %add3A_1556 : vector<16xf32>
        %mul3A_1558 = arith.mulf %sub3A_1555, %select_n3A_1461 : vector<16xf32>
        %mul3A_1559 = arith.mulf %select_n3A_1460, %add3A_1557 : vector<16xf32>
        %gt3A_1560 = arith.cmpf ogt, %mul3A_1558, %mul3A_1559 : vector<16xf32>
        %select_n3A_1561 = arith.select %gt3A_1560, %sub3A_1555, %select_n3A_1460 : vector<16xi1>, vector<16xf32>
        %select_n3A_1562 = arith.select %gt3A_1560, %add3A_1557, %select_n3A_1461 : vector<16xi1>, vector<16xf32>
        %max3A_1563 = vector.broadcast %squeeze3A_1523 : f32 to vector<16xf32>
        %max3A_1564 = arith.maximumf %get3A_51, %max3A_1563 : vector<16xf32>
        %min3A_1565 = vector.broadcast %squeeze3A_1525 : f32 to vector<16xf32>
        %min3A_1566 = arith.minimumf %get3A_91, %min3A_1565 : vector<16xf32>
        %sub3A_1567 = arith.subf %min3A_1566, %max3A_1564 : vector<16xf32>
        %add3A_1568 = vector.broadcast %sub3A_1526 : f32 to vector<16xf32>
        %add3A_1569 = arith.addf %get3A_131, %add3A_1568 : vector<16xf32>
        %mul3A_1570 = arith.mulf %sub3A_1567, %select_n3A_1473 : vector<16xf32>
        %mul3A_1571 = arith.mulf %select_n3A_1472, %add3A_1569 : vector<16xf32>
        %gt3A_1572 = arith.cmpf ogt, %mul3A_1570, %mul3A_1571 : vector<16xf32>
        %select_n3A_1573 = arith.select %gt3A_1572, %sub3A_1567, %select_n3A_1472 : vector<16xi1>, vector<16xf32>
        %select_n3A_1574 = arith.select %gt3A_1572, %add3A_1569, %select_n3A_1473 : vector<16xi1>, vector<16xf32>
        %max3A_1575 = vector.broadcast %squeeze3A_1523 : f32 to vector<16xf32>
        %max3A_1576 = arith.maximumf %get3A_56, %max3A_1575 : vector<16xf32>
        %min3A_1577 = vector.broadcast %squeeze3A_1525 : f32 to vector<16xf32>
        %min3A_1578 = arith.minimumf %get3A_96, %min3A_1577 : vector<16xf32>
        %sub3A_1579 = arith.subf %min3A_1578, %max3A_1576 : vector<16xf32>
        %add3A_1580 = vector.broadcast %sub3A_1526 : f32 to vector<16xf32>
        %add3A_1581 = arith.addf %get3A_136, %add3A_1580 : vector<16xf32>
        %mul3A_1582 = arith.mulf %sub3A_1579, %select_n3A_1485 : vector<16xf32>
        %mul3A_1583 = arith.mulf %select_n3A_1484, %add3A_1581 : vector<16xf32>
        %gt3A_1584 = arith.cmpf ogt, %mul3A_1582, %mul3A_1583 : vector<16xf32>
        %select_n3A_1585 = arith.select %gt3A_1584, %sub3A_1579, %select_n3A_1484 : vector<16xi1>, vector<16xf32>
        %select_n3A_1586 = arith.select %gt3A_1584, %add3A_1581, %select_n3A_1485 : vector<16xi1>, vector<16xf32>
        %max3A_1587 = vector.broadcast %squeeze3A_1523 : f32 to vector<16xf32>
        %max3A_1588 = arith.maximumf %get3A_61, %max3A_1587 : vector<16xf32>
        %min3A_1589 = vector.broadcast %squeeze3A_1525 : f32 to vector<16xf32>
        %min3A_1590 = arith.minimumf %get3A_101, %min3A_1589 : vector<16xf32>
        %sub3A_1591 = arith.subf %min3A_1590, %max3A_1588 : vector<16xf32>
        %add3A_1592 = vector.broadcast %sub3A_1526 : f32 to vector<16xf32>
        %add3A_1593 = arith.addf %get3A_141, %add3A_1592 : vector<16xf32>
        %mul3A_1594 = arith.mulf %sub3A_1591, %select_n3A_1497 : vector<16xf32>
        %mul3A_1595 = arith.mulf %select_n3A_1496, %add3A_1593 : vector<16xf32>
        %gt3A_1596 = arith.cmpf ogt, %mul3A_1594, %mul3A_1595 : vector<16xf32>
        %select_n3A_1597 = arith.select %gt3A_1596, %sub3A_1591, %select_n3A_1496 : vector<16xi1>, vector<16xf32>
        %select_n3A_1598 = arith.select %gt3A_1596, %add3A_1593, %select_n3A_1497 : vector<16xi1>, vector<16xf32>
        %max3A_1599 = vector.broadcast %squeeze3A_1523 : f32 to vector<16xf32>
        %max3A_1600 = arith.maximumf %get3A_66, %max3A_1599 : vector<16xf32>
        %min3A_1601 = vector.broadcast %squeeze3A_1525 : f32 to vector<16xf32>
        %min3A_1602 = arith.minimumf %get3A_106, %min3A_1601 : vector<16xf32>
        %sub3A_1603 = arith.subf %min3A_1602, %max3A_1600 : vector<16xf32>
        %add3A_1604 = vector.broadcast %sub3A_1526 : f32 to vector<16xf32>
        %add3A_1605 = arith.addf %get3A_146, %add3A_1604 : vector<16xf32>
        %mul3A_1606 = arith.mulf %sub3A_1603, %select_n3A_1509 : vector<16xf32>
        %mul3A_1607 = arith.mulf %select_n3A_1508, %add3A_1605 : vector<16xf32>
        %gt3A_1608 = arith.cmpf ogt, %mul3A_1606, %mul3A_1607 : vector<16xf32>
        %select_n3A_1609 = arith.select %gt3A_1608, %sub3A_1603, %select_n3A_1508 : vector<16xi1>, vector<16xf32>
        %select_n3A_1610 = arith.select %gt3A_1608, %add3A_1605, %select_n3A_1509 : vector<16xi1>, vector<16xf32>
        %max3A_1611 = vector.broadcast %squeeze3A_1523 : f32 to vector<16xf32>
        %max3A_1612 = arith.maximumf %get3A_71, %max3A_1611 : vector<16xf32>
        %min3A_1613 = vector.broadcast %squeeze3A_1525 : f32 to vector<16xf32>
        %min3A_1614 = arith.minimumf %get3A_111, %min3A_1613 : vector<16xf32>
        %sub3A_1615 = arith.subf %min3A_1614, %max3A_1612 : vector<16xf32>
        %add3A_1616 = vector.broadcast %sub3A_1526 : f32 to vector<16xf32>
        %add3A_1617 = arith.addf %get3A_151, %add3A_1616 : vector<16xf32>
        %mul3A_1618 = arith.mulf %sub3A_1615, %select_n3A_1521 : vector<16xf32>
        %mul3A_1619 = arith.mulf %select_n3A_1520, %add3A_1617 : vector<16xf32>
        %gt3A_1620 = arith.cmpf ogt, %mul3A_1618, %mul3A_1619 : vector<16xf32>
        %select_n3A_1621 = arith.select %gt3A_1620, %sub3A_1615, %select_n3A_1520 : vector<16xi1>, vector<16xf32>
        %select_n3A_1622 = arith.select %gt3A_1620, %add3A_1617, %select_n3A_1521 : vector<16xi1>, vector<16xf32>
        %slice3A_1623 = vector.extract_strided_slice %get3A_312 {offsets = [13], sizes = [1], strides = [1]} : vector<16xf32> to vector<1xf32>
        %squeeze3A_1624 = vector.extract %slice3A_1623[0] : f32 from vector<1xf32>
        %slice3A_1625 = vector.extract_strided_slice %get3A_315 {offsets = [13], sizes = [1], strides = [1]} : vector<16xf32> to vector<1xf32>
        %squeeze3A_1626 = vector.extract %slice3A_1625[0] : f32 from vector<1xf32>
        %sub3A_1627 = arith.subf %squeeze3A_1626, %squeeze3A_1624 : f32
        %max3A_1628 = vector.broadcast %squeeze3A_1624 : f32 to vector<16xf32>
        %max3A_1629 = arith.maximumf %get3A_36, %max3A_1628 : vector<16xf32>
        %min3A_1630 = vector.broadcast %squeeze3A_1626 : f32 to vector<16xf32>
        %min3A_1631 = arith.minimumf %get3A_76, %min3A_1630 : vector<16xf32>
        %sub3A_1632 = arith.subf %min3A_1631, %max3A_1629 : vector<16xf32>
        %add3A_1633 = vector.broadcast %sub3A_1627 : f32 to vector<16xf32>
        %add3A_1634 = arith.addf %get3A_116, %add3A_1633 : vector<16xf32>
        %mul3A_1635 = arith.mulf %sub3A_1632, %select_n3A_1538 : vector<16xf32>
        %mul3A_1636 = arith.mulf %select_n3A_1537, %add3A_1634 : vector<16xf32>
        %gt3A_1637 = arith.cmpf ogt, %mul3A_1635, %mul3A_1636 : vector<16xf32>
        %select_n3A_1638 = arith.select %gt3A_1637, %sub3A_1632, %select_n3A_1537 : vector<16xi1>, vector<16xf32>
        %select_n3A_1639 = arith.select %gt3A_1637, %add3A_1634, %select_n3A_1538 : vector<16xi1>, vector<16xf32>
        %max3A_1640 = vector.broadcast %squeeze3A_1624 : f32 to vector<16xf32>
        %max3A_1641 = arith.maximumf %get3A_41, %max3A_1640 : vector<16xf32>
        %min3A_1642 = vector.broadcast %squeeze3A_1626 : f32 to vector<16xf32>
        %min3A_1643 = arith.minimumf %get3A_81, %min3A_1642 : vector<16xf32>
        %sub3A_1644 = arith.subf %min3A_1643, %max3A_1641 : vector<16xf32>
        %add3A_1645 = vector.broadcast %sub3A_1627 : f32 to vector<16xf32>
        %add3A_1646 = arith.addf %get3A_121, %add3A_1645 : vector<16xf32>
        %mul3A_1647 = arith.mulf %sub3A_1644, %select_n3A_1550 : vector<16xf32>
        %mul3A_1648 = arith.mulf %select_n3A_1549, %add3A_1646 : vector<16xf32>
        %gt3A_1649 = arith.cmpf ogt, %mul3A_1647, %mul3A_1648 : vector<16xf32>
        %select_n3A_1650 = arith.select %gt3A_1649, %sub3A_1644, %select_n3A_1549 : vector<16xi1>, vector<16xf32>
        %select_n3A_1651 = arith.select %gt3A_1649, %add3A_1646, %select_n3A_1550 : vector<16xi1>, vector<16xf32>
        %max3A_1652 = vector.broadcast %squeeze3A_1624 : f32 to vector<16xf32>
        %max3A_1653 = arith.maximumf %get3A_46, %max3A_1652 : vector<16xf32>
        %min3A_1654 = vector.broadcast %squeeze3A_1626 : f32 to vector<16xf32>
        %min3A_1655 = arith.minimumf %get3A_86, %min3A_1654 : vector<16xf32>
        %sub3A_1656 = arith.subf %min3A_1655, %max3A_1653 : vector<16xf32>
        %add3A_1657 = vector.broadcast %sub3A_1627 : f32 to vector<16xf32>
        %add3A_1658 = arith.addf %get3A_126, %add3A_1657 : vector<16xf32>
        %mul3A_1659 = arith.mulf %sub3A_1656, %select_n3A_1562 : vector<16xf32>
        %mul3A_1660 = arith.mulf %select_n3A_1561, %add3A_1658 : vector<16xf32>
        %gt3A_1661 = arith.cmpf ogt, %mul3A_1659, %mul3A_1660 : vector<16xf32>
        %select_n3A_1662 = arith.select %gt3A_1661, %sub3A_1656, %select_n3A_1561 : vector<16xi1>, vector<16xf32>
        %select_n3A_1663 = arith.select %gt3A_1661, %add3A_1658, %select_n3A_1562 : vector<16xi1>, vector<16xf32>
        %max3A_1664 = vector.broadcast %squeeze3A_1624 : f32 to vector<16xf32>
        %max3A_1665 = arith.maximumf %get3A_51, %max3A_1664 : vector<16xf32>
        %min3A_1666 = vector.broadcast %squeeze3A_1626 : f32 to vector<16xf32>
        %min3A_1667 = arith.minimumf %get3A_91, %min3A_1666 : vector<16xf32>
        %sub3A_1668 = arith.subf %min3A_1667, %max3A_1665 : vector<16xf32>
        %add3A_1669 = vector.broadcast %sub3A_1627 : f32 to vector<16xf32>
        %add3A_1670 = arith.addf %get3A_131, %add3A_1669 : vector<16xf32>
        %mul3A_1671 = arith.mulf %sub3A_1668, %select_n3A_1574 : vector<16xf32>
        %mul3A_1672 = arith.mulf %select_n3A_1573, %add3A_1670 : vector<16xf32>
        %gt3A_1673 = arith.cmpf ogt, %mul3A_1671, %mul3A_1672 : vector<16xf32>
        %select_n3A_1674 = arith.select %gt3A_1673, %sub3A_1668, %select_n3A_1573 : vector<16xi1>, vector<16xf32>
        %select_n3A_1675 = arith.select %gt3A_1673, %add3A_1670, %select_n3A_1574 : vector<16xi1>, vector<16xf32>
        %max3A_1676 = vector.broadcast %squeeze3A_1624 : f32 to vector<16xf32>
        %max3A_1677 = arith.maximumf %get3A_56, %max3A_1676 : vector<16xf32>
        %min3A_1678 = vector.broadcast %squeeze3A_1626 : f32 to vector<16xf32>
        %min3A_1679 = arith.minimumf %get3A_96, %min3A_1678 : vector<16xf32>
        %sub3A_1680 = arith.subf %min3A_1679, %max3A_1677 : vector<16xf32>
        %add3A_1681 = vector.broadcast %sub3A_1627 : f32 to vector<16xf32>
        %add3A_1682 = arith.addf %get3A_136, %add3A_1681 : vector<16xf32>
        %mul3A_1683 = arith.mulf %sub3A_1680, %select_n3A_1586 : vector<16xf32>
        %mul3A_1684 = arith.mulf %select_n3A_1585, %add3A_1682 : vector<16xf32>
        %gt3A_1685 = arith.cmpf ogt, %mul3A_1683, %mul3A_1684 : vector<16xf32>
        %select_n3A_1686 = arith.select %gt3A_1685, %sub3A_1680, %select_n3A_1585 : vector<16xi1>, vector<16xf32>
        %select_n3A_1687 = arith.select %gt3A_1685, %add3A_1682, %select_n3A_1586 : vector<16xi1>, vector<16xf32>
        %max3A_1688 = vector.broadcast %squeeze3A_1624 : f32 to vector<16xf32>
        %max3A_1689 = arith.maximumf %get3A_61, %max3A_1688 : vector<16xf32>
        %min3A_1690 = vector.broadcast %squeeze3A_1626 : f32 to vector<16xf32>
        %min3A_1691 = arith.minimumf %get3A_101, %min3A_1690 : vector<16xf32>
        %sub3A_1692 = arith.subf %min3A_1691, %max3A_1689 : vector<16xf32>
        %add3A_1693 = vector.broadcast %sub3A_1627 : f32 to vector<16xf32>
        %add3A_1694 = arith.addf %get3A_141, %add3A_1693 : vector<16xf32>
        %mul3A_1695 = arith.mulf %sub3A_1692, %select_n3A_1598 : vector<16xf32>
        %mul3A_1696 = arith.mulf %select_n3A_1597, %add3A_1694 : vector<16xf32>
        %gt3A_1697 = arith.cmpf ogt, %mul3A_1695, %mul3A_1696 : vector<16xf32>
        %select_n3A_1698 = arith.select %gt3A_1697, %sub3A_1692, %select_n3A_1597 : vector<16xi1>, vector<16xf32>
        %select_n3A_1699 = arith.select %gt3A_1697, %add3A_1694, %select_n3A_1598 : vector<16xi1>, vector<16xf32>
        %max3A_1700 = vector.broadcast %squeeze3A_1624 : f32 to vector<16xf32>
        %max3A_1701 = arith.maximumf %get3A_66, %max3A_1700 : vector<16xf32>
        %min3A_1702 = vector.broadcast %squeeze3A_1626 : f32 to vector<16xf32>
        %min3A_1703 = arith.minimumf %get3A_106, %min3A_1702 : vector<16xf32>
        %sub3A_1704 = arith.subf %min3A_1703, %max3A_1701 : vector<16xf32>
        %add3A_1705 = vector.broadcast %sub3A_1627 : f32 to vector<16xf32>
        %add3A_1706 = arith.addf %get3A_146, %add3A_1705 : vector<16xf32>
        %mul3A_1707 = arith.mulf %sub3A_1704, %select_n3A_1610 : vector<16xf32>
        %mul3A_1708 = arith.mulf %select_n3A_1609, %add3A_1706 : vector<16xf32>
        %gt3A_1709 = arith.cmpf ogt, %mul3A_1707, %mul3A_1708 : vector<16xf32>
        %select_n3A_1710 = arith.select %gt3A_1709, %sub3A_1704, %select_n3A_1609 : vector<16xi1>, vector<16xf32>
        %select_n3A_1711 = arith.select %gt3A_1709, %add3A_1706, %select_n3A_1610 : vector<16xi1>, vector<16xf32>
        %max3A_1712 = vector.broadcast %squeeze3A_1624 : f32 to vector<16xf32>
        %max3A_1713 = arith.maximumf %get3A_71, %max3A_1712 : vector<16xf32>
        %min3A_1714 = vector.broadcast %squeeze3A_1626 : f32 to vector<16xf32>
        %min3A_1715 = arith.minimumf %get3A_111, %min3A_1714 : vector<16xf32>
        %sub3A_1716 = arith.subf %min3A_1715, %max3A_1713 : vector<16xf32>
        %add3A_1717 = vector.broadcast %sub3A_1627 : f32 to vector<16xf32>
        %add3A_1718 = arith.addf %get3A_151, %add3A_1717 : vector<16xf32>
        %mul3A_1719 = arith.mulf %sub3A_1716, %select_n3A_1622 : vector<16xf32>
        %mul3A_1720 = arith.mulf %select_n3A_1621, %add3A_1718 : vector<16xf32>
        %gt3A_1721 = arith.cmpf ogt, %mul3A_1719, %mul3A_1720 : vector<16xf32>
        %select_n3A_1722 = arith.select %gt3A_1721, %sub3A_1716, %select_n3A_1621 : vector<16xi1>, vector<16xf32>
        %select_n3A_1723 = arith.select %gt3A_1721, %add3A_1718, %select_n3A_1622 : vector<16xi1>, vector<16xf32>
        %slice3A_1724 = vector.extract_strided_slice %get3A_312 {offsets = [14], sizes = [1], strides = [1]} : vector<16xf32> to vector<1xf32>
        %squeeze3A_1725 = vector.extract %slice3A_1724[0] : f32 from vector<1xf32>
        %slice3A_1726 = vector.extract_strided_slice %get3A_315 {offsets = [14], sizes = [1], strides = [1]} : vector<16xf32> to vector<1xf32>
        %squeeze3A_1727 = vector.extract %slice3A_1726[0] : f32 from vector<1xf32>
        %sub3A_1728 = arith.subf %squeeze3A_1727, %squeeze3A_1725 : f32
        %max3A_1729 = vector.broadcast %squeeze3A_1725 : f32 to vector<16xf32>
        %max3A_1730 = arith.maximumf %get3A_36, %max3A_1729 : vector<16xf32>
        %min3A_1731 = vector.broadcast %squeeze3A_1727 : f32 to vector<16xf32>
        %min3A_1732 = arith.minimumf %get3A_76, %min3A_1731 : vector<16xf32>
        %sub3A_1733 = arith.subf %min3A_1732, %max3A_1730 : vector<16xf32>
        %add3A_1734 = vector.broadcast %sub3A_1728 : f32 to vector<16xf32>
        %add3A_1735 = arith.addf %get3A_116, %add3A_1734 : vector<16xf32>
        %mul3A_1736 = arith.mulf %sub3A_1733, %select_n3A_1639 : vector<16xf32>
        %mul3A_1737 = arith.mulf %select_n3A_1638, %add3A_1735 : vector<16xf32>
        %gt3A_1738 = arith.cmpf ogt, %mul3A_1736, %mul3A_1737 : vector<16xf32>
        %select_n3A_1739 = arith.select %gt3A_1738, %sub3A_1733, %select_n3A_1638 : vector<16xi1>, vector<16xf32>
        %select_n3A_1740 = arith.select %gt3A_1738, %add3A_1735, %select_n3A_1639 : vector<16xi1>, vector<16xf32>
        %max3A_1741 = vector.broadcast %squeeze3A_1725 : f32 to vector<16xf32>
        %max3A_1742 = arith.maximumf %get3A_41, %max3A_1741 : vector<16xf32>
        %min3A_1743 = vector.broadcast %squeeze3A_1727 : f32 to vector<16xf32>
        %min3A_1744 = arith.minimumf %get3A_81, %min3A_1743 : vector<16xf32>
        %sub3A_1745 = arith.subf %min3A_1744, %max3A_1742 : vector<16xf32>
        %add3A_1746 = vector.broadcast %sub3A_1728 : f32 to vector<16xf32>
        %add3A_1747 = arith.addf %get3A_121, %add3A_1746 : vector<16xf32>
        %mul3A_1748 = arith.mulf %sub3A_1745, %select_n3A_1651 : vector<16xf32>
        %mul3A_1749 = arith.mulf %select_n3A_1650, %add3A_1747 : vector<16xf32>
        %gt3A_1750 = arith.cmpf ogt, %mul3A_1748, %mul3A_1749 : vector<16xf32>
        %select_n3A_1751 = arith.select %gt3A_1750, %sub3A_1745, %select_n3A_1650 : vector<16xi1>, vector<16xf32>
        %select_n3A_1752 = arith.select %gt3A_1750, %add3A_1747, %select_n3A_1651 : vector<16xi1>, vector<16xf32>
        %max3A_1753 = vector.broadcast %squeeze3A_1725 : f32 to vector<16xf32>
        %max3A_1754 = arith.maximumf %get3A_46, %max3A_1753 : vector<16xf32>
        %min3A_1755 = vector.broadcast %squeeze3A_1727 : f32 to vector<16xf32>
        %min3A_1756 = arith.minimumf %get3A_86, %min3A_1755 : vector<16xf32>
        %sub3A_1757 = arith.subf %min3A_1756, %max3A_1754 : vector<16xf32>
        %add3A_1758 = vector.broadcast %sub3A_1728 : f32 to vector<16xf32>
        %add3A_1759 = arith.addf %get3A_126, %add3A_1758 : vector<16xf32>
        %mul3A_1760 = arith.mulf %sub3A_1757, %select_n3A_1663 : vector<16xf32>
        %mul3A_1761 = arith.mulf %select_n3A_1662, %add3A_1759 : vector<16xf32>
        %gt3A_1762 = arith.cmpf ogt, %mul3A_1760, %mul3A_1761 : vector<16xf32>
        %select_n3A_1763 = arith.select %gt3A_1762, %sub3A_1757, %select_n3A_1662 : vector<16xi1>, vector<16xf32>
        %select_n3A_1764 = arith.select %gt3A_1762, %add3A_1759, %select_n3A_1663 : vector<16xi1>, vector<16xf32>
        %max3A_1765 = vector.broadcast %squeeze3A_1725 : f32 to vector<16xf32>
        %max3A_1766 = arith.maximumf %get3A_51, %max3A_1765 : vector<16xf32>
        %min3A_1767 = vector.broadcast %squeeze3A_1727 : f32 to vector<16xf32>
        %min3A_1768 = arith.minimumf %get3A_91, %min3A_1767 : vector<16xf32>
        %sub3A_1769 = arith.subf %min3A_1768, %max3A_1766 : vector<16xf32>
        %add3A_1770 = vector.broadcast %sub3A_1728 : f32 to vector<16xf32>
        %add3A_1771 = arith.addf %get3A_131, %add3A_1770 : vector<16xf32>
        %mul3A_1772 = arith.mulf %sub3A_1769, %select_n3A_1675 : vector<16xf32>
        %mul3A_1773 = arith.mulf %select_n3A_1674, %add3A_1771 : vector<16xf32>
        %gt3A_1774 = arith.cmpf ogt, %mul3A_1772, %mul3A_1773 : vector<16xf32>
        %select_n3A_1775 = arith.select %gt3A_1774, %sub3A_1769, %select_n3A_1674 : vector<16xi1>, vector<16xf32>
        %select_n3A_1776 = arith.select %gt3A_1774, %add3A_1771, %select_n3A_1675 : vector<16xi1>, vector<16xf32>
        %max3A_1777 = vector.broadcast %squeeze3A_1725 : f32 to vector<16xf32>
        %max3A_1778 = arith.maximumf %get3A_56, %max3A_1777 : vector<16xf32>
        %min3A_1779 = vector.broadcast %squeeze3A_1727 : f32 to vector<16xf32>
        %min3A_1780 = arith.minimumf %get3A_96, %min3A_1779 : vector<16xf32>
        %sub3A_1781 = arith.subf %min3A_1780, %max3A_1778 : vector<16xf32>
        %add3A_1782 = vector.broadcast %sub3A_1728 : f32 to vector<16xf32>
        %add3A_1783 = arith.addf %get3A_136, %add3A_1782 : vector<16xf32>
        %mul3A_1784 = arith.mulf %sub3A_1781, %select_n3A_1687 : vector<16xf32>
        %mul3A_1785 = arith.mulf %select_n3A_1686, %add3A_1783 : vector<16xf32>
        %gt3A_1786 = arith.cmpf ogt, %mul3A_1784, %mul3A_1785 : vector<16xf32>
        %select_n3A_1787 = arith.select %gt3A_1786, %sub3A_1781, %select_n3A_1686 : vector<16xi1>, vector<16xf32>
        %select_n3A_1788 = arith.select %gt3A_1786, %add3A_1783, %select_n3A_1687 : vector<16xi1>, vector<16xf32>
        %max3A_1789 = vector.broadcast %squeeze3A_1725 : f32 to vector<16xf32>
        %max3A_1790 = arith.maximumf %get3A_61, %max3A_1789 : vector<16xf32>
        %min3A_1791 = vector.broadcast %squeeze3A_1727 : f32 to vector<16xf32>
        %min3A_1792 = arith.minimumf %get3A_101, %min3A_1791 : vector<16xf32>
        %sub3A_1793 = arith.subf %min3A_1792, %max3A_1790 : vector<16xf32>
        %add3A_1794 = vector.broadcast %sub3A_1728 : f32 to vector<16xf32>
        %add3A_1795 = arith.addf %get3A_141, %add3A_1794 : vector<16xf32>
        %mul3A_1796 = arith.mulf %sub3A_1793, %select_n3A_1699 : vector<16xf32>
        %mul3A_1797 = arith.mulf %select_n3A_1698, %add3A_1795 : vector<16xf32>
        %gt3A_1798 = arith.cmpf ogt, %mul3A_1796, %mul3A_1797 : vector<16xf32>
        %select_n3A_1799 = arith.select %gt3A_1798, %sub3A_1793, %select_n3A_1698 : vector<16xi1>, vector<16xf32>
        %select_n3A_1800 = arith.select %gt3A_1798, %add3A_1795, %select_n3A_1699 : vector<16xi1>, vector<16xf32>
        %max3A_1801 = vector.broadcast %squeeze3A_1725 : f32 to vector<16xf32>
        %max3A_1802 = arith.maximumf %get3A_66, %max3A_1801 : vector<16xf32>
        %min3A_1803 = vector.broadcast %squeeze3A_1727 : f32 to vector<16xf32>
        %min3A_1804 = arith.minimumf %get3A_106, %min3A_1803 : vector<16xf32>
        %sub3A_1805 = arith.subf %min3A_1804, %max3A_1802 : vector<16xf32>
        %add3A_1806 = vector.broadcast %sub3A_1728 : f32 to vector<16xf32>
        %add3A_1807 = arith.addf %get3A_146, %add3A_1806 : vector<16xf32>
        %mul3A_1808 = arith.mulf %sub3A_1805, %select_n3A_1711 : vector<16xf32>
        %mul3A_1809 = arith.mulf %select_n3A_1710, %add3A_1807 : vector<16xf32>
        %gt3A_1810 = arith.cmpf ogt, %mul3A_1808, %mul3A_1809 : vector<16xf32>
        %select_n3A_1811 = arith.select %gt3A_1810, %sub3A_1805, %select_n3A_1710 : vector<16xi1>, vector<16xf32>
        %select_n3A_1812 = arith.select %gt3A_1810, %add3A_1807, %select_n3A_1711 : vector<16xi1>, vector<16xf32>
        %max3A_1813 = vector.broadcast %squeeze3A_1725 : f32 to vector<16xf32>
        %max3A_1814 = arith.maximumf %get3A_71, %max3A_1813 : vector<16xf32>
        %min3A_1815 = vector.broadcast %squeeze3A_1727 : f32 to vector<16xf32>
        %min3A_1816 = arith.minimumf %get3A_111, %min3A_1815 : vector<16xf32>
        %sub3A_1817 = arith.subf %min3A_1816, %max3A_1814 : vector<16xf32>
        %add3A_1818 = vector.broadcast %sub3A_1728 : f32 to vector<16xf32>
        %add3A_1819 = arith.addf %get3A_151, %add3A_1818 : vector<16xf32>
        %mul3A_1820 = arith.mulf %sub3A_1817, %select_n3A_1723 : vector<16xf32>
        %mul3A_1821 = arith.mulf %select_n3A_1722, %add3A_1819 : vector<16xf32>
        %gt3A_1822 = arith.cmpf ogt, %mul3A_1820, %mul3A_1821 : vector<16xf32>
        %select_n3A_1823 = arith.select %gt3A_1822, %sub3A_1817, %select_n3A_1722 : vector<16xi1>, vector<16xf32>
        %select_n3A_1824 = arith.select %gt3A_1822, %add3A_1819, %select_n3A_1723 : vector<16xi1>, vector<16xf32>
        %slice3A_1825 = vector.extract_strided_slice %get3A_312 {offsets = [15], sizes = [1], strides = [1]} : vector<16xf32> to vector<1xf32>
        %squeeze3A_1826 = vector.extract %slice3A_1825[0] : f32 from vector<1xf32>
        %slice3A_1827 = vector.extract_strided_slice %get3A_315 {offsets = [15], sizes = [1], strides = [1]} : vector<16xf32> to vector<1xf32>
        %squeeze3A_1828 = vector.extract %slice3A_1827[0] : f32 from vector<1xf32>
        %sub3A_1829 = arith.subf %squeeze3A_1828, %squeeze3A_1826 : f32
        %max3A_1830 = vector.broadcast %squeeze3A_1826 : f32 to vector<16xf32>
        %max3A_1831 = arith.maximumf %get3A_36, %max3A_1830 : vector<16xf32>
        %min3A_1832 = vector.broadcast %squeeze3A_1828 : f32 to vector<16xf32>
        %min3A_1833 = arith.minimumf %get3A_76, %min3A_1832 : vector<16xf32>
        %sub3A_1834 = arith.subf %min3A_1833, %max3A_1831 : vector<16xf32>
        %add3A_1835 = vector.broadcast %sub3A_1829 : f32 to vector<16xf32>
        %add3A_1836 = arith.addf %get3A_116, %add3A_1835 : vector<16xf32>
        %mul3A_1837 = arith.mulf %sub3A_1834, %select_n3A_1740 : vector<16xf32>
        %mul3A_1838 = arith.mulf %select_n3A_1739, %add3A_1836 : vector<16xf32>
        %gt3A_1839 = arith.cmpf ogt, %mul3A_1837, %mul3A_1838 : vector<16xf32>
        %select_n3A_1840 = arith.select %gt3A_1839, %sub3A_1834, %select_n3A_1739 : vector<16xi1>, vector<16xf32>
        %select_n3A_1841 = arith.select %gt3A_1839, %add3A_1836, %select_n3A_1740 : vector<16xi1>, vector<16xf32>
        %max3A_1842 = vector.broadcast %squeeze3A_1826 : f32 to vector<16xf32>
        %max3A_1843 = arith.maximumf %get3A_41, %max3A_1842 : vector<16xf32>
        %min3A_1844 = vector.broadcast %squeeze3A_1828 : f32 to vector<16xf32>
        %min3A_1845 = arith.minimumf %get3A_81, %min3A_1844 : vector<16xf32>
        %sub3A_1846 = arith.subf %min3A_1845, %max3A_1843 : vector<16xf32>
        %add3A_1847 = vector.broadcast %sub3A_1829 : f32 to vector<16xf32>
        %add3A_1848 = arith.addf %get3A_121, %add3A_1847 : vector<16xf32>
        %mul3A_1849 = arith.mulf %sub3A_1846, %select_n3A_1752 : vector<16xf32>
        %mul3A_1850 = arith.mulf %select_n3A_1751, %add3A_1848 : vector<16xf32>
        %gt3A_1851 = arith.cmpf ogt, %mul3A_1849, %mul3A_1850 : vector<16xf32>
        %select_n3A_1852 = arith.select %gt3A_1851, %sub3A_1846, %select_n3A_1751 : vector<16xi1>, vector<16xf32>
        %select_n3A_1853 = arith.select %gt3A_1851, %add3A_1848, %select_n3A_1752 : vector<16xi1>, vector<16xf32>
        %max3A_1854 = vector.broadcast %squeeze3A_1826 : f32 to vector<16xf32>
        %max3A_1855 = arith.maximumf %get3A_46, %max3A_1854 : vector<16xf32>
        %min3A_1856 = vector.broadcast %squeeze3A_1828 : f32 to vector<16xf32>
        %min3A_1857 = arith.minimumf %get3A_86, %min3A_1856 : vector<16xf32>
        %sub3A_1858 = arith.subf %min3A_1857, %max3A_1855 : vector<16xf32>
        %add3A_1859 = vector.broadcast %sub3A_1829 : f32 to vector<16xf32>
        %add3A_1860 = arith.addf %get3A_126, %add3A_1859 : vector<16xf32>
        %mul3A_1861 = arith.mulf %sub3A_1858, %select_n3A_1764 : vector<16xf32>
        %mul3A_1862 = arith.mulf %select_n3A_1763, %add3A_1860 : vector<16xf32>
        %gt3A_1863 = arith.cmpf ogt, %mul3A_1861, %mul3A_1862 : vector<16xf32>
        %select_n3A_1864 = arith.select %gt3A_1863, %sub3A_1858, %select_n3A_1763 : vector<16xi1>, vector<16xf32>
        %select_n3A_1865 = arith.select %gt3A_1863, %add3A_1860, %select_n3A_1764 : vector<16xi1>, vector<16xf32>
        %max3A_1866 = vector.broadcast %squeeze3A_1826 : f32 to vector<16xf32>
        %max3A_1867 = arith.maximumf %get3A_51, %max3A_1866 : vector<16xf32>
        %min3A_1868 = vector.broadcast %squeeze3A_1828 : f32 to vector<16xf32>
        %min3A_1869 = arith.minimumf %get3A_91, %min3A_1868 : vector<16xf32>
        %sub3A_1870 = arith.subf %min3A_1869, %max3A_1867 : vector<16xf32>
        %add3A_1871 = vector.broadcast %sub3A_1829 : f32 to vector<16xf32>
        %add3A_1872 = arith.addf %get3A_131, %add3A_1871 : vector<16xf32>
        %mul3A_1873 = arith.mulf %sub3A_1870, %select_n3A_1776 : vector<16xf32>
        %mul3A_1874 = arith.mulf %select_n3A_1775, %add3A_1872 : vector<16xf32>
        %gt3A_1875 = arith.cmpf ogt, %mul3A_1873, %mul3A_1874 : vector<16xf32>
        %select_n3A_1876 = arith.select %gt3A_1875, %sub3A_1870, %select_n3A_1775 : vector<16xi1>, vector<16xf32>
        %select_n3A_1877 = arith.select %gt3A_1875, %add3A_1872, %select_n3A_1776 : vector<16xi1>, vector<16xf32>
        %max3A_1878 = vector.broadcast %squeeze3A_1826 : f32 to vector<16xf32>
        %max3A_1879 = arith.maximumf %get3A_56, %max3A_1878 : vector<16xf32>
        %min3A_1880 = vector.broadcast %squeeze3A_1828 : f32 to vector<16xf32>
        %min3A_1881 = arith.minimumf %get3A_96, %min3A_1880 : vector<16xf32>
        %sub3A_1882 = arith.subf %min3A_1881, %max3A_1879 : vector<16xf32>
        %add3A_1883 = vector.broadcast %sub3A_1829 : f32 to vector<16xf32>
        %add3A_1884 = arith.addf %get3A_136, %add3A_1883 : vector<16xf32>
        %mul3A_1885 = arith.mulf %sub3A_1882, %select_n3A_1788 : vector<16xf32>
        %mul3A_1886 = arith.mulf %select_n3A_1787, %add3A_1884 : vector<16xf32>
        %gt3A_1887 = arith.cmpf ogt, %mul3A_1885, %mul3A_1886 : vector<16xf32>
        %select_n3A_1888 = arith.select %gt3A_1887, %sub3A_1882, %select_n3A_1787 : vector<16xi1>, vector<16xf32>
        %select_n3A_1889 = arith.select %gt3A_1887, %add3A_1884, %select_n3A_1788 : vector<16xi1>, vector<16xf32>
        %max3A_1890 = vector.broadcast %squeeze3A_1826 : f32 to vector<16xf32>
        %max3A_1891 = arith.maximumf %get3A_61, %max3A_1890 : vector<16xf32>
        %min3A_1892 = vector.broadcast %squeeze3A_1828 : f32 to vector<16xf32>
        %min3A_1893 = arith.minimumf %get3A_101, %min3A_1892 : vector<16xf32>
        %sub3A_1894 = arith.subf %min3A_1893, %max3A_1891 : vector<16xf32>
        %add3A_1895 = vector.broadcast %sub3A_1829 : f32 to vector<16xf32>
        %add3A_1896 = arith.addf %get3A_141, %add3A_1895 : vector<16xf32>
        %mul3A_1897 = arith.mulf %sub3A_1894, %select_n3A_1800 : vector<16xf32>
        %mul3A_1898 = arith.mulf %select_n3A_1799, %add3A_1896 : vector<16xf32>
        %gt3A_1899 = arith.cmpf ogt, %mul3A_1897, %mul3A_1898 : vector<16xf32>
        %select_n3A_1900 = arith.select %gt3A_1899, %sub3A_1894, %select_n3A_1799 : vector<16xi1>, vector<16xf32>
        %select_n3A_1901 = arith.select %gt3A_1899, %add3A_1896, %select_n3A_1800 : vector<16xi1>, vector<16xf32>
        %max3A_1902 = vector.broadcast %squeeze3A_1826 : f32 to vector<16xf32>
        %max3A_1903 = arith.maximumf %get3A_66, %max3A_1902 : vector<16xf32>
        %min3A_1904 = vector.broadcast %squeeze3A_1828 : f32 to vector<16xf32>
        %min3A_1905 = arith.minimumf %get3A_106, %min3A_1904 : vector<16xf32>
        %sub3A_1906 = arith.subf %min3A_1905, %max3A_1903 : vector<16xf32>
        %add3A_1907 = vector.broadcast %sub3A_1829 : f32 to vector<16xf32>
        %add3A_1908 = arith.addf %get3A_146, %add3A_1907 : vector<16xf32>
        %mul3A_1909 = arith.mulf %sub3A_1906, %select_n3A_1812 : vector<16xf32>
        %mul3A_1910 = arith.mulf %select_n3A_1811, %add3A_1908 : vector<16xf32>
        %gt3A_1911 = arith.cmpf ogt, %mul3A_1909, %mul3A_1910 : vector<16xf32>
        %select_n3A_1912 = arith.select %gt3A_1911, %sub3A_1906, %select_n3A_1811 : vector<16xi1>, vector<16xf32>
        %select_n3A_1913 = arith.select %gt3A_1911, %add3A_1908, %select_n3A_1812 : vector<16xi1>, vector<16xf32>
        %max3A_1914 = vector.broadcast %squeeze3A_1826 : f32 to vector<16xf32>
        %max3A_1915 = arith.maximumf %get3A_71, %max3A_1914 : vector<16xf32>
        %min3A_1916 = vector.broadcast %squeeze3A_1828 : f32 to vector<16xf32>
        %min3A_1917 = arith.minimumf %get3A_111, %min3A_1916 : vector<16xf32>
        %sub3A_1918 = arith.subf %min3A_1917, %max3A_1915 : vector<16xf32>
        %add3A_1919 = vector.broadcast %sub3A_1829 : f32 to vector<16xf32>
        %add3A_1920 = arith.addf %get3A_151, %add3A_1919 : vector<16xf32>
        %mul3A_1921 = arith.mulf %sub3A_1918, %select_n3A_1824 : vector<16xf32>
        %mul3A_1922 = arith.mulf %select_n3A_1823, %add3A_1920 : vector<16xf32>
        %gt3A_1923 = arith.cmpf ogt, %mul3A_1921, %mul3A_1922 : vector<16xf32>
        %select_n3A_1924 = arith.select %gt3A_1923, %sub3A_1918, %select_n3A_1823 : vector<16xi1>, vector<16xf32>
        %select_n3A_1925 = arith.select %gt3A_1923, %add3A_1920, %select_n3A_1824 : vector<16xi1>, vector<16xf32>
        scf.yield %select_n3A_1840, %select_n3A_1852, %select_n3A_1864, %select_n3A_1876, %select_n3A_1888, %select_n3A_1900, %select_n3A_1912, %select_n3A_1924, %select_n3A_1841, %select_n3A_1853, %select_n3A_1865, %select_n3A_1877, %select_n3A_1889, %select_n3A_1901, %select_n3A_1913, %select_n3A_1925 : vector<16xf32>, vector<16xf32>, vector<16xf32>, vector<16xf32>, vector<16xf32>, vector<16xf32>, vector<16xf32>, vector<16xf32>, vector<16xf32>, vector<16xf32>, vector<16xf32>, vector<16xf32>, vector<16xf32>, vector<16xf32>, vector<16xf32>, vector<16xf32>
      }
      %scan3A_157 = arith.constant 128 : i32
      %sub3A = arith.subf %scan3A_156#8, %scan3A_156#0 : vector<16xf32>
      %div3A = arith.divf %scan3A_156#0, %sub3A : vector<16xf32>
      %add3A_158 = arith.constant 0 : i32
      %add3A_159 = arith.addi %mul3A_32, %add3A_158 : i32
      %get3A_160 = arith.index_cast %add3A_159 : i32 to index
      %get3A_161 = tpu.vector_load %arg14[%get3A_160] {strides = array<i32>} : memref<256xf32, #tpu.memory_space<vmem>>, vector<16xf32>,
      %get3A_162 = vector.shape_cast %get3A_161 : vector<16xf32> to vector<16xf32>
      %add3A_163 = arith.constant 0 : i32
      %add3A_164 = arith.addi %mul3A_32, %add3A_163 : i32
      %get3A_165 = arith.index_cast %add3A_164 : i32 to index
      %get3A_166 = tpu.vector_load %arg15[%get3A_165] {strides = array<i32>} : memref<256xf32, #tpu.memory_space<vmem>>, vector<16xf32>,
      %get3A_167 = vector.shape_cast %get3A_166 : vector<16xf32> to vector<16xf32>
      %sub3A_168 = arith.subf %get3A_162, %div3A : vector<16xf32>
      %abs3A = math.absf %sub3A_168 : vector<16xf32>
      %mul3A_169 = arith.mulf %abs3A, %get3A_167 : vector<16xf32>
      %add3A_170 = arith.addf %scan3A_29, %mul3A_169 : vector<16xf32>
      %add3A_171 = arith.addf %scan3A_30, %get3A_167 : vector<16xf32>
      %sub3A_172 = arith.subf %scan3A_156#9, %scan3A_156#1 : vector<16xf32>
      %div3A_173 = arith.divf %scan3A_156#1, %sub3A_172 : vector<16xf32>
      %add3A_174 = arith.constant 16 : i32
      %add3A_175 = arith.addi %mul3A_32, %add3A_174 : i32
      %get3A_176 = arith.index_cast %add3A_175 : i32 to index
      %get3A_177 = tpu.vector_load %arg14[%get3A_176] {strides = array<i32>} : memref<256xf32, #tpu.memory_space<vmem>>, vector<16xf32>,
      %get3A_178 = vector.shape_cast %get3A_177 : vector<16xf32> to vector<16xf32>
      %add3A_179 = arith.constant 16 : i32
      %add3A_180 = arith.addi %mul3A_32, %add3A_179 : i32
      %get3A_181 = arith.index_cast %add3A_180 : i32 to index
      %get3A_182 = tpu.vector_load %arg15[%get3A_181] {strides = array<i32>} : memref<256xf32, #tpu.memory_space<vmem>>, vector<16xf32>,
      %get3A_183 = vector.shape_cast %get3A_182 : vector<16xf32> to vector<16xf32>
      %sub3A_184 = arith.subf %get3A_178, %div3A_173 : vector<16xf32>
      %abs3A_185 = math.absf %sub3A_184 : vector<16xf32>
      %mul3A_186 = arith.mulf %abs3A_185, %get3A_183 : vector<16xf32>
      %add3A_187 = arith.addf %add3A_170, %mul3A_186 : vector<16xf32>
      %add3A_188 = arith.addf %add3A_171, %get3A_183 : vector<16xf32>
      %sub3A_189 = arith.subf %scan3A_156#10, %scan3A_156#2 : vector<16xf32>
      %div3A_190 = arith.divf %scan3A_156#2, %sub3A_189 : vector<16xf32>
      %add3A_191 = arith.constant 32 : i32
      %add3A_192 = arith.addi %mul3A_32, %add3A_191 : i32
      %get3A_193 = arith.index_cast %add3A_192 : i32 to index
      %get3A_194 = tpu.vector_load %arg14[%get3A_193] {strides = array<i32>} : memref<256xf32, #tpu.memory_space<vmem>>, vector<16xf32>,
      %get3A_195 = vector.shape_cast %get3A_194 : vector<16xf32> to vector<16xf32>
      %add3A_196 = arith.constant 32 : i32
      %add3A_197 = arith.addi %mul3A_32, %add3A_196 : i32
      %get3A_198 = arith.index_cast %add3A_197 : i32 to index
      %get3A_199 = tpu.vector_load %arg15[%get3A_198] {strides = array<i32>} : memref<256xf32, #tpu.memory_space<vmem>>, vector<16xf32>,
      %get3A_200 = vector.shape_cast %get3A_199 : vector<16xf32> to vector<16xf32>
      %sub3A_201 = arith.subf %get3A_195, %div3A_190 : vector<16xf32>
      %abs3A_202 = math.absf %sub3A_201 : vector<16xf32>
      %mul3A_203 = arith.mulf %abs3A_202, %get3A_200 : vector<16xf32>
      %add3A_204 = arith.addf %add3A_187, %mul3A_203 : vector<16xf32>
      %add3A_205 = arith.addf %add3A_188, %get3A_200 : vector<16xf32>
      %sub3A_206 = arith.subf %scan3A_156#11, %scan3A_156#3 : vector<16xf32>
      %div3A_207 = arith.divf %scan3A_156#3, %sub3A_206 : vector<16xf32>
      %add3A_208 = arith.constant 48 : i32
      %add3A_209 = arith.addi %mul3A_32, %add3A_208 : i32
      %get3A_210 = arith.index_cast %add3A_209 : i32 to index
      %get3A_211 = tpu.vector_load %arg14[%get3A_210] {strides = array<i32>} : memref<256xf32, #tpu.memory_space<vmem>>, vector<16xf32>,
      %get3A_212 = vector.shape_cast %get3A_211 : vector<16xf32> to vector<16xf32>
      %add3A_213 = arith.constant 48 : i32
      %add3A_214 = arith.addi %mul3A_32, %add3A_213 : i32
      %get3A_215 = arith.index_cast %add3A_214 : i32 to index
      %get3A_216 = tpu.vector_load %arg15[%get3A_215] {strides = array<i32>} : memref<256xf32, #tpu.memory_space<vmem>>, vector<16xf32>,
      %get3A_217 = vector.shape_cast %get3A_216 : vector<16xf32> to vector<16xf32>
      %sub3A_218 = arith.subf %get3A_212, %div3A_207 : vector<16xf32>
      %abs3A_219 = math.absf %sub3A_218 : vector<16xf32>
      %mul3A_220 = arith.mulf %abs3A_219, %get3A_217 : vector<16xf32>
      %add3A_221 = arith.addf %add3A_204, %mul3A_220 : vector<16xf32>
      %add3A_222 = arith.addf %add3A_205, %get3A_217 : vector<16xf32>
      %sub3A_223 = arith.subf %scan3A_156#12, %scan3A_156#4 : vector<16xf32>
      %div3A_224 = arith.divf %scan3A_156#4, %sub3A_223 : vector<16xf32>
      %add3A_225 = arith.constant 64 : i32
      %add3A_226 = arith.addi %mul3A_32, %add3A_225 : i32
      %get3A_227 = arith.index_cast %add3A_226 : i32 to index
      %get3A_228 = tpu.vector_load %arg14[%get3A_227] {strides = array<i32>} : memref<256xf32, #tpu.memory_space<vmem>>, vector<16xf32>,
      %get3A_229 = vector.shape_cast %get3A_228 : vector<16xf32> to vector<16xf32>
      %add3A_230 = arith.constant 64 : i32
      %add3A_231 = arith.addi %mul3A_32, %add3A_230 : i32
      %get3A_232 = arith.index_cast %add3A_231 : i32 to index
      %get3A_233 = tpu.vector_load %arg15[%get3A_232] {strides = array<i32>} : memref<256xf32, #tpu.memory_space<vmem>>, vector<16xf32>,
      %get3A_234 = vector.shape_cast %get3A_233 : vector<16xf32> to vector<16xf32>
      %sub3A_235 = arith.subf %get3A_229, %div3A_224 : vector<16xf32>
      %abs3A_236 = math.absf %sub3A_235 : vector<16xf32>
      %mul3A_237 = arith.mulf %abs3A_236, %get3A_234 : vector<16xf32>
      %add3A_238 = arith.addf %add3A_221, %mul3A_237 : vector<16xf32>
      %add3A_239 = arith.addf %add3A_222, %get3A_234 : vector<16xf32>
      %sub3A_240 = arith.subf %scan3A_156#13, %scan3A_156#5 : vector<16xf32>
      %div3A_241 = arith.divf %scan3A_156#5, %sub3A_240 : vector<16xf32>
      %add3A_242 = arith.constant 80 : i32
      %add3A_243 = arith.addi %mul3A_32, %add3A_242 : i32
      %get3A_244 = arith.index_cast %add3A_243 : i32 to index
      %get3A_245 = tpu.vector_load %arg14[%get3A_244] {strides = array<i32>} : memref<256xf32, #tpu.memory_space<vmem>>, vector<16xf32>,
      %get3A_246 = vector.shape_cast %get3A_245 : vector<16xf32> to vector<16xf32>
      %add3A_247 = arith.constant 80 : i32
      %add3A_248 = arith.addi %mul3A_32, %add3A_247 : i32
      %get3A_249 = arith.index_cast %add3A_248 : i32 to index
      %get3A_250 = tpu.vector_load %arg15[%get3A_249] {strides = array<i32>} : memref<256xf32, #tpu.memory_space<vmem>>, vector<16xf32>,
      %get3A_251 = vector.shape_cast %get3A_250 : vector<16xf32> to vector<16xf32>
      %sub3A_252 = arith.subf %get3A_246, %div3A_241 : vector<16xf32>
      %abs3A_253 = math.absf %sub3A_252 : vector<16xf32>
      %mul3A_254 = arith.mulf %abs3A_253, %get3A_251 : vector<16xf32>
      %add3A_255 = arith.addf %add3A_238, %mul3A_254 : vector<16xf32>
      %add3A_256 = arith.addf %add3A_239, %get3A_251 : vector<16xf32>
      %sub3A_257 = arith.subf %scan3A_156#14, %scan3A_156#6 : vector<16xf32>
      %div3A_258 = arith.divf %scan3A_156#6, %sub3A_257 : vector<16xf32>
      %add3A_259 = arith.constant 96 : i32
      %add3A_260 = arith.addi %mul3A_32, %add3A_259 : i32
      %get3A_261 = arith.index_cast %add3A_260 : i32 to index
      %get3A_262 = tpu.vector_load %arg14[%get3A_261] {strides = array<i32>} : memref<256xf32, #tpu.memory_space<vmem>>, vector<16xf32>,
      %get3A_263 = vector.shape_cast %get3A_262 : vector<16xf32> to vector<16xf32>
      %add3A_264 = arith.constant 96 : i32
      %add3A_265 = arith.addi %mul3A_32, %add3A_264 : i32
      %get3A_266 = arith.index_cast %add3A_265 : i32 to index
      %get3A_267 = tpu.vector_load %arg15[%get3A_266] {strides = array<i32>} : memref<256xf32, #tpu.memory_space<vmem>>, vector<16xf32>,
      %get3A_268 = vector.shape_cast %get3A_267 : vector<16xf32> to vector<16xf32>
      %sub3A_269 = arith.subf %get3A_263, %div3A_258 : vector<16xf32>
      %abs3A_270 = math.absf %sub3A_269 : vector<16xf32>
      %mul3A_271 = arith.mulf %abs3A_270, %get3A_268 : vector<16xf32>
      %add3A_272 = arith.addf %add3A_255, %mul3A_271 : vector<16xf32>
      %add3A_273 = arith.addf %add3A_256, %get3A_268 : vector<16xf32>
      %sub3A_274 = arith.subf %scan3A_156#15, %scan3A_156#7 : vector<16xf32>
      %div3A_275 = arith.divf %scan3A_156#7, %sub3A_274 : vector<16xf32>
      %add3A_276 = arith.constant 112 : i32
      %add3A_277 = arith.addi %mul3A_32, %add3A_276 : i32
      %get3A_278 = arith.index_cast %add3A_277 : i32 to index
      %get3A_279 = tpu.vector_load %arg14[%get3A_278] {strides = array<i32>} : memref<256xf32, #tpu.memory_space<vmem>>, vector<16xf32>,
      %get3A_280 = vector.shape_cast %get3A_279 : vector<16xf32> to vector<16xf32>
      %add3A_281 = arith.constant 112 : i32
      %add3A_282 = arith.addi %mul3A_32, %add3A_281 : i32
      %get3A_283 = arith.index_cast %add3A_282 : i32 to index
      %get3A_284 = tpu.vector_load %arg15[%get3A_283] {strides = array<i32>} : memref<256xf32, #tpu.memory_space<vmem>>, vector<16xf32>,
      %get3A_285 = vector.shape_cast %get3A_284 : vector<16xf32> to vector<16xf32>
      %sub3A_286 = arith.subf %get3A_280, %div3A_275 : vector<16xf32>
      %abs3A_287 = math.absf %sub3A_286 : vector<16xf32>
      %mul3A_288 = arith.mulf %abs3A_287, %get3A_285 : vector<16xf32>
      %add3A_289 = arith.addf %add3A_272, %mul3A_288 : vector<16xf32>
      %add3A_290 = arith.addf %add3A_273, %get3A_285 : vector<16xf32>
      scf.yield %add3A_289, %add3A_290 : vector<16xf32>, vector<16xf32>
    }
    %scan3A_16 = arith.constant 2 : i32
    %swap3A = arith.constant 0 : index
    %swap3A_17 = tpu.vector_load %arg19[%swap3A] {strides = array<i32>} : memref<32xf32, #tpu.memory_space<vmem>>, vector<16xf32>,
    %swap3A_18 = vector.shape_cast %swap3A_17 : vector<16xf32> to vector<16xf32>
    %swap3A_19 = vector.shape_cast %scan3A_15#0 : vector<16xf32> to vector<16xf32>
    tpu.vector_store %arg19[%swap3A], %swap3A_19 {strides = array<i32>} : memref<32xf32, #tpu.memory_space<vmem>>, vector<16xf32>,
    %swap3A_20 = arith.constant 16 : index
    %swap3A_21 = tpu.vector_load %arg19[%swap3A_20] {strides = array<i32>} : memref<32xf32, #tpu.memory_space<vmem>>, vector<16xf32>,
    %swap3A_22 = vector.shape_cast %swap3A_21 : vector<16xf32> to vector<16xf32>
    %swap3A_23 = vector.shape_cast %scan3A_15#1 : vector<16xf32> to vector<16xf32>
    tpu.vector_store %arg19[%swap3A_20], %swap3A_23 {strides = array<i32>} : memref<32xf32, #tpu.memory_space<vmem>>, vector<16xf32>,
    %mul3A_24 = arith.constant 16 : i32
    %mul3A_25 = arith.muli %add3A, %mul3A_24 : i32
    "tpu.region"() ({
      %run_scoped3A = tpu.sem_alloc : memref<!tpu.dma_semaphore, #tpu.memory_space<semaphore_mem>>
      %dma_start3A = arith.constant 0 : i32
      %dma_start3A_28 = tpu.memref_slice %arg19[%dma_start3A] : memref<32xf32, #tpu.memory_space<vmem>> -> memref<16xf32, #tpu.memory_space<vmem>>
      %dma_start3A_29 = tpu.memref_slice %arg8[%mul3A_25] : memref<512xf32, #tpu.memory_space<hbm>> -> memref<16xf32, #tpu.memory_space<hbm>>
      %dma_start3A_30 = tpu.memref_slice %arg8[%mul3A_25] : memref<512xf32, #tpu.memory_space<hbm>> -> memref<16xf32, #tpu.memory_space<hbm>>
      %dma_start3A_31 = arith.constant 0 : i32
      %dma_start3A_32 = tpu.memref_slice %arg19[%dma_start3A_31] : memref<32xf32, #tpu.memory_space<vmem>> -> memref<16xf32, #tpu.memory_space<vmem>>
      tpu.enqueue_dma source(%dma_start3A_32 : memref<16xf32, #tpu.memory_space<vmem>>) target(%dma_start3A_30 : memref<16xf32, #tpu.memory_space<hbm>>) target_semaphore(%run_scoped3A : memref<!tpu.dma_semaphore, #tpu.memory_space<semaphore_mem>>)
      %dma_wait3A = arith.constant 0 : i32
      %dma_wait3A_33 = tpu.memref_slice %arg19[%dma_wait3A] : memref<32xf32, #tpu.memory_space<vmem>> -> memref<16xf32, #tpu.memory_space<vmem>>
      %dma_wait3A_34 = tpu.memref_slice %arg8[%mul3A_25] : memref<512xf32, #tpu.memory_space<hbm>> -> memref<16xf32, #tpu.memory_space<hbm>>
      %dma_wait3A_35 = tpu.memref_slice %arg8[%mul3A_25] : memref<512xf32, #tpu.memory_space<hbm>> -> memref<16xf32, #tpu.memory_space<hbm>>
      %dma_wait3A_36 = arith.constant 0 : i32
      %dma_wait3A_37 = tpu.memref_slice %arg19[%dma_wait3A_36] : memref<32xf32, #tpu.memory_space<vmem>> -> memref<16xf32, #tpu.memory_space<vmem>>
      tpu.wait_dma2 semaphore(%run_scoped3A : memref<!tpu.dma_semaphore, #tpu.memory_space<semaphore_mem>>) src(%dma_wait3A_37 : memref<16xf32, #tpu.memory_space<vmem>>) dst(%dma_wait3A_35 : memref<16xf32, #tpu.memory_space<hbm>>)
      tpu.yield
    }) : () -> ()
    %mul3A_26 = arith.constant 16 : i32
    %mul3A_27 = arith.muli %add3A, %mul3A_26 : i32
    "tpu.region"() ({
      %run_scoped3A = tpu.sem_alloc : memref<!tpu.dma_semaphore, #tpu.memory_space<semaphore_mem>>
      %dma_start3A = arith.constant 16 : i32
      %dma_start3A_28 = tpu.memref_slice %arg19[%dma_start3A] : memref<32xf32, #tpu.memory_space<vmem>> -> memref<16xf32, #tpu.memory_space<vmem>>
      %dma_start3A_29 = tpu.memref_slice %arg9[%mul3A_27] : memref<512xf32, #tpu.memory_space<hbm>> -> memref<16xf32, #tpu.memory_space<hbm>>
      %dma_start3A_30 = tpu.memref_slice %arg9[%mul3A_27] : memref<512xf32, #tpu.memory_space<hbm>> -> memref<16xf32, #tpu.memory_space<hbm>>
      %dma_start3A_31 = arith.constant 16 : i32
      %dma_start3A_32 = tpu.memref_slice %arg19[%dma_start3A_31] : memref<32xf32, #tpu.memory_space<vmem>> -> memref<16xf32, #tpu.memory_space<vmem>>
      tpu.enqueue_dma source(%dma_start3A_32 : memref<16xf32, #tpu.memory_space<vmem>>) target(%dma_start3A_30 : memref<16xf32, #tpu.memory_space<hbm>>) target_semaphore(%run_scoped3A : memref<!tpu.dma_semaphore, #tpu.memory_space<semaphore_mem>>)
      %dma_wait3A = arith.constant 16 : i32
      %dma_wait3A_33 = tpu.memref_slice %arg19[%dma_wait3A] : memref<32xf32, #tpu.memory_space<vmem>> -> memref<16xf32, #tpu.memory_space<vmem>>
      %dma_wait3A_34 = tpu.memref_slice %arg9[%mul3A_27] : memref<512xf32, #tpu.memory_space<hbm>> -> memref<16xf32, #tpu.memory_space<hbm>>
      %dma_wait3A_35 = tpu.memref_slice %arg9[%mul3A_27] : memref<512xf32, #tpu.memory_space<hbm>> -> memref<16xf32, #tpu.memory_space<hbm>>
      %dma_wait3A_36 = arith.constant 16 : i32
      %dma_wait3A_37 = tpu.memref_slice %arg19[%dma_wait3A_36] : memref<32xf32, #tpu.memory_space<vmem>> -> memref<16xf32, #tpu.memory_space<vmem>>
      tpu.wait_dma2 semaphore(%run_scoped3A : memref<!tpu.dma_semaphore, #tpu.memory_space<semaphore_mem>>) src(%dma_wait3A_37 : memref<16xf32, #tpu.memory_space<vmem>>) dst(%dma_wait3A_35 : memref<16xf32, #tpu.memory_space<hbm>>)
      tpu.yield
    }) : () -> ()
    return
  }
}

module attributes {stable_mosaic.version = 14 : i64} {
  func.func @_tc_body(%arg0: i32, %arg1: memref<32x128xf32, #tpu.memory_space<vmem>>, %arg2: memref<32x128xf32, #tpu.memory_space<vmem>>, %arg3: memref<1x2048xf32, #tpu.memory_space<smem>>, %arg4: memref<1x2048xf32, #tpu.memory_space<smem>>, %arg5: memref<32x128xf32, #tpu.memory_space<vmem>>, %arg6: memref<32x128xf32, #tpu.memory_space<vmem>>, %arg7: memref<1x1x128xf32, #tpu.memory_space<vmem>>, %arg8: memref<1x1x128xf32, #tpu.memory_space<vmem>>) attributes {dimension_semantics = [#tpu.dimension_semantics<arbitrary>], iteration_bounds = array<i64: 6>, scalar_prefetch = 0 : i64, scratch_operands = 0 : i64, tpu.core_type = #tpu.core_type<tc>, window_params = [{transform_indices = @transform_0, window_bounds = array<i64: 32, 128>}, {transform_indices = @transform_1, window_bounds = array<i64: 32, 128>}, {transform_indices = @transform_2, window_bounds = array<i64: 1, 2048>}, {transform_indices = @transform_3, window_bounds = array<i64: 1, 2048>}, {transform_indices = @transform_4, window_bounds = array<i64: 32, 128>}, {transform_indices = @transform_5, window_bounds = array<i64: 32, 128>}, {transform_indices = @transform_6, window_bounds = array<i64: 1, 1, 128>}, {transform_indices = @transform_7, window_bounds = array<i64: 1, 1, 128>}]} {
    %get3A = arith.constant 0 : index
    %get3A_0 = arith.constant 0 : index
    %get3A_1 = vector.load %arg1[%get3A, %get3A_0] : memref<32x128xf32, #tpu.memory_space<vmem>>, vector<32x128xf32>
    %get3A_2 = arith.constant 0 : index
    %get3A_3 = arith.constant 0 : index
    %get3A_4 = vector.load %arg2[%get3A_2, %get3A_3] : memref<32x128xf32, #tpu.memory_space<vmem>>, vector<32x128xf32>
    %exp3A = math.exp %get3A_4 : vector<32x128xf32>
    %mul3A = arith.constant 5.000000e-01 : f32
    %mul3A_5 = vector.broadcast %mul3A : f32 to vector<32x128xf32>
    %mul3A_6 = arith.mulf %mul3A_5, %exp3A : vector<32x128xf32>
    %sub3A = arith.subf %get3A_1, %mul3A_6 : vector<32x128xf32>
    %mul3A_7 = arith.constant 5.000000e-01 : f32
    %mul3A_8 = vector.broadcast %mul3A_7 : f32 to vector<32x128xf32>
    %mul3A_9 = arith.mulf %mul3A_8, %exp3A : vector<32x128xf32>
    %add3A = arith.addf %get3A_1, %mul3A_9 : vector<32x128xf32>
    %broadcast_in_dim3A = arith.constant 0.000000e+00 : f32
    %broadcast_in_dim3A_10 = vector.broadcast %broadcast_in_dim3A : f32 to vector<32x128xf32>
    %scan3A = arith.constant 0 : i32
    %scan3A_11 = arith.constant 2048 : i32
    %scan3A_12 = arith.addi %scan3A, %scan3A_11 : i32
    %scan3A_13 = arith.constant 8 : i32
    %scan3A_14 = scf.for %scan3A_41 = %scan3A to %scan3A_12 step %scan3A_13 iter_args(%scan3A_42 = %broadcast_in_dim3A_10) -> (vector<32x128xf32>)  : i32 {
      %get3A_43 = arith.constant 0 : index
      %get3A_44 = arith.index_cast %scan3A_41 : i32 to index
      %get3A_45 = memref.load %arg3[%get3A_43, %get3A_44] : memref<1x2048xf32, #tpu.memory_space<smem>>
      %get3A_46 = arith.constant 0 : index
      %get3A_47 = arith.index_cast %scan3A_41 : i32 to index
      %get3A_48 = memref.load %arg4[%get3A_46, %get3A_47] : memref<1x2048xf32, #tpu.memory_space<smem>>
      %sub3A_49 = arith.subf %get3A_48, %get3A_45 : f32
      %max3A = vector.broadcast %get3A_45 : f32 to vector<32x128xf32>
      %max3A_50 = arith.maximumf %sub3A, %max3A : vector<32x128xf32>
      %min3A = vector.broadcast %get3A_48 : f32 to vector<32x128xf32>
      %min3A_51 = arith.minimumf %add3A, %min3A : vector<32x128xf32>
      %sub3A_52 = arith.subf %min3A_51, %max3A_50 : vector<32x128xf32>
      %add3A_53 = vector.broadcast %sub3A_49 : f32 to vector<32x128xf32>
      %add3A_54 = arith.addf %exp3A, %add3A_53 : vector<32x128xf32>
      %reciprocal3A = tpu.reciprocal %add3A_54 {approx = true} : vector<32x128xf32> -> vector<32x128xf32>
      %mul3A_55 = arith.mulf %sub3A_52, %reciprocal3A : vector<32x128xf32>
      %max3A_56 = arith.maximumf %scan3A_42, %mul3A_55 : vector<32x128xf32>
      %scan3A_57 = arith.constant 1 : i32
      %scan3A_58 = arith.addi %scan3A_41, %scan3A_57 : i32
      %get3A_59 = arith.constant 0 : index
      %get3A_60 = arith.index_cast %scan3A_58 : i32 to index
      %get3A_61 = memref.load %arg3[%get3A_59, %get3A_60] : memref<1x2048xf32, #tpu.memory_space<smem>>
      %get3A_62 = arith.constant 0 : index
      %get3A_63 = arith.index_cast %scan3A_58 : i32 to index
      %get3A_64 = memref.load %arg4[%get3A_62, %get3A_63] : memref<1x2048xf32, #tpu.memory_space<smem>>
      %sub3A_65 = arith.subf %get3A_64, %get3A_61 : f32
      %max3A_66 = vector.broadcast %get3A_61 : f32 to vector<32x128xf32>
      %max3A_67 = arith.maximumf %sub3A, %max3A_66 : vector<32x128xf32>
      %min3A_68 = vector.broadcast %get3A_64 : f32 to vector<32x128xf32>
      %min3A_69 = arith.minimumf %add3A, %min3A_68 : vector<32x128xf32>
      %sub3A_70 = arith.subf %min3A_69, %max3A_67 : vector<32x128xf32>
      %add3A_71 = vector.broadcast %sub3A_65 : f32 to vector<32x128xf32>
      %add3A_72 = arith.addf %exp3A, %add3A_71 : vector<32x128xf32>
      %reciprocal3A_73 = tpu.reciprocal %add3A_72 {approx = true} : vector<32x128xf32> -> vector<32x128xf32>
      %mul3A_74 = arith.mulf %sub3A_70, %reciprocal3A_73 : vector<32x128xf32>
      %max3A_75 = arith.maximumf %max3A_56, %mul3A_74 : vector<32x128xf32>
      %scan3A_76 = arith.constant 2 : i32
      %scan3A_77 = arith.addi %scan3A_41, %scan3A_76 : i32
      %get3A_78 = arith.constant 0 : index
      %get3A_79 = arith.index_cast %scan3A_77 : i32 to index
      %get3A_80 = memref.load %arg3[%get3A_78, %get3A_79] : memref<1x2048xf32, #tpu.memory_space<smem>>
      %get3A_81 = arith.constant 0 : index
      %get3A_82 = arith.index_cast %scan3A_77 : i32 to index
      %get3A_83 = memref.load %arg4[%get3A_81, %get3A_82] : memref<1x2048xf32, #tpu.memory_space<smem>>
      %sub3A_84 = arith.subf %get3A_83, %get3A_80 : f32
      %max3A_85 = vector.broadcast %get3A_80 : f32 to vector<32x128xf32>
      %max3A_86 = arith.maximumf %sub3A, %max3A_85 : vector<32x128xf32>
      %min3A_87 = vector.broadcast %get3A_83 : f32 to vector<32x128xf32>
      %min3A_88 = arith.minimumf %add3A, %min3A_87 : vector<32x128xf32>
      %sub3A_89 = arith.subf %min3A_88, %max3A_86 : vector<32x128xf32>
      %add3A_90 = vector.broadcast %sub3A_84 : f32 to vector<32x128xf32>
      %add3A_91 = arith.addf %exp3A, %add3A_90 : vector<32x128xf32>
      %reciprocal3A_92 = tpu.reciprocal %add3A_91 {approx = true} : vector<32x128xf32> -> vector<32x128xf32>
      %mul3A_93 = arith.mulf %sub3A_89, %reciprocal3A_92 : vector<32x128xf32>
      %max3A_94 = arith.maximumf %max3A_75, %mul3A_93 : vector<32x128xf32>
      %scan3A_95 = arith.constant 3 : i32
      %scan3A_96 = arith.addi %scan3A_41, %scan3A_95 : i32
      %get3A_97 = arith.constant 0 : index
      %get3A_98 = arith.index_cast %scan3A_96 : i32 to index
      %get3A_99 = memref.load %arg3[%get3A_97, %get3A_98] : memref<1x2048xf32, #tpu.memory_space<smem>>
      %get3A_100 = arith.constant 0 : index
      %get3A_101 = arith.index_cast %scan3A_96 : i32 to index
      %get3A_102 = memref.load %arg4[%get3A_100, %get3A_101] : memref<1x2048xf32, #tpu.memory_space<smem>>
      %sub3A_103 = arith.subf %get3A_102, %get3A_99 : f32
      %max3A_104 = vector.broadcast %get3A_99 : f32 to vector<32x128xf32>
      %max3A_105 = arith.maximumf %sub3A, %max3A_104 : vector<32x128xf32>
      %min3A_106 = vector.broadcast %get3A_102 : f32 to vector<32x128xf32>
      %min3A_107 = arith.minimumf %add3A, %min3A_106 : vector<32x128xf32>
      %sub3A_108 = arith.subf %min3A_107, %max3A_105 : vector<32x128xf32>
      %add3A_109 = vector.broadcast %sub3A_103 : f32 to vector<32x128xf32>
      %add3A_110 = arith.addf %exp3A, %add3A_109 : vector<32x128xf32>
      %reciprocal3A_111 = tpu.reciprocal %add3A_110 {approx = true} : vector<32x128xf32> -> vector<32x128xf32>
      %mul3A_112 = arith.mulf %sub3A_108, %reciprocal3A_111 : vector<32x128xf32>
      %max3A_113 = arith.maximumf %max3A_94, %mul3A_112 : vector<32x128xf32>
      %scan3A_114 = arith.constant 4 : i32
      %scan3A_115 = arith.addi %scan3A_41, %scan3A_114 : i32
      %get3A_116 = arith.constant 0 : index
      %get3A_117 = arith.index_cast %scan3A_115 : i32 to index
      %get3A_118 = memref.load %arg3[%get3A_116, %get3A_117] : memref<1x2048xf32, #tpu.memory_space<smem>>
      %get3A_119 = arith.constant 0 : index
      %get3A_120 = arith.index_cast %scan3A_115 : i32 to index
      %get3A_121 = memref.load %arg4[%get3A_119, %get3A_120] : memref<1x2048xf32, #tpu.memory_space<smem>>
      %sub3A_122 = arith.subf %get3A_121, %get3A_118 : f32
      %max3A_123 = vector.broadcast %get3A_118 : f32 to vector<32x128xf32>
      %max3A_124 = arith.maximumf %sub3A, %max3A_123 : vector<32x128xf32>
      %min3A_125 = vector.broadcast %get3A_121 : f32 to vector<32x128xf32>
      %min3A_126 = arith.minimumf %add3A, %min3A_125 : vector<32x128xf32>
      %sub3A_127 = arith.subf %min3A_126, %max3A_124 : vector<32x128xf32>
      %add3A_128 = vector.broadcast %sub3A_122 : f32 to vector<32x128xf32>
      %add3A_129 = arith.addf %exp3A, %add3A_128 : vector<32x128xf32>
      %reciprocal3A_130 = tpu.reciprocal %add3A_129 {approx = true} : vector<32x128xf32> -> vector<32x128xf32>
      %mul3A_131 = arith.mulf %sub3A_127, %reciprocal3A_130 : vector<32x128xf32>
      %max3A_132 = arith.maximumf %max3A_113, %mul3A_131 : vector<32x128xf32>
      %scan3A_133 = arith.constant 5 : i32
      %scan3A_134 = arith.addi %scan3A_41, %scan3A_133 : i32
      %get3A_135 = arith.constant 0 : index
      %get3A_136 = arith.index_cast %scan3A_134 : i32 to index
      %get3A_137 = memref.load %arg3[%get3A_135, %get3A_136] : memref<1x2048xf32, #tpu.memory_space<smem>>
      %get3A_138 = arith.constant 0 : index
      %get3A_139 = arith.index_cast %scan3A_134 : i32 to index
      %get3A_140 = memref.load %arg4[%get3A_138, %get3A_139] : memref<1x2048xf32, #tpu.memory_space<smem>>
      %sub3A_141 = arith.subf %get3A_140, %get3A_137 : f32
      %max3A_142 = vector.broadcast %get3A_137 : f32 to vector<32x128xf32>
      %max3A_143 = arith.maximumf %sub3A, %max3A_142 : vector<32x128xf32>
      %min3A_144 = vector.broadcast %get3A_140 : f32 to vector<32x128xf32>
      %min3A_145 = arith.minimumf %add3A, %min3A_144 : vector<32x128xf32>
      %sub3A_146 = arith.subf %min3A_145, %max3A_143 : vector<32x128xf32>
      %add3A_147 = vector.broadcast %sub3A_141 : f32 to vector<32x128xf32>
      %add3A_148 = arith.addf %exp3A, %add3A_147 : vector<32x128xf32>
      %reciprocal3A_149 = tpu.reciprocal %add3A_148 {approx = true} : vector<32x128xf32> -> vector<32x128xf32>
      %mul3A_150 = arith.mulf %sub3A_146, %reciprocal3A_149 : vector<32x128xf32>
      %max3A_151 = arith.maximumf %max3A_132, %mul3A_150 : vector<32x128xf32>
      %scan3A_152 = arith.constant 6 : i32
      %scan3A_153 = arith.addi %scan3A_41, %scan3A_152 : i32
      %get3A_154 = arith.constant 0 : index
      %get3A_155 = arith.index_cast %scan3A_153 : i32 to index
      %get3A_156 = memref.load %arg3[%get3A_154, %get3A_155] : memref<1x2048xf32, #tpu.memory_space<smem>>
      %get3A_157 = arith.constant 0 : index
      %get3A_158 = arith.index_cast %scan3A_153 : i32 to index
      %get3A_159 = memref.load %arg4[%get3A_157, %get3A_158] : memref<1x2048xf32, #tpu.memory_space<smem>>
      %sub3A_160 = arith.subf %get3A_159, %get3A_156 : f32
      %max3A_161 = vector.broadcast %get3A_156 : f32 to vector<32x128xf32>
      %max3A_162 = arith.maximumf %sub3A, %max3A_161 : vector<32x128xf32>
      %min3A_163 = vector.broadcast %get3A_159 : f32 to vector<32x128xf32>
      %min3A_164 = arith.minimumf %add3A, %min3A_163 : vector<32x128xf32>
      %sub3A_165 = arith.subf %min3A_164, %max3A_162 : vector<32x128xf32>
      %add3A_166 = vector.broadcast %sub3A_160 : f32 to vector<32x128xf32>
      %add3A_167 = arith.addf %exp3A, %add3A_166 : vector<32x128xf32>
      %reciprocal3A_168 = tpu.reciprocal %add3A_167 {approx = true} : vector<32x128xf32> -> vector<32x128xf32>
      %mul3A_169 = arith.mulf %sub3A_165, %reciprocal3A_168 : vector<32x128xf32>
      %max3A_170 = arith.maximumf %max3A_151, %mul3A_169 : vector<32x128xf32>
      %scan3A_171 = arith.constant 7 : i32
      %scan3A_172 = arith.addi %scan3A_41, %scan3A_171 : i32
      %get3A_173 = arith.constant 0 : index
      %get3A_174 = arith.index_cast %scan3A_172 : i32 to index
      %get3A_175 = memref.load %arg3[%get3A_173, %get3A_174] : memref<1x2048xf32, #tpu.memory_space<smem>>
      %get3A_176 = arith.constant 0 : index
      %get3A_177 = arith.index_cast %scan3A_172 : i32 to index
      %get3A_178 = memref.load %arg4[%get3A_176, %get3A_177] : memref<1x2048xf32, #tpu.memory_space<smem>>
      %sub3A_179 = arith.subf %get3A_178, %get3A_175 : f32
      %max3A_180 = vector.broadcast %get3A_175 : f32 to vector<32x128xf32>
      %max3A_181 = arith.maximumf %sub3A, %max3A_180 : vector<32x128xf32>
      %min3A_182 = vector.broadcast %get3A_178 : f32 to vector<32x128xf32>
      %min3A_183 = arith.minimumf %add3A, %min3A_182 : vector<32x128xf32>
      %sub3A_184 = arith.subf %min3A_183, %max3A_181 : vector<32x128xf32>
      %add3A_185 = vector.broadcast %sub3A_179 : f32 to vector<32x128xf32>
      %add3A_186 = arith.addf %exp3A, %add3A_185 : vector<32x128xf32>
      %reciprocal3A_187 = tpu.reciprocal %add3A_186 {approx = true} : vector<32x128xf32> -> vector<32x128xf32>
      %mul3A_188 = arith.mulf %sub3A_184, %reciprocal3A_187 : vector<32x128xf32>
      %max3A_189 = arith.maximumf %max3A_170, %mul3A_188 : vector<32x128xf32>
      scf.yield %max3A_189 : vector<32x128xf32>
    }
    %scan3A_15 = arith.constant 2048 : i32
    %sub3A_16 = arith.constant 1.000000e+00 : f32
    %sub3A_17 = vector.broadcast %sub3A_16 : f32 to vector<32x128xf32>
    %sub3A_18 = arith.subf %sub3A_17, %scan3A_14 : vector<32x128xf32>
    %div3A = arith.divf %scan3A_14, %sub3A_18 : vector<32x128xf32>
    %get3A_19 = arith.constant 0 : index
    %get3A_20 = arith.constant 0 : index
    %get3A_21 = vector.load %arg6[%get3A_19, %get3A_20] : memref<32x128xf32, #tpu.memory_space<vmem>>, vector<32x128xf32>
    %get3A_22 = arith.constant 0 : index
    %get3A_23 = arith.constant 0 : index
    %get3A_24 = vector.load %arg5[%get3A_22, %get3A_23] : memref<32x128xf32, #tpu.memory_space<vmem>>, vector<32x128xf32>
    %sub3A_25 = arith.subf %get3A_24, %div3A : vector<32x128xf32>
    %abs3A = math.absf %sub3A_25 : vector<32x128xf32>
    %mul3A_26 = arith.mulf %abs3A, %get3A_21 : vector<32x128xf32>
    %reduce_sum3A = arith.constant dense<0.000000e+00> : vector<128xf32>
    %reduce_sum3A_27 = vector.multi_reduction <add>, %mul3A_26, %reduce_sum3A [0] : vector<32x128xf32> to vector<128xf32>
    %broadcast_in_dim3A_28 = vector.shape_cast %reduce_sum3A_27 : vector<128xf32> to vector<1x128xf32>
    %broadcast_in_dim3A_29 = vector.shape_cast %broadcast_in_dim3A_28 : vector<1x128xf32> to vector<1x1x128xf32>
    %swap3A = arith.constant 0 : index
    %swap3A_30 = arith.constant 0 : index
    %swap3A_31 = arith.constant 0 : index
    %swap3A_32 = vector.load %arg7[%swap3A, %swap3A_30, %swap3A_31] : memref<1x1x128xf32, #tpu.memory_space<vmem>>, vector<1x1x128xf32>
    tpu.vector_store %arg7[%swap3A, %swap3A_30, %swap3A_31], %broadcast_in_dim3A_29 {strides = array<i32>} : memref<1x1x128xf32, #tpu.memory_space<vmem>>, vector<1x1x128xf32>,
    %reduce_sum3A_33 = arith.constant dense<0.000000e+00> : vector<128xf32>
    %reduce_sum3A_34 = vector.multi_reduction <add>, %get3A_21, %reduce_sum3A_33 [0] : vector<32x128xf32> to vector<128xf32>
    %broadcast_in_dim3A_35 = vector.shape_cast %reduce_sum3A_34 : vector<128xf32> to vector<1x128xf32>
    %broadcast_in_dim3A_36 = vector.shape_cast %broadcast_in_dim3A_35 : vector<1x128xf32> to vector<1x1x128xf32>
    %swap3A_37 = arith.constant 0 : index
    %swap3A_38 = arith.constant 0 : index
    %swap3A_39 = arith.constant 0 : index
    %swap3A_40 = vector.load %arg8[%swap3A_37, %swap3A_38, %swap3A_39] : memref<1x1x128xf32, #tpu.memory_space<vmem>>, vector<1x1x128xf32>
    tpu.vector_store %arg8[%swap3A_37, %swap3A_38, %swap3A_39], %broadcast_in_dim3A_36 {strides = array<i32>} : memref<1x1x128xf32, #tpu.memory_space<vmem>>, vector<1x1x128xf32>,
    return
  }
  func.func @transform_0(%arg0: i32) -> (i32, i32) {
    %c0_i32 = arith.constant 0 : i32
    %c0_i32_0 = arith.constant 0 : i32
    return %arg0, %c0_i32 : i32, i32
  }
  func.func @transform_1(%arg0: i32) -> (i32, i32) {
    %c0_i32 = arith.constant 0 : i32
    %c0_i32_0 = arith.constant 0 : i32
    return %arg0, %c0_i32 : i32, i32
  }
  func.func @transform_2(%arg0: i32) -> (i32, i32) {
    %c0_i32 = arith.constant 0 : i32
    %c0_i32_0 = arith.constant 0 : i32
    %c0_i32_1 = arith.constant 0 : i32
    return %c0_i32, %c0_i32_0 : i32, i32
  }
  func.func @transform_3(%arg0: i32) -> (i32, i32) {
    %c0_i32 = arith.constant 0 : i32
    %c0_i32_0 = arith.constant 0 : i32
    %c0_i32_1 = arith.constant 0 : i32
    return %c0_i32, %c0_i32_0 : i32, i32
  }
  func.func @transform_4(%arg0: i32) -> (i32, i32) {
    %c0_i32 = arith.constant 0 : i32
    %c0_i32_0 = arith.constant 0 : i32
    return %arg0, %c0_i32 : i32, i32
  }
  func.func @transform_5(%arg0: i32) -> (i32, i32) {
    %c0_i32 = arith.constant 0 : i32
    %c0_i32_0 = arith.constant 0 : i32
    return %arg0, %c0_i32 : i32, i32
  }
  func.func @transform_6(%arg0: i32) -> (i32, i32, i32) {
    %c0_i32 = arith.constant 0 : i32
    %c0_i32_0 = arith.constant 0 : i32
    %c0_i32_1 = arith.constant 0 : i32
    return %arg0, %c0_i32, %c0_i32_0 : i32, i32, i32
  }
  func.func @transform_7(%arg0: i32) -> (i32, i32, i32) {
    %c0_i32 = arith.constant 0 : i32
    %c0_i32_0 = arith.constant 0 : i32
    %c0_i32_1 = arith.constant 0 : i32
    return %arg0, %c0_i32, %c0_i32_0 : i32, i32, i32
  }
}

</mosaic_0001>

<sc_bundles>
// kernel: _hybrid.4.cloned.1.call-start
scs
__scs_entry_jumppad:
0x0: {  	(pc) =	sbr.rel $0x88, $3  }
0x1: {  	(tag) =	ssettag $0x0;
	lr =	simm.s32 $0x1  }
0x2: {  	[smem:$0x3F9B] =	sst lr;
	_ =	strace $0xD0000000  }
0x3: {  	_ = 	snop  }
0x4: {  	_ = 	snop  }
0x5: {  	_ = 	snop  }
0x6: {  	_ = 	snop  }
0x7: {  	_ = 	snop  }
__scs_overlays_trampoline_lowered:
0x8: {  	[smem:$0x3FAA] =	sst s0  }
0x9: {  	[smem:$0x3FAB] =	sst s1  }
0xa: {  	[smem:$0x3FAC] =	sst s2  }
0xb: {  	[smem:$0x3FAD] =	sst s3  }
0xc: {  	[smem:$0x3FAE] =	sst s4  }
0xd: {  	[smem:$0x3FAF] =	sst s5  }
0xe: {  	[smem:$0x3FB0] =	sst s6  }
0xf: {  	[smem:$0x3FB1] =	sst s7  }
0x10: {  	[smem:$0x3FB2] =	sst s8  }
0x11: {  	[smem:$0x3FB3] =	sst s9;
	s0 =	simm.s32 @!p0 $0x0  }
0x12: {  	s1 =	sld [smem:$0x3F99];
	s0 =	simm.s32 @p0 $0x1  }
0x13: {  	[smem:$0x3FB4] =	sst s0;
	s0 =	simm.s32 @!p1 $0x0  }
0x14: {  	s2 =	sld [smem:$0x3F98];
	s0 =	simm.s32 @p1 $0x1  }
0x15: {  	[smem:$0x3FB5] =	sst s0;
	s0 =	simm.s32 @!p2 $0x0  }
0x16: {  	s3 =	sld [smem:$0x3FDB];
	s0 =	simm.s32 @p2 $0x1  }
0x17: {  	s4 =	simm.s32 $0x1BF5;
	[smem:$0x3FB7] =	sst s0  }
0x18: {  	s0 =	sld [smem:$0x3F9A];
	_ =	swait.ge [sflag:s4], $0x0  }
0x19: {  	s7 =	sld [smem:$0x3F9B]  }
0x1a: {  	s8 =	sadd.s32 $0xFFFFE003, lr  }
0x1b: {  	s9 =	sadd.s32 $0xFFFFFEF7, lr;
	s5 =	simm.s32 $0xFFFFFFFF;
	p2 =	slt.u32 s8, $0xFFFFF086  }
0x1c: {  	p1 =	slt.u32 s9, $0xF7A;
	s5 =	simm.s32 @!p2 $0x0  }
0x1d: {  	s5 =	simm.s32 @p1 $0x1;
	p0 =	seq.s32 s7, s2  }
0x1e: {  	s7 =	smul.u32 @!p0 $0xF7A, s2;
	p2 =	seq.s32 @!p0 s5, $0x0  }
0x1f: {  	s9 =	smul.u32 $0xF7A, s1;
	s8 =	simm.s32 @!p0 $0x1BF5;
	p2 =	por !p2, p0  }
0x20: {  	[sflag:s8] =	ssyncset.s32 @!p0 $0xFFFFF086;
	s6 =	sadd.s32 @!p0 s3, s7;
	s7 =	simm.s32 @!p0 $0x108  }
0x21: {  	s3 =	sadd.s32 s3, s9;
	s6 =	sadd.s32 @!p0 $0x88, s6;
	s7 =	simm.s32 @p2 $0x1082  }
0x22: {  	[simem:s7], [sflag:s8] =	dma.local @!p0 [hbm:s6], $0xF7A  }
0x23: {  	s9 =	sor.u32 $0xD0000000, s2;
	s6 =	simm.s32 $0x108;
	_ =	swait.ge @!p0 [sflag:s8], $0x0  }
0x24: {  	s3 =	sadd.s32 $0x88, s3;
	s6 =	simm.s32 @!p1 $0x1082;
	[sflag:s4] =	ssyncset.s32 $0xFFFFF086  }
0x25: {  	[simem:s6], [sflag:s4] =	dma.local [hbm:s3], $0xF7A  }
0x26: {  	[smem:$0x3F9B] =	sst s1;
	(tag) =	ssettag s2;
	_ =	strace s9  }
0x27: {  	s1 =	sld [smem:$0x3FAB]  }
0x28: {  	s2 =	sld [smem:$0x3FAC]  }
0x29: {  	s4 =	sld [smem:$0x3FAE]  }
0x2a: {  	p0 =	seq.s32 s5, $0x0;
	s5 =	sld [smem:$0x3FAF]  }
0x2b: {  	s6 =	sld [smem:$0x3FB0]  }
0x2c: {  	s7 =	sld [smem:$0x3FB1]  }
0x2d: {  	s3 =	simm.s32 $0x108;
	s8 =	sld [smem:$0x3FB2]  }
0x2e: {  	s3 =	simm.s32 @!p0 $0x1082;
	s9 =	sld [smem:$0x3FB3]  }
0x2f: {  	lr =	sadd.s32 s0, s3;
	s0 =	sld [smem:$0x3FAA]  }
0x30: {  	s3 =	sld [smem:$0x3FAD]  }
0x31: {  	[smem:$0x3FB6] =	sst s10  }
0x32: {  	s10 =	sld [smem:$0x3FB4];
	_ =	sdelay $0x3  }
0x33: {  	p0 =	seq.s32 s10, $0x1;
	s10 =	sld [smem:$0x3FB6];
	_ =	sdelay $0x3  }
0x34: {  	[smem:$0x3FB6] =	sst s10  }
0x35: {  	s10 =	sld [smem:$0x3FB5];
	_ =	sdelay $0x3  }
0x36: {  	p1 =	seq.s32 s10, $0x1;
	s10 =	sld [smem:$0x3FB6];
	_ =	sdelay $0x3  }
0x37: {  	[smem:$0x3FB6] =	sst s10  }
0x38: {  	s10 =	sld [smem:$0x3FB7]  }
0x39: {  	_ = 	snop;
	(pc) =	sbr.ind lr, $3  }
0x3a: {  	_ = 	snop  }
0x3b: {  	_ = 	snop  }
0x3c: {  	p2 =	seq.s32 s10, $0x1;
	s10 =	sld [smem:$0x3FB6]  }
0x3d: {  	_ =	shalt  }
0x3e: {  	_ =	shalt  }
0x3f: {  	_ =	shalt  }
0x40: {  	_ =	shalt  }
0x41: {  	_ =	shalt  }
0x42: {  	_ =	shalt  }
0x43: {  	_ =	shalt  }
0x44: {  	_ =	shalt  }
0x45: {  	_ =	shalt  }
0x46: {  	_ =	shalt  }
0x47: {  	_ =	shalt  }
0x48: {  	_ =	shalt  }
0x49: {  	_ =	shalt  }
0x4a: {  	_ =	shalt  }
0x4b: {  	_ =	shalt  }
0x4c: {  	_ =	shalt  }
0x4d: {  	_ =	shalt  }
0x4e: {  	_ =	shalt  }
0x4f: {  	_ =	shalt  }
0x50: {  	_ =	shalt  }
0x51: {  	_ =	shalt  }
0x52: {  	_ =	shalt  }
0x53: {  	_ =	shalt  }
0x54: {  	_ =	shalt  }
0x55: {  	_ =	shalt  }
0x56: {  	_ =	shalt  }
0x57: {  	_ =	shalt  }
0x58: {  	_ =	shalt  }
0x59: {  	_ =	shalt  }
0x5a: {  	_ =	shalt  }
0x5b: {  	_ =	shalt  }
0x5c: {  	_ =	shalt  }
0x5d: {  	_ =	shalt  }
0x5e: {  	_ =	shalt  }
0x5f: {  	_ =	shalt  }
0x60: {  	_ =	shalt  }
0x61: {  	_ =	shalt  }
0x62: {  	_ =	shalt  }
0x63: {  	_ =	shalt  }
0x64: {  	_ =	shalt  }
0x65: {  	_ =	shalt  }
0x66: {  	_ =	shalt  }
0x67: {  	_ =	shalt  }
0x68: {  	_ =	shalt  }
0x69: {  	_ =	shalt  }
0x6a: {  	_ =	shalt  }
0x6b: {  	_ =	shalt  }
0x6c: {  	_ =	shalt  }
0x6d: {  	_ =	shalt  }
0x6e: {  	_ =	shalt  }
0x6f: {  	_ =	shalt  }
0x70: {  	_ =	shalt  }
0x71: {  	_ =	shalt  }
0x72: {  	_ =	shalt  }
0x73: {  	_ =	shalt  }
0x74: {  	_ =	shalt  }
0x75: {  	_ =	shalt  }
0x76: {  	_ =	shalt  }
0x77: {  	_ =	shalt  }
0x78: {  	_ =	shalt  }
0x79: {  	_ =	shalt  }
0x7a: {  	_ =	shalt  }
0x7b: {  	_ =	shalt  }
0x7c: {  	_ =	shalt  }
0x7d: {  	_ =	shalt  }
0x7e: {  	_ =	shalt  }
0x7f: {  	_ =	shalt  }
0x80: {  	_ =	shalt  }
0x81: {  	_ =	shalt  }
0x82: {  	_ =	shalt  }
0x83: {  	_ =	shalt  }
0x84: {  	_ =	shalt  }
0x85: {  	_ =	shalt  }
0x86: {  	_ =	shalt  }
0x87: {  	_ =	shalt  }
.Lfunc_end0:
.L_simem_size_0:
called_computation_lowered:
.L_overlay_start_0:
0x88: {  	s2 =	sld [smem:$0x3FD9]  }
0x89: {  	s3 =	sld [smem:$0x3FFE];
	_ =	sdelay $0x1  }
0x8a: {  	s1 =	srdreg.scid  }
0x8b: {  	s0 =	sand.u32 $0x1, s1  }
0x8c: {  	s17 =	sshll.u32 s0, $0xA;
	s2 =	sadd.s32 s3, s2  }
0x8d: {  	s2 =	sadd.s32 s2, s17  }
0x8e: {  	[smem:$0x3FC2] =	sst s2  }
0x8f: {  	_ = 	snop  }
0x90: {  	s2 =	sld [smem:$0x3FC7]  }
0x91: {  	s18 =	sld [smem:$0x3FC6];
	(tm) =	ssettm $0x1  }
0x92: {  	s4 =	sld [smem:$0x3FFB];
	_ =	sdelay $0x3  }
0x93: {  	_ =	strace s4  }
0x94: {  	s4 =	sld [smem:$0x3FFC];
	_ =	sdelay $0x3  }
0x95: {  	_ =	strace s4  }
0x96: {  	s4 =	sld [smem:$0x3FFD];
	_ =	sdelay $0x3  }
0x97: {  	_ =	strace s4  }
0x98: {  	_ =	strace $0x8FFFFFFF  }
0x99: {  	s19 =	sld [smem:$0x3FDB];
	_ =	sdelay $0x1  }
0x9a: {  	s5 =	simm.s32 $_scs_section_size  }
0x9b: {  	s6 =	simm.s32 $_size__tile_overlayer_lowered;
	s7 =	simm.s32 $_tile_overlayer_lowered  }
0x9c: {  	s22 =	simm.s32 $0x1BFF;
	s21 =	sshll.u32 s7, $0x1;
	s4 =	sadd.s32 s5, s19  }
0x9d: {  	s8 =	simm.s32 $0x0;
	s20 =	sshll.u32 s6, $0x1;
	s6 =	sadd.s32 s21, s4  }
0x9e: {  	[timem:s8], [sflag:s22] =	dma.local [hbm:s6], s20  }
0x9f: {  	_ =	swait.ge [sflag:s22], s20  }
0xa0: {  	s5 =	ssub.s32 $0x0, s20;
	[sflag:s22] =	ssyncset.done $0x0  }
0xa1: {  	[sflag:s22] =	ssyncadd.s32 s5;
	_ =	sdelay $0x1  }
0xa2: {  	s23 =	simm.s32 $0x1B8B  }
0xa3: {  	_ =	swait.ge [sflag:s23], $0x1  }
0xa4: {  	[sflag:s23] =	ssyncset.done $0x0  }
0xa5: {  	s25 =	simm.s32 $0x1B8E;
	s24 =	sld [smem:$0x3FFE];
	[sflag:s23] =	ssyncadd.s32 $0xFFFFFFFF  }
0xa6: {  	s26 =	simm.s32 $execute0_lowered;
	[smem:$0x3FD2] =	sst s25  }
0xa7: {  	s6 =	sshll.u32 s26, $0x1;
	_ =	strace $0x80000046;
	[dreg:$0x1] =	wrdreg $0xFFFFFFFF  }
0xa8: {  	s28 =	simm.s32 $_size_execute0_lowered;
	s4 =	sadd.s32 s4, s6;
	[dreg:$0x0] =	wrdreg $0x0  }
0xa9: {  	s6 =	sshll.u32 s28, $0x1;
	[dreg:$0x2] =	wrdreg s4  }
0xaa: {  	[dreg:$0x3] =	wrdreg s6  }
0xab: {  	[dreg:$0x4] =	wrdreg $0xC0  }
0xac: {  	_ =	task [dreg:s8], $0x5FFFF  }
0xad: {  	[dreg:$0x1] =	wrdreg $0xFFFFFFFF  }
0xae: {  	[dreg:$0x0] =	wrdreg $0x60  }
0xaf: {  	[dreg:$0x2] =	wrdreg s24  }
0xb0: {  	[dreg:$0x3] =	wrdreg s2  }
0xb1: {  	[dreg:$0x4] =	wrdreg s18  }
0xb2: {  	[dreg:$0x5] =	wrdreg $0x9  }
0xb3: {  	_ =	task.clear_ibuf [dreg:s8], $0x6FFFF;
	_ =	strace $0x90000046  }
0xb4: {  	s29 =	simm.s32 $0x9;
	_ =	strace $0x80000048  }
0xb5: {  	_ =	swait.ge [sflag:s29], $0x1  }
0xb6: {  	[sflag:s29] =	ssyncadd.s32 $0xFFFFFFFF  }
0xb7: {  	_ =	strace $0x90000048  }
0xb8: {  	_ =	sfence  }
0xb9: {  	s30 =	sld [smem:$0x0];
	_ =	sdelay $0x2  }
0xba: {  	s31 =	sshll.u32 s1, $0xD;
	s1 =	sshrl.u32 s1, $0x2  }
0xbb: {  	s3 =	sand.u32 $0x4000, s31;
	s1 =	sadd.s32 s1, s30  }
0xbc: {  	s0 =	sor.u32 s3, s0;
	s1 =	sshll.u32 s1, $0x11  }
0xbd: {  	s0 =	sor.u32 s1, s0  }
0xbe: {  	s0 =	sadd.s32 $0x8F2B, s0  }
0xbf: {  	[sflag:s0] =	ssyncadd.remote.s32 $0x1  }
0xc0: {  	_ =	sfence.sel $0xFFFF  }
0xc1: {  	[dreg:$0x0] =	wrdreg $0xFFFFFFFF;
	(pc) =	sbr.abs _section_cstart, $3  }
0xc2: {  	[dreg:$0x1] =	wrdreg $0xFFFFFFFF  }
0xc3: {  	_ =	task.clear_ibuf [dreg:s8], $0x2FFFF;
	_ =	strace $0x9FFFFFFF  }
0xc4: {  	(tm) =	ssettm $0x7FFFFFFF  }
0xc5: {  	_ =	shalt  }
tec
execute0_lowered:
.L_overlay_start_1:
0x0: {  	(tag) =	ssettag $0x1  }
0x1: {  	s0 =	rddreg [dreg:$0x0]  }
0x2: {  	s2 =	rddreg [dreg:$0x1]  }
0x3: {  	s3 =	rddreg [dreg:$0x2];
	s5 =	srdreg.scid  }
0x4: {  	s1 =	stileid.u32;
	s4 =	simm.s32 $0x0;
	s12 =	simm.s32 $0x1  }
0x5: {  	s13 =	simm.s32 $0x100;
	s14 =	simm.s32 $0x1200;
	s15 =	simm.s32 $0x1300  }
0x6: {  	s16 =	simm.s32 $0x200;
	s17 =	simm.s32 $0xA00;
	s18 =	simm.s32 $0x1700  }
0x7: {  	s19 =	simm.s32 $0x1710;
	s5 =	sand.u32 $0x1, s5;
	s6 =	sshll.u32 s1, $0x1  }
0x8: {  	s20 =	simm.s32 $0x0;
	[smem:$0x7FF] =	sst s4;
	s6 =	sor.u32 s5, s6  }
0x9: {  	_ =	strace $0x80000047;
	s5 =	ssub.s32 $0x2, s5;
	s7 =	sshll.u32 s6, $0x5  }
0xa: {  	s6 =	sshll.u32 s6, $0x1;
	s31 =	sshrl.u32 s5, $0x1;
	s8 =	sadd.s32 s7, s0  }
0xb: {  	s0 =	sadd.s32 s6, s0;
	s11 =	ssub.s32 s5, s31;
	s5 =	sadd.s32 $0xA00, s8  }
0xc: {  	s6 =	sadd.s32 $0xE00, s8;
	s7 =	sadd.s32 $0x200, s8;
	s8 =	sadd.s32 $0x600, s8  }
0xd: {  	s9 =	sadd.s32 $0x1400, s0;
	s10 =	sadd.s32 $0x1200, s0;
	s11 =	smax.u32 s11, $0x1  }
.LBB2_1:
0xe: {  	[tilespmem:s4], [sflag:$0x1] =	stream.linear.gather [hbm4b:s5+s4], $0x100, $0x38;
	[tilespmem:$0x1780] =	vst v63  }
0xf: {  	_ =	swait.ge [sflag:s12], $0x100  }
0x10: {  	[sflag:s12] =	ssyncset.done $0x0  }
0x11: {  	[sflag:s12] =	ssyncadd.s32 $0xFFFFFF00  }
0x12: {  	[tilespmem:s13], [sflag:$0x1] =	stream.linear.gather [hbm4b:s6+s4], $0x100, $0x38;
	[tilespmem:$0x1780] =	vst v63  }
0x13: {  	_ =	swait.ge [sflag:s12], $0x100  }
0x14: {  	[sflag:s12] =	ssyncset.done $0x0  }
0x15: {  	[sflag:s12] =	ssyncadd.s32 $0xFFFFFF00  }
0x16: {  	[tilespmem:s14], [sflag:$0x1] =	stream.linear.gather [hbm4b:s7+s4], $0x100, $0x38;
	[tilespmem:$0x1780] =	vst v63  }
0x17: {  	_ =	swait.ge [sflag:s12], $0x100  }
0x18: {  	[sflag:s12] =	ssyncset.done $0x0  }
0x19: {  	[sflag:s12] =	ssyncadd.s32 $0xFFFFFF00  }
0x1a: {  	[tilespmem:s15], [sflag:$0x1] =	stream.linear.gather [hbm4b:s8+s4], $0x100, $0x38;
	[tilespmem:$0x1780] =	vst v63  }
0x1b: {  	_ =	swait.ge [sflag:s12], $0x100  }
0x1c: {  	[sflag:s12] =	ssyncset.done $0x0  }
0x1d: {  	[sflag:s12] =	ssyncadd.s32 $0xFFFFFF00  }
0x1e: {  	[tilespmem:s16], [sflag:$0x1] =	stream.linear.gather [hbm4b:s2+s4], $0x800, $0x38;
	[tilespmem:$0x1780] =	vst v63  }
0x1f: {  	_ =	swait.ge [sflag:s12], $0x800  }
0x20: {  	[sflag:s12] =	ssyncset.done $0x0  }
0x21: {  	[sflag:s12] =	ssyncadd.s32 $0xFFFFF800  }
0x22: {  	[tilespmem:s17], [sflag:$0x1] =	stream.linear.gather [hbm4b:s3+s4], $0x800, $0x38;
	[tilespmem:$0x1780] =	vst v63  }
0x23: {  	_ =	swait.ge [sflag:s12], $0x800  }
0x24: {  	[sflag:s12] =	ssyncset.done $0x0  }
0x25: {  	s22 =	simm.s32 $0x0;
	[sflag:s12] =	ssyncadd.s32 $0xFFFFF800  }
0x26: {  	v0 =	vld [tilespmem:s22+$0x100];
	_ =	sdelay $0x4  }
0x27: {  	v0 =	vmul.f32 $1.442695020e+00, v0  }
0x28: {  	s21 =	simm.s32 $0x10  }
0x29: {  	(erf) = vpow2.f32 v0;
	v0 =	vld [tilespmem:s21+$0x100];
	_ =	sdelay $0x4  }
0x2a: {  	s0 =	simm.s32 $0x20;
	v0 =	vmul.f32 $1.442695020e+00, v0  }
0x2b: {  	v1 =	vld [tilespmem:s0+$0x100]  }
0x2c: {  	(erf) = vpow2.f32 v0  }
0x2d: {  	v0 =	vld [tilespmem:s22+$0x0];
	_ =	sdelay $0x1  }
0x2e: {  	s23 =	simm.s32 $0xC0;
	v2 =	vpop (erf)  }
.LBB2_2:
0x2f: {  	s24 =	sshra.s32 s23, $0x2;
	p0 =	sne.s32 s23, $0x3C0;
	s23 =	sadd.s32 $0x40, s23;
	v3 =	vmul.f32 $1.442695020e+00, v1;
	v4 =	vmul.f32 $5.000000000e-01, v2;
	[tilespmem:s22+$0x1600] =	vst v2  }
.Ltmp0:
0x30: {  	v1 =	vld [tilespmem:s24+$0x100];
	(pc) =	sbr.rel @p0 .LBB2_2-.Ltmp0, $4  }
0x31: {  	(erf) = vpow2.f32 v3;
	v3 =	vsub.f32 v0, v4;
	v4 =	vadd.f32 v4, v0  }
0x32: {  	v0 =	vld [tilespmem:s21+$0x0]  }
0x33: {  	[tilespmem:s22+$0x1500] =	vst v4  }
0x34: {  	v2 =	vpop (erf);
	[tilespmem:s22+$0x1400] =	vst v3;
	s22 =	smov.u32 s21;
	s21 =	smov.u32 s0;
	s0 =	smov.u32 s24  }
0x35: {  	v1 =	vmul.f32 $1.442695020e+00, v1  }
0x36: {  	v3 =	vmul.f32 $5.000000000e-01, v2  }
0x37: {  	(erf) = vpow2.f32 v1  }
0x38: {  	v1 =	vadd.f32 v3, v0;
	_ =	sdelay $0x1  }
0x39: {  	[tilespmem:s22+$0x1600] =	vst v2;
	v0 =	vsub.f32 v0, v3  }
0x3a: {  	v2 =	vld [tilespmem:s21+$0x0];
	[tilespmem:s22+$0x1500] =	vst v1  }
0x3b: {  	[tilespmem:s22+$0x1400] =	vst v0;
	v1 =	vpop (erf)  }
0x3c: {  	[tilespmem:s21+$0x1600] =	vst v1  }
0x3d: {  	v0 =	vmul.f32 $5.000000000e-01, v1;
	v1 =	vld [tilespmem:s0+$0x0];
	_ =	sdelay $0x1  }
0x3e: {  	v3 =	vadd.f32 v0, v2;
	v4 =	vpop (erf)  }
0x3f: {  	v0 =	vsub.f32 v2, v0;
	v2 =	vmul.f32 $5.000000000e-01, v4  }
0x40: {  	[tilespmem:s21+$0x1500] =	vst v3  }
0x41: {  	[tilespmem:s21+$0x1400] =	vst v0;
	v0 =	vadd.f32 v2, v1  }
0x42: {  	[tilespmem:s0+$0x1600] =	vst v4;
	v1 =	vsub.f32 v1, v2  }
0x43: {  	[tilespmem:s0+$0x1500] =	vst v0  }
0x44: {  	p1 =	por $0x1, $0x1;
	s22 =	simm.s32 $0x0;
	[tilespmem:s0+$0x1400] =	vst v1;
	v0 =	vimm.f32 $0.0e+00;
	v1 =	vimm.f32 $0.0e+00  }
.LBB2_4:
0x45: {  	v2 =	vld [tilespmem:s22+$0x1400]  }
0x46: {  	v3 =	vld [tilespmem:s22+$0x1410]  }
0x47: {  	v4 =	vld [tilespmem:s22+$0x1420]  }
0x48: {  	v5 =	vld [tilespmem:s22+$0x1430]  }
0x49: {  	v6 =	vld [tilespmem:s22+$0x1440]  }
0x4a: {  	v7 =	vld [tilespmem:s22+$0x1450]  }
0x4b: {  	v8 =	vld [tilespmem:s22+$0x1460]  }
0x4c: {  	v9 =	vld [tilespmem:s22+$0x1470]  }
0x4d: {  	v10 =	vld [tilespmem:s22+$0x1500]  }
0x4e: {  	v11 =	vld [tilespmem:s22+$0x1510]  }
0x4f: {  	v12 =	vld [tilespmem:s22+$0x1520]  }
0x50: {  	v13 =	vld [tilespmem:s22+$0x1530]  }
0x51: {  	v14 =	vld [tilespmem:s22+$0x1540]  }
0x52: {  	v15 =	vld [tilespmem:s22+$0x1550]  }
0x53: {  	v16 =	vld [tilespmem:s22+$0x1560]  }
0x54: {  	v17 =	vld [tilespmem:s22+$0x1570]  }
0x55: {  	v18 =	vld [tilespmem:s22+$0x1600]  }
0x56: {  	v19 =	vld [tilespmem:s22+$0x1610]  }
0x57: {  	v20 =	vld [tilespmem:s22+$0x1620];
	v30 =	vimm.f32 $1.000000000e+00  }
0x58: {  	v21 =	vld [tilespmem:s22+$0x1630];
	v31 =	vimm.f32 $1.000000000e+00;
	v35 =	vimm.f32 $1.000000000e+00;
	v39 =	vimm.f32 $1.000000000e+00  }
0x59: {  	v22 =	vld [tilespmem:s22+$0x1640];
	v36 =	vimm.f32 $1.000000000e+00;
	v37 =	vimm.f32 $1.000000000e+00;
	v42 =	vimm.f32 $1.000000000e+00  }
0x5a: {  	s29 =	sor.u32 $0x10, s22;
	s28 =	sor.u32 $0x20, s22;
	v23 =	vld [tilespmem:s22+$0x1650];
	v41 =	vimm.f32 $1.000000000e+00;
	v28 =	vimm.f32 $0.0e+00;
	v29 =	vimm.f32 $0.0e+00;
	s26 =	sor.u32 $0x30, s22  }
0x5b: {  	s25 =	sor.u32 $0x40, s22;
	s24 =	sor.u32 $0x50, s22;
	v24 =	vld [tilespmem:s22+$0x1660];
	v32 =	vimm.f32 $0.0e+00;
	v34 =	vimm.f32 $0.0e+00;
	v33 =	vimm.f32 $0.0e+00;
	p0 =	por p1, p1  }
0x5c: {  	s23 =	sor.u32 $0x60, s22;
	s21 =	sor.u32 $0x70, s22;
	v25 =	vld [tilespmem:s22+$0x1670];
	s30 =	simm.s32 $0x0;
	v38 =	vimm.f32 $0.0e+00;
	v40 =	vimm.f32 $0.0e+00;
	v43 =	vimm.f32 $0.0e+00  }
.LBB2_5:
0x5d: {  	s0 =	sshra.s32 s30, $0x2  }
0x5e: {  	v26 =	vld [tilespmem:s0+$0x200]  }
0x5f: {  	v27 =	vld [tilespmem:s0+$0xA00];
	_ =	sdelay $0x3  }
0x60: {  	(v2sf) =	vpush v26, $0x0  }
0x61: {  	(v2sf) =	vpush v27, $0x0;
	_ =	sdelay $0xc  }
0x62: {  	v44 =	vbroadcast v26, $0x0;
	v45 =	vbroadcast v27, $0x0  }
0x63: {  	s1 =	spop (v2sf)  }
0x64: {  	v46 =	vmax.f32 v2, v44;
	v47 =	vmin.f32 v10, v45;
	v48 =	vmax.f32 v3, v44;
	s31 =	spop (v2sf)  }
0x65: {  	v49 =	vmin.f32 v11, v45;
	v52 =	vmax.f32 v4, v44;
	v46 =	vsub.f32 v47, v46;
	s0 =	ssub.f32 s31, s1  }
0x66: {  	v53 =	vmin.f32 v12, v45;
	v54 =	vmax.f32 v5, v44;
	v48 =	vsub.f32 v49, v48  }
0x67: {  	v60 =	vsub.f32 v53, v52;
	v50 =	vmul.f32 v46, v41;
	v57 =	vadd.f32 s0, v18  }
0x68: {  	v59 =	vmul.f32 v48, v42;
	v58 =	vadd.f32 s0, v19;
	v62 =	vadd.f32 s0, v20  }
0x69: {  	v55 =	vmin.f32 v13, v45;
	v63 =	vmul.f32 v60, v37;
	v51 =	vmul.f32 v57, v43  }
0x6a: {  	(v2sf) =	vpush v26, $0x1;
	v61 =	vmul.f32 v58, v40;
	v52 =	vmul.f32 v62, v38  }
0x6b: {  	v56 =	vmax.f32 v6, v44;
	v49 =	vbroadcast v27, $0x1;
	(v2sf) =	vpush v27, $0x1  }
0x6c: {  	vm0 =	vgt.f32 v50, v51;
	vm10 =	vgt.f32 v59, v61;
	vm11 =	vgt.f32 v63, v52  }
0x6d: {  	v59 =	vadd.f32 s0, v22;
	v61 =	vmin.f32 v15, v45;
	v52 =	vadd.f32 s0, v23  }
0x6e: {  	v43 =	vsel vm0, v46, v43;
	v41 =	vsel vm0, v57, v41;
	v40 =	vsel vm10, v48, v40  }
0x6f: {  	v42 =	vsel vm10, v58, v42;
	v46 =	vsub.f32 v55, v54;
	v38 =	vsel vm11, v60, v38  }
0x70: {  	v57 =	vmin.f32 v14, v45;
	v58 =	vadd.f32 s0, v21;
	v60 =	vmax.f32 v7, v44  }
0x71: {  	v48 =	vbroadcast v26, $0x1;
	v47 =	vsub.f32 v57, v56;
	v55 =	vmul.f32 v59, v34  }
0x72: {  	v51 =	vsub.f32 v61, v60;
	v50 =	vmul.f32 v46, v36;
	v54 =	vmul.f32 v58, v33  }
0x73: {  	v37 =	vsel vm11, v62, v37;
	v57 =	vmul.f32 v52, v32;
	v62 =	vmul.f32 v47, v39  }
0x74: {  	v61 =	vmax.f32 v2, v48;
	v63 =	vmul.f32 v51, v35;
	vm12 =	vgt.f32 v50, v54  }
0x75: {  	v33 =	vsel vm12, v46, v33;
	v36 =	vsel vm12, v58, v36;
	vm13 =	vgt.f32 v62, v55  }
0x76: {  	vm14 =	vgt.f32 v63, v57;
	v58 =	vmax.f32 v8, v44;
	v44 =	vmax.f32 v9, v44  }
0x77: {  	v62 =	vmin.f32 v10, v49;
	v34 =	vsel vm13, v47, v34;
	v39 =	vsel vm13, v59, v39  }
0x78: {  	v32 =	vsel vm14, v51, v32;
	v59 =	vmin.f32 v16, v45;
	v47 =	vadd.f32 s0, v24  }
0x79: {  	v45 =	vmin.f32 v17, v45;
	s31 =	spop (v2sf);
	v53 =	vsub.f32 v62, v61;
	v35 =	vsel vm14, v52, v35  }
0x7a: {  	v61 =	vmin.f32 v11, v49;
	(v2sf) =	vpush v26, $0x2;
	v46 =	vsub.f32 v59, v58;
	s1 =	spop (v2sf)  }
0x7b: {  	v44 =	vsub.f32 v45, v44;
	v45 =	vadd.f32 s0, v25;
	v60 =	vmul.f32 v47, v29;
	s31 =	ssub.f32 s1, s31  }
0x7c: {  	(v2sf) =	vpush v27, $0x2;
	v58 =	vmul.f32 v41, v53;
	v50 =	vmul.f32 v46, v31  }
0x7d: {  	v63 =	vmul.f32 v44, v30;
	v56 =	vmul.f32 v45, v28;
	v51 =	vadd.f32 s31, v20  }
0x7e: {  	v52 =	vadd.f32 s31, v21;
	vm15 =	vgt.f32 v50, v60;
	v50 =	vadd.f32 s31, v18  }
0x7f: {  	vm1 =	vgt.f32 v63, v56;
	v60 =	vmax.f32 v3, v48;
	v63 =	vmax.f32 v4, v48  }
0x80: {  	v56 =	vmin.f32 v12, v49;
	v29 =	vsel vm15, v46, v29;
	v31 =	vsel vm15, v47, v31  }
0x81: {  	v28 =	vsel vm1, v44, v28;
	v44 =	vsub.f32 v61, v60;
	v30 =	vsel vm1, v45, v30  }
0x82: {  	v45 =	vadd.f32 s31, v19;
	v47 =	vsub.f32 v56, v63;
	v59 =	vmul.f32 v43, v50  }
0x83: {  	v60 =	vmax.f32 v5, v48;
	v61 =	vmin.f32 v13, v49;
	v63 =	vmin.f32 v14, v49  }
0x84: {  	v62 =	vmul.f32 v42, v44;
	v57 =	vmul.f32 v40, v45;
	vm4 =	vgt.f32 v58, v59  }
0x85: {  	v58 =	vmul.f32 v37, v47;
	v59 =	vmul.f32 v38, v51;
	v43 =	vsel vm4, v53, v43  }
0x86: {  	v41 =	vsel vm4, v50, v41;
	vm5 =	vgt.f32 v62, v57;
	v62 =	vmax.f32 v6, v48  }
0x87: {  	v57 =	vmul.f32 v33, v52;
	v40 =	vsel vm5, v44, v40;
	v44 =	vsub.f32 v61, v60  }
0x88: {  	vm6 =	vgt.f32 v58, v59;
	v46 =	vsub.f32 v63, v62;
	v42 =	vsel vm5, v45, v42  }
0x89: {  	v45 =	vadd.f32 s31, v22;
	v60 =	vmax.f32 v7, v48;
	v61 =	vmin.f32 v15, v49  }
0x8a: {  	v63 =	vmax.f32 v8, v48;
	v48 =	vmax.f32 v9, v48;
	v53 =	vmul.f32 v36, v44  }
0x8b: {  	v38 =	vsel vm6, v47, v38;
	v58 =	vmul.f32 v39, v46;
	v59 =	vmul.f32 v34, v45  }
0x8c: {  	v37 =	vsel vm6, v51, v37;
	v62 =	vsub.f32 v61, v60;
	v51 =	vadd.f32 s31, v23  }
0x8d: {  	vm7 =	vgt.f32 v53, v57;
	vm8 =	vgt.f32 v58, v59;
	v57 =	vmin.f32 v16, v49  }
0x8e: {  	v53 =	vmul.f32 v35, v62;
	v58 =	vmul.f32 v32, v51;
	v49 =	vmin.f32 v17, v49  }
0x8f: {  	s0 =	spop (v2sf);
	(v2sf) =	vpush v26, $0x3;
	v33 =	vsel vm7, v44, v33;
	v47 =	vsub.f32 v57, v63  }
0x90: {  	v36 =	vsel vm7, v52, v36;
	v34 =	vsel vm8, v46, v34;
	v46 =	vadd.f32 s31, v24  }
0x91: {  	v39 =	vsel vm8, v45, v39;
	v48 =	vsub.f32 v49, v48;
	v49 =	vbroadcast v26, $0x2  }
0x92: {  	s1 =	spop (v2sf);
	v52 =	vbroadcast v27, $0x2;
	v44 =	vadd.f32 s31, v25;
	(v2sf) =	vpush v27, $0x3  }
0x93: {  	vm9 =	vgt.f32 v53, v58;
	v59 =	vmul.f32 v31, v47;
	v60 =	vmul.f32 v29, v46  }
0x94: {  	v32 =	vsel vm9, v62, v32;
	v61 =	vmul.f32 v30, v48;
	v62 =	vmax.f32 v2, v49  }
0x95: {  	s0 =	ssub.f32 s1, s0;
	v63 =	vmin.f32 v10, v52;
	v57 =	vmul.f32 v28, v44;
	v35 =	vsel vm9, v51, v35  }
0x96: {  	v54 =	vmax.f32 v7, v49;
	v55 =	vmin.f32 v15, v52;
	v50 =	vsub.f32 v63, v62  }
0x97: {  	v58 =	vadd.f32 s0, v18;
	v62 =	vmin.f32 v11, v52;
	v56 =	vadd.f32 s0, v19  }
0x98: {  	vm10 =	vgt.f32 v59, v60;
	vm11 =	vgt.f32 v61, v57;
	v61 =	vmax.f32 v3, v49  }
0x99: {  	v29 =	vsel vm10, v47, v29;
	v31 =	vsel vm10, v46, v31;
	v59 =	vmul.f32 v41, v50  }
0x9a: {  	v60 =	vmul.f32 v43, v58;
	v28 =	vsel vm11, v48, v28;
	v63 =	vsub.f32 v62, v61  }
0x9b: {  	v48 =	vadd.f32 s0, v20;
	v61 =	vmax.f32 v5, v49;
	v62 =	vmin.f32 v13, v52  }
0x9c: {  	v30 =	vsel vm11, v44, v30;
	v46 =	vsub.f32 v62, v61;
	v62 =	vadd.f32 s0, v22  }
0x9d: {  	vm12 =	vgt.f32 v59, v60;
	v57 =	vmul.f32 v42, v63;
	v59 =	vmin.f32 v12, v52  }
0x9e: {  	v60 =	vmul.f32 v40, v56;
	v43 =	vsel vm12, v50, v43;
	v41 =	vsel vm12, v58, v41  }
0x9f: {  	v58 =	vmax.f32 v4, v49;
	v50 =	vadd.f32 s0, v21;
	v51 =	vmul.f32 v36, v46  }
0xa0: {  	v53 =	vmul.f32 v34, v62;
	v47 =	vsub.f32 v59, v58;
	vm13 =	vgt.f32 v57, v60  }
0xa1: {  	v57 =	vmul.f32 v38, v48;
	v59 =	vmax.f32 v6, v49;
	v60 =	vmin.f32 v14, v52  }
0xa2: {  	v40 =	vsel vm13, v63, v40;
	v42 =	vsel vm13, v56, v42;
	v58 =	vmul.f32 v33, v50  }
0xa3: {  	v61 =	vsub.f32 v60, v59;
	v56 =	vmax.f32 v8, v49;
	v63 =	vmul.f32 v37, v47  }
0xa4: {  	v59 =	vadd.f32 s0, v24;
	v49 =	vmax.f32 v9, v49;
	vm15 =	vgt.f32 v51, v58  }
0xa5: {  	v51 =	vbroadcast v27, $0x3;
	vm14 =	vgt.f32 v63, v57;
	v33 =	vsel vm15, v46, v33  }
0xa6: {  	v63 =	vmul.f32 v39, v61;
	v36 =	vsel vm15, v50, v36;
	v46 =	vsub.f32 v55, v54  }
0xa7: {  	v57 =	vmin.f32 v16, v52;
	v52 =	vmin.f32 v17, v52;
	v38 =	vsel vm14, v47, v38  }
0xa8: {  	v37 =	vsel vm14, v48, v37;
	v47 =	vadd.f32 s0, v23;
	v44 =	vsub.f32 v57, v56  }
0xa9: {  	v60 =	vsub.f32 v52, v49;
	s1 =	spop (v2sf);
	(v2sf) =	vpush v26, $0x4;
	v55 =	vmin.f32 v13, v51  }
0xaa: {  	vm4 =	vgt.f32 v63, v53;
	v50 =	vmul.f32 v35, v46;
	v63 =	vmul.f32 v29, v59  }
0xab: {  	s31 =	spop (v2sf);
	v34 =	vsel vm4, v61, v34;
	v58 =	vmul.f32 v32, v47;
	v61 =	vadd.f32 s0, v25  }
0xac: {  	(v2sf) =	vpush v27, $0x4;
	v39 =	vsel vm4, v62, v39;
	v62 =	vmul.f32 v31, v44;
	s0 =	ssub.f32 s31, s1  }
0xad: {  	v56 =	vmul.f32 v30, v60;
	vm5 =	vgt.f32 v50, v58;
	v57 =	vmul.f32 v28, v61  }
0xae: {  	vm6 =	vgt.f32 v62, v63;
	v50 =	vbroadcast v26, $0x3;
	v45 =	vadd.f32 s0, v18  }
0xaf: {  	v32 =	vsel vm5, v46, v32;
	v35 =	vsel vm5, v47, v35;
	v29 =	vsel vm6, v44, v29  }
0xb0: {  	v31 =	vsel vm6, v59, v31;
	v59 =	vmin.f32 v10, v51;
	v47 =	vadd.f32 s0, v21  }
0xb1: {  	vm7 =	vgt.f32 v56, v57;
	v58 =	vmax.f32 v2, v50;
	v63 =	vmul.f32 v43, v45  }
0xb2: {  	v56 =	vadd.f32 s0, v19;
	v57 =	vmax.f32 v4, v50;
	v54 =	vmax.f32 v5, v50  }
0xb3: {  	v28 =	vsel vm7, v60, v28;
	v44 =	vsub.f32 v59, v58;
	v30 =	vsel vm7, v61, v30  }
0xb4: {  	v60 =	vmax.f32 v3, v50;
	v61 =	vmin.f32 v11, v51;
	v58 =	vmin.f32 v12, v51  }
0xb5: {  	v46 =	vsub.f32 v61, v60;
	v60 =	vsub.f32 v58, v57;
	v62 =	vmul.f32 v41, v44  }
0xb6: {  	v61 =	vmul.f32 v40, v56;
	v57 =	vmin.f32 v14, v51;
	v58 =	vmax.f32 v7, v50  }
0xb7: {  	v59 =	vmul.f32 v42, v46;
	vm8 =	vgt.f32 v62, v63;
	v62 =	vadd.f32 s0, v20  }
0xb8: {  	v63 =	vmul.f32 v37, v60;
	v43 =	vsel vm8, v44, v43;
	v41 =	vsel vm8, v45, v41  }
0xb9: {  	vm9 =	vgt.f32 v59, v61;
	v44 =	vsub.f32 v55, v54;
	v59 =	vmin.f32 v15, v51  }
0xba: {  	v52 =	vmul.f32 v38, v62;
	v40 =	vsel vm9, v46, v40;
	v42 =	vsel vm9, v56, v42  }
0xbb: {  	v56 =	vmax.f32 v6, v50;
	v46 =	vadd.f32 s0, v22;
	v49 =	vsub.f32 v59, v58  }
0xbc: {  	v58 =	vmax.f32 v8, v50;
	v59 =	vmin.f32 v16, v51;
	v48 =	vmul.f32 v36, v44  }
0xbd: {  	v45 =	vsub.f32 v57, v56;
	vm10 =	vgt.f32 v63, v52;
	v52 =	vadd.f32 s0, v23  }
0xbe: {  	s1 =	spop (v2sf);
	(v2sf) =	vpush v26, $0x5;
	v38 =	vsel vm10, v60, v38;
	v60 =	vmul.f32 v33, v47  }
0xbf: {  	v37 =	vsel vm10, v62, v37;
	v61 =	vmul.f32 v39, v45;
	v62 =	vmul.f32 v34, v46  }
0xc0: {  	v63 =	vmul.f32 v35, v49;
	s31 =	spop (v2sf);
	(v2sf) =	vpush v27, $0x5;
	v57 =	vmul.f32 v32, v52  }
0xc1: {  	vm11 =	vgt.f32 v48, v60;
	vm12 =	vgt.f32 v61, v62;
	v60 =	vmax.f32 v9, v50  }
0xc2: {  	v61 =	vmin.f32 v17, v51;
	v48 =	vbroadcast v26, $0x4;
	v33 =	vsel vm11, v44, v33  }
0xc3: {  	v36 =	vsel vm11, v47, v36;
	v34 =	vsel vm12, v45, v34;
	v39 =	vsel vm12, v46, v39  }
0xc4: {  	vm13 =	vgt.f32 v63, v57;
	v44 =	vsub.f32 v59, v58;
	v45 =	vadd.f32 s0, v24  }
0xc5: {  	v46 =	vsub.f32 v61, v60;
	v47 =	vadd.f32 s0, v25;
	v32 =	vsel vm13, v49, v32  }
0xc6: {  	v49 =	vbroadcast v27, $0x4;
	v62 =	vmax.f32 v2, v48;
	v35 =	vsel vm13, v52, v35  }
0xc7: {  	s31 =	ssub.f32 s31, s1;
	v57 =	vmax.f32 v3, v48;
	v50 =	vmul.f32 v31, v44;
	v51 =	vmul.f32 v29, v45  }
0xc8: {  	v60 =	vmul.f32 v30, v46;
	v61 =	vmul.f32 v28, v47;
	v63 =	vmin.f32 v10, v49  }
0xc9: {  	v52 =	vadd.f32 s31, v21;
	v58 =	vmin.f32 v11, v49;
	v53 =	vsub.f32 v63, v62  }
0xca: {  	vm14 =	vgt.f32 v50, v51;
	v50 =	vadd.f32 s31, v18;
	vm15 =	vgt.f32 v60, v61  }
0xcb: {  	v60 =	vmax.f32 v4, v48;
	v61 =	vmin.f32 v12, v49;
	v51 =	vadd.f32 s31, v20  }
0xcc: {  	v29 =	vsel vm14, v44, v29;
	v31 =	vsel vm14, v45, v31;
	v28 =	vsel vm15, v46, v28  }
0xcd: {  	v45 =	vsub.f32 v58, v57;
	v30 =	vsel vm15, v47, v30;
	v44 =	vadd.f32 s31, v19  }
0xce: {  	v47 =	vsub.f32 v61, v60;
	v57 =	vmax.f32 v5, v48;
	v58 =	vmin.f32 v13, v49  }
0xcf: {  	v60 =	vmax.f32 v6, v48;
	v61 =	vmin.f32 v14, v49;
	v62 =	vmul.f32 v41, v53  }
0xd0: {  	v63 =	vmul.f32 v43, v50;
	v56 =	vmul.f32 v38, v51;
	v46 =	vsub.f32 v61, v60  }
0xd1: {  	v60 =	vadd.f32 s31, v23;
	v61 =	vmax.f32 v8, v48;
	v59 =	vmul.f32 v42, v45  }
0xd2: {  	vm4 =	vgt.f32 v62, v63;
	v62 =	vmul.f32 v40, v44;
	v63 =	vmul.f32 v37, v47  }
0xd3: {  	v43 =	vsel vm4, v53, v43;
	v41 =	vsel vm4, v50, v41;
	v50 =	vbroadcast v27, $0x5  }
0xd4: {  	vm5 =	vgt.f32 v59, v62;
	v59 =	vsub.f32 v58, v57;
	vm6 =	vgt.f32 v63, v56  }
0xd5: {  	v62 =	vmul.f32 v33, v52;
	v63 =	vmul.f32 v39, v46;
	v57 =	vmax.f32 v7, v48  }
0xd6: {  	v58 =	vmin.f32 v15, v49;
	v48 =	vmax.f32 v9, v48;
	v40 =	vsel vm5, v45, v40  }
0xd7: {  	v42 =	vsel vm5, v44, v42;
	v38 =	vsel vm6, v47, v38;
	v44 =	vadd.f32 s31, v22  }
0xd8: {  	v37 =	vsel vm6, v51, v37;
	v45 =	vbroadcast v26, $0x5;
	v51 =	vadd.f32 s31, v25  }
0xd9: {  	s0 =	spop (v2sf);
	(v2sf) =	vpush v26, $0x6;
	v55 =	vmin.f32 v16, v50;
	v53 =	vmul.f32 v36, v59  }
0xda: {  	s1 =	spop (v2sf);
	(v2sf) =	vpush v27, $0x6;
	v56 =	vmul.f32 v34, v44;
	v54 =	vmax.f32 v8, v45  }
0xdb: {  	vm7 =	vgt.f32 v53, v62;
	v62 =	vmin.f32 v16, v49;
	v49 =	vmin.f32 v17, v49  }
0xdc: {  	s0 =	ssub.f32 s1, s0;
	v33 =	vsel vm7, v59, v33;
	v59 =	vsub.f32 v58, v57;
	vm8 =	vgt.f32 v63, v56  }
0xdd: {  	v63 =	vmul.f32 v32, v60;
	v47 =	vsub.f32 v62, v61;
	v36 =	vsel vm7, v52, v36  }
0xde: {  	v48 =	vsub.f32 v49, v48;
	v58 =	vmax.f32 v2, v45;
	v52 =	vadd.f32 s0, v18  }
0xdf: {  	v39 =	vsel vm8, v44, v39;
	v44 =	vadd.f32 s31, v24;
	v53 =	vmul.f32 v35, v59  }
0xe0: {  	v62 =	vmax.f32 v3, v45;
	v34 =	vsel vm8, v46, v34;
	v56 =	vmul.f32 v31, v47  }
0xe1: {  	v46 =	vmul.f32 v30, v48;
	v57 =	vmul.f32 v29, v44;
	vm9 =	vgt.f32 v53, v63  }
0xe2: {  	v61 =	vmul.f32 v43, v52;
	v63 =	vmin.f32 v11, v50;
	v32 =	vsel vm9, v59, v32  }
0xe3: {  	v59 =	vmin.f32 v10, v50;
	v35 =	vsel vm9, v60, v35;
	vm10 =	vgt.f32 v56, v57  }
0xe4: {  	v60 =	vmul.f32 v28, v51;
	v57 =	vsub.f32 v63, v62;
	v62 =	vmin.f32 v12, v50  }
0xe5: {  	v63 =	vadd.f32 s0, v20;
	v49 =	vsub.f32 v59, v58;
	v29 =	vsel vm10, v47, v29  }
0xe6: {  	v31 =	vsel vm10, v44, v31;
	v58 =	vadd.f32 s0, v19;
	v44 =	vadd.f32 s0, v21  }
0xe7: {  	v47 =	vadd.f32 s0, v25;
	vm11 =	vgt.f32 v46, v60;
	v53 =	vmul.f32 v41, v49  }
0xe8: {  	v59 =	vmul.f32 v42, v57;
	v28 =	vsel vm11, v48, v28;
	v60 =	vmul.f32 v40, v58  }
0xe9: {  	v30 =	vsel vm11, v51, v30;
	v51 =	vadd.f32 s0, v22;
	vm12 =	vgt.f32 v53, v61  }
0xea: {  	v61 =	vmax.f32 v4, v45;
	vm13 =	vgt.f32 v59, v60;
	v59 =	vmin.f32 v13, v50  }
0xeb: {  	v60 =	vmax.f32 v6, v45;
	v43 =	vsel vm12, v49, v43;
	v41 =	vsel vm12, v52, v41  }
0xec: {  	v49 =	vsub.f32 v62, v61;
	v40 =	vsel vm13, v57, v40;
	v42 =	vsel vm13, v58, v42  }
0xed: {  	v58 =	vmax.f32 v5, v45;
	v61 =	vmin.f32 v14, v50;
	s1 =	spop (v2sf);
	(v2sf) =	vpush v26, $0x7  }
0xee: {  	v57 =	vmul.f32 v38, v63;
	v48 =	vsub.f32 v59, v58;
	v46 =	vsub.f32 v61, v60  }
0xef: {  	v58 =	vmax.f32 v7, v45;
	v59 =	vmin.f32 v15, v50;
	v61 =	vadd.f32 s0, v23  }
0xf0: {  	v45 =	vmax.f32 v9, v45;
	s31 =	spop (v2sf);
	(v2sf) =	vpush v27, $0x7;
	v56 =	vmul.f32 v37, v49  }
0xf1: {  	v60 =	vsub.f32 v59, v58;
	v62 =	vmul.f32 v36, v48;
	v52 =	vmul.f32 v39, v46  }
0xf2: {  	vm14 =	vgt.f32 v56, v57;
	v57 =	vmul.f32 v34, v51;
	v56 =	vsub.f32 v55, v54  }
0xf3: {  	s31 =	ssub.f32 s31, s1;
	v38 =	vsel vm14, v49, v38;
	v37 =	vsel vm14, v63, v37;
	v63 =	vmul.f32 v33, v44  }
0xf4: {  	vm4 =	vgt.f32 v52, v57;
	v57 =	vmin.f32 v17, v50;
	v52 =	vbroadcast v27, $0x6  }
0xf5: {  	v50 =	vadd.f32 s31, v18;
	vm15 =	vgt.f32 v62, v63;
	v34 =	vsel vm4, v46, v34  }
0xf6: {  	v62 =	vmul.f32 v35, v60;
	v63 =	vmul.f32 v32, v61;
	v39 =	vsel vm4, v51, v39  }
0xf7: {  	v46 =	vadd.f32 s0, v24;
	v45 =	vsub.f32 v57, v45;
	v51 =	vbroadcast v26, $0x6  }
0xf8: {  	v33 =	vsel vm15, v48, v33;
	v36 =	vsel vm15, v44, v36;
	v48 =	vmul.f32 v31, v56  }
0xf9: {  	v57 =	vmin.f32 v11, v52;
	v54 =	vmin.f32 v14, v52;
	vm5 =	vgt.f32 v62, v63  }
0xfa: {  	v58 =	vmul.f32 v29, v46;
	v59 =	vmul.f32 v30, v45;
	v62 =	vmin.f32 v10, v52  }
0xfb: {  	v63 =	vmax.f32 v3, v51;
	v55 =	vmax.f32 v7, v51;
	v32 =	vsel vm5, v60, v32  }
0xfc: {  	v35 =	vsel vm5, v61, v35;
	v60 =	vmul.f32 v28, v47;
	v61 =	vmax.f32 v2, v51  }
0xfd: {  	vm6 =	vgt.f32 v48, v58;
	v44 =	vsub.f32 v62, v61;
	v58 =	vmul.f32 v43, v50  }
0xfe: {  	v48 =	vsub.f32 v57, v63;
	v61 =	vmax.f32 v4, v51;
	v62 =	vmin.f32 v12, v52  }
0xff: {  	v57 =	vmax.f32 v5, v51;
	v29 =	vsel vm6, v56, v29;
	vm7 =	vgt.f32 v59, v60  }
0x100: {  	v31 =	vsel vm6, v46, v31;
	v46 =	vadd.f32 s31, v20;
	v56 =	vmin.f32 v15, v52  }
0x101: {  	v53 =	vmul.f32 v41, v44;
	v28 =	vsel vm7, v45, v28;
	v45 =	vadd.f32 s31, v19  }
0x102: {  	v30 =	vsel vm7, v47, v30;
	v59 =	vmul.f32 v42, v48;
	v47 =	vadd.f32 s31, v22  }
0x103: {  	vm8 =	vgt.f32 v53, v58;
	v60 =	vmul.f32 v40, v45;
	v58 =	vmin.f32 v13, v52  }
0x104: {  	s0 =	spop (v2sf);
	(v2sf) =	vpush v26, $0x8;
	v43 =	vsel vm8, v44, v43;
	v44 =	vsub.f32 v62, v61  }
0x105: {  	v49 =	vsub.f32 v58, v57;
	v41 =	vsel vm8, v50, v41;
	v57 =	vmax.f32 v8, v51  }
0x106: {  	v58 =	vmin.f32 v16, v52;
	v50 =	vadd.f32 s31, v24;
	vm9 =	vgt.f32 v59, v60  }
0x107: {  	v59 =	vmul.f32 v38, v46;
	v60 =	vadd.f32 s31, v21;
	v63 =	vmul.f32 v37, v44  }
0x108: {  	s1 =	spop (v2sf);
	(v2sf) =	vpush v27, $0x8;
	v42 =	vsel vm9, v45, v42;
	v61 =	vmul.f32 v36, v49  }
0x109: {  	v45 =	vsub.f32 v56, v55;
	v62 =	vmul.f32 v33, v60;
	vm10 =	vgt.f32 v63, v59  }
0x10a: {  	v63 =	vmax.f32 v6, v51;
	v59 =	vmul.f32 v34, v47;
	v38 =	vsel vm10, v44, v38  }
0x10b: {  	v37 =	vsel vm10, v46, v37;
	vm11 =	vgt.f32 v61, v62;
	v44 =	vsub.f32 v54, v63  }
0x10c: {  	v46 =	vadd.f32 s31, v23;
	v63 =	vmul.f32 v29, v50;
	v33 =	vsel vm11, v49, v33  }
0x10d: {  	v49 =	vsub.f32 v58, v57;
	v36 =	vsel vm11, v60, v36;
	v60 =	vmul.f32 v35, v45  }
0x10e: {  	v40 =	vsel vm9, v48, v40;
	v48 =	vmul.f32 v39, v44;
	v61 =	vmul.f32 v32, v46  }
0x10f: {  	v57 =	vmax.f32 v9, v51;
	v58 =	vmin.f32 v17, v52;
	v62 =	vmul.f32 v31, v49  }
0x110: {  	vm12 =	vgt.f32 v48, v59;
	vm13 =	vgt.f32 v60, v61;
	v48 =	vbroadcast v27, $0x7  }
0x111: {  	v34 =	vsel vm12, v44, v34;
	v39 =	vsel vm12, v47, v39;
	v32 =	vsel vm13, v45, v32  }
0x112: {  	s0 =	ssub.f32 s1, s0;
	vm14 =	vgt.f32 v62, v63;
	v47 =	vbroadcast v26, $0x7;
	v35 =	vsel vm13, v46, v35  }
0x113: {  	v44 =	vsub.f32 v58, v57;
	v45 =	vadd.f32 s31, v25;
	v29 =	vsel vm14, v49, v29  }
0x114: {  	v60 =	vmin.f32 v10, v48;
	v49 =	vadd.f32 s0, v18;
	v62 =	vmin.f32 v11, v48  }
0x115: {  	v31 =	vsel vm14, v50, v31;
	v50 =	vadd.f32 s0, v19;
	v57 =	vmin.f32 v12, v48  }
0x116: {  	v59 =	vmax.f32 v2, v47;
	v51 =	vmul.f32 v30, v44;
	v52 =	vmul.f32 v28, v45  }
0x117: {  	v61 =	vmax.f32 v3, v47;
	v56 =	vmax.f32 v6, v47;
	v46 =	vsub.f32 v60, v59  }
0x118: {  	v60 =	vmul.f32 v43, v49;
	v53 =	vsub.f32 v62, v61;
	v62 =	vmul.f32 v40, v50  }
0x119: {  	v59 =	vmax.f32 v5, v47;
	vm15 =	vgt.f32 v51, v52;
	v51 =	vbroadcast v26, $0x8  }
0x11a: {  	s1 =	spop (v2sf);
	(v2sf) =	vpush v26, $0x9;
	v63 =	vmul.f32 v41, v46;
	v28 =	vsel vm15, v44, v28  }
0x11b: {  	v61 =	vmul.f32 v42, v53;
	v30 =	vsel vm15, v45, v30;
	v44 =	vadd.f32 s0, v20  }
0x11c: {  	s31 =	spop (v2sf);
	(v2sf) =	vpush v27, $0x9;
	v55 =	vmax.f32 v6, v51;
	vm4 =	vgt.f32 v63, v60  }
0x11d: {  	v63 =	vmax.f32 v4, v47;
	vm5 =	vgt.f32 v61, v62;
	v60 =	vmin.f32 v13, v48  }
0x11e: {  	v61 =	vmul.f32 v38, v44;
	v43 =	vsel vm4, v46, v43;
	v58 =	vsub.f32 v57, v63  }
0x11f: {  	v46 =	vsub.f32 v60, v59;
	v41 =	vsel vm4, v49, v41;
	v40 =	vsel vm5, v53, v40  }
0x120: {  	v49 =	vadd.f32 s0, v21;
	v42 =	vsel vm5, v50, v42;
	v57 =	vmin.f32 v14, v48  }
0x121: {  	v59 =	vmax.f32 v7, v47;
	v60 =	vmin.f32 v15, v48;
	v52 =	vmul.f32 v37, v58  }
0x122: {  	v45 =	vsub.f32 v57, v56;
	v50 =	vsub.f32 v60, v59;
	v56 =	vmax.f32 v8, v47  }
0x123: {  	v57 =	vmin.f32 v16, v48;
	v62 =	vmul.f32 v36, v46;
	vm6 =	vgt.f32 v52, v61  }
0x124: {  	v63 =	vmul.f32 v33, v49;
	v53 =	vmul.f32 v39, v45;
	v38 =	vsel vm6, v58, v38  }
0x125: {  	v58 =	vadd.f32 s0, v22;
	v37 =	vsel vm6, v44, v37;
	v44 =	vadd.f32 s0, v23  }
0x126: {  	vm7 =	vgt.f32 v62, v63;
	v62 =	vmul.f32 v35, v50;
	v52 =	vbroadcast v27, $0x8  }
0x127: {  	v59 =	vmin.f32 v17, v48;
	v61 =	vmul.f32 v34, v58;
	v63 =	vmul.f32 v32, v44  }
0x128: {  	v48 =	vadd.f32 s0, v24;
	v33 =	vsel vm7, v46, v33;
	v36 =	vsel vm7, v49, v36  }
0x129: {  	v54 =	vmin.f32 v13, v52;
	vm8 =	vgt.f32 v53, v61;
	vm9 =	vgt.f32 v62, v63  }
0x12a: {  	v62 =	vmax.f32 v2, v51;
	v63 =	vmin.f32 v10, v52;
	v53 =	vmax.f32 v5, v51  }
0x12b: {  	v34 =	vsel vm8, v45, v34;
	v39 =	vsel vm8, v58, v39;
	v45 =	vsub.f32 v57, v56  }
0x12c: {  	v58 =	vmax.f32 v9, v47;
	v47 =	vadd.f32 s0, v25;
	v32 =	vsel vm9, v50, v32  }
0x12d: {  	v50 =	vmul.f32 v29, v48;
	s0 =	ssub.f32 s31, s1;
	v35 =	vsel vm9, v44, v35;
	v46 =	vsub.f32 v59, v58  }
0x12e: {  	v59 =	vsub.f32 v63, v62;
	s1 =	spop (v2sf);
	(v2sf) =	vpush v26, $0xA;
	v49 =	vmul.f32 v31, v45  }
0x12f: {  	v61 =	vmul.f32 v28, v47;
	v56 =	vadd.f32 s0, v19;
	v60 =	vmul.f32 v30, v46  }
0x130: {  	v62 =	vmin.f32 v11, v52;
	s31 =	spop (v2sf);
	(v2sf) =	vpush v27, $0xA;
	vm10 =	vgt.f32 v49, v50  }
0x131: {  	v58 =	vmul.f32 v40, v56;
	v29 =	vsel vm10, v45, v29;
	vm11 =	vgt.f32 v60, v61  }
0x132: {  	v45 =	vadd.f32 s0, v18;
	v60 =	vmul.f32 v41, v59;
	v61 =	vmax.f32 v3, v51  }
0x133: {  	v31 =	vsel vm10, v48, v31;
	v48 =	vadd.f32 s0, v22;
	v50 =	vsub.f32 v62, v61  }
0x134: {  	v28 =	vsel vm11, v46, v28;
	v61 =	vadd.f32 s0, v20;
	v63 =	vmul.f32 v43, v45  }
0x135: {  	v30 =	vsel vm11, v47, v30;
	v47 =	vadd.f32 s0, v21;
	v57 =	vmul.f32 v42, v50  }
0x136: {  	vm12 =	vgt.f32 v60, v63;
	v60 =	vmin.f32 v12, v52;
	v63 =	vmul.f32 v38, v61  }
0x137: {  	v43 =	vsel vm12, v59, v43;
	v59 =	vmax.f32 v4, v51;
	vm13 =	vgt.f32 v57, v58  }
0x138: {  	v41 =	vsel vm12, v45, v41;
	v45 =	vsub.f32 v54, v53;
	v57 =	vmul.f32 v33, v47  }
0x139: {  	v58 =	vmax.f32 v7, v51;
	v53 =	vmax.f32 v9, v51;
	v44 =	vsub.f32 v60, v59  }
0x13a: {  	v40 =	vsel vm13, v50, v40;
	v42 =	vsel vm13, v56, v42;
	v59 =	vmin.f32 v15, v52  }
0x13b: {  	v60 =	vadd.f32 s0, v23;
	v49 =	vmul.f32 v36, v45;
	v46 =	vsub.f32 v59, v58  }
0x13c: {  	v56 =	vmin.f32 v14, v52;
	v50 =	vmul.f32 v34, v48;
	v62 =	vmul.f32 v37, v44  }
0x13d: {  	vm15 =	vgt.f32 v49, v57;
	v54 =	vmul.f32 v35, v46;
	v57 =	vmul.f32 v32, v60  }
0x13e: {  	vm14 =	vgt.f32 v62, v63;
	v62 =	vmin.f32 v16, v52;
	v63 =	vadd.f32 s0, v24  }
0x13f: {  	v33 =	vsel vm15, v45, v33;
	v36 =	vsel vm15, v47, v36;
	v47 =	vbroadcast v27, $0x9  }
0x140: {  	v45 =	vadd.f32 s0, v25;
	v38 =	vsel vm14, v44, v38;
	v44 =	vsub.f32 v56, v55  }
0x141: {  	v37 =	vsel vm14, v61, v37;
	v61 =	vmax.f32 v8, v51;
	vm5 =	vgt.f32 v54, v57  }
0x142: {  	s0 =	ssub.f32 s31, s1;
	v54 =	vmin.f32 v17, v52;
	s1 =	spop (v2sf);
	(v2sf) =	vpush v26, $0xB;
	v55 =	vsub.f32 v62, v61  }
0x143: {  	v32 =	vsel vm5, v46, v32;
	v35 =	vsel vm5, v60, v35;
	v46 =	vbroadcast v26, $0x9  }
0x144: {  	v58 =	vmin.f32 v10, v47;
	v60 =	vmul.f32 v28, v45;
	v49 =	vmul.f32 v39, v44  }
0x145: {  	v62 =	vmin.f32 v11, v47;
	v51 =	vadd.f32 s0, v19;
	s31 =	spop (v2sf);
	(v2sf) =	vpush v27, $0xB  }
0x146: {  	vm4 =	vgt.f32 v49, v50;
	v49 =	vmul.f32 v31, v55;
	v50 =	vmul.f32 v29, v63  }
0x147: {  	v57 =	vmax.f32 v2, v46;
	v61 =	vmax.f32 v3, v46;
	v34 =	vsel vm4, v44, v34  }
0x148: {  	v39 =	vsel vm4, v48, v39;
	v44 =	vsub.f32 v54, v53;
	vm6 =	vgt.f32 v49, v50  }
0x149: {  	v48 =	vsub.f32 v58, v57;
	v49 =	vadd.f32 s0, v18;
	v29 =	vsel vm6, v55, v29  }
0x14a: {  	v31 =	vsel vm6, v63, v31;
	v59 =	vmul.f32 v30, v44;
	v63 =	vsub.f32 v62, v61  }
0x14b: {  	v56 =	vmul.f32 v41, v48;
	v61 =	vmin.f32 v12, v47;
	v57 =	vmul.f32 v43, v49  }
0x14c: {  	vm7 =	vgt.f32 v59, v60;
	v58 =	vmul.f32 v42, v63;
	v59 =	vmul.f32 v40, v51  }
0x14d: {  	v60 =	vmax.f32 v4, v46;
	v28 =	vsel vm7, v44, v28;
	v30 =	vsel vm7, v45, v30  }
0x14e: {  	vm8 =	vgt.f32 v56, v57;
	v44 =	vsub.f32 v61, v60;
	v45 =	vadd.f32 s0, v20  }
0x14f: {  	v56 =	vmax.f32 v5, v46;
	v57 =	vmin.f32 v13, v47;
	vm9 =	vgt.f32 v58, v59  }
0x150: {  	v43 =	vsel vm8, v48, v43;
	v41 =	vsel vm8, v49, v41;
	v50 =	vsub.f32 v57, v56  }
0x151: {  	v58 =	vmax.f32 v6, v46;
	v59 =	vmin.f32 v14, v47;
	v49 =	vadd.f32 s0, v22  }
0x152: {  	v56 =	vmax.f32 v9, v46;
	v40 =	vsel vm9, v63, v40;
	v62 =	vmul.f32 v37, v44  }
0x153: {  	v63 =	vmul.f32 v38, v45;
	v42 =	vsel vm9, v51, v42;
	v51 =	vadd.f32 s0, v21  }
0x154: {  	v52 =	vsub.f32 v59, v58;
	v58 =	vadd.f32 s0, v23;
	v48 =	vmul.f32 v36, v50  }
0x155: {  	v61 =	vmul.f32 v34, v49;
	vm10 =	vgt.f32 v62, v63;
	v60 =	vmul.f32 v33, v51  }
0x156: {  	v53 =	vmul.f32 v39, v52;
	v62 =	vmax.f32 v7, v46;
	v63 =	vmin.f32 v15, v47  }
0x157: {  	v38 =	vsel vm10, v44, v38;
	v37 =	vsel vm10, v45, v37;
	v57 =	vsub.f32 v63, v62  }
0x158: {  	s31 =	ssub.f32 s31, s1;
	v62 =	vmul.f32 v32, v58;
	v63 =	vadd.f32 s0, v24;
	vm11 =	vgt.f32 v48, v60  }
0x159: {  	vm12 =	vgt.f32 v53, v61;
	v60 =	vmax.f32 v8, v46;
	v61 =	vmin.f32 v16, v47  }
0x15a: {  	v46 =	vbroadcast v26, $0xA;
	v48 =	vadd.f32 s31, v18;
	v33 =	vsel vm11, v50, v33  }
0x15b: {  	v59 =	vmul.f32 v35, v57;
	v50 =	vsub.f32 v61, v60;
	v36 =	vsel vm11, v51, v36  }
0x15c: {  	v34 =	vsel vm12, v52, v34;
	v39 =	vsel vm12, v49, v39;
	v55 =	vmul.f32 v29, v63  }
0x15d: {  	v51 =	vadd.f32 s31, v19;
	v61 =	vmax.f32 v2, v46;
	vm13 =	vgt.f32 v59, v62  }
0x15e: {  	v54 =	vmul.f32 v31, v50;
	v32 =	vsel vm13, v57, v32;
	v57 =	vmin.f32 v17, v47  }
0x15f: {  	v35 =	vsel vm13, v58, v35;
	v58 =	vadd.f32 s0, v25;
	v47 =	vbroadcast v27, $0xA  }
0x160: {  	s0 =	spop (v2sf);
	(v2sf) =	vpush v26, $0xC;
	vm14 =	vgt.f32 v54, v55;
	v44 =	vsub.f32 v57, v56  }
0x161: {  	s1 =	spop (v2sf);
	(v2sf) =	vpush v27, $0xC;
	v29 =	vsel vm14, v50, v29;
	v31 =	vsel vm14, v63, v31  }
0x162: {  	v60 =	vmul.f32 v28, v58;
	v62 =	vmin.f32 v10, v47;
	v63 =	vmax.f32 v3, v46  }
0x163: {  	v56 =	vmin.f32 v11, v47;
	s0 =	ssub.f32 s1, s0;
	v59 =	vmul.f32 v30, v44;
	v50 =	vsub.f32 v62, v61  }
0x164: {  	v49 =	vsub.f32 v56, v63;
	v61 =	vmin.f32 v12, v47;
	v63 =	vadd.f32 s31, v20  }
0x165: {  	v53 =	vadd.f32 s0, v21;
	vm15 =	vgt.f32 v59, v60;
	v57 =	vmul.f32 v41, v50  }
0x166: {  	v52 =	vmul.f32 v42, v49;
	v59 =	vmul.f32 v40, v51;
	v60 =	vmax.f32 v4, v46  }
0x167: {  	v28 =	vsel vm15, v44, v28;
	v30 =	vsel vm15, v58, v30;
	v58 =	vmul.f32 v43, v48  }
0x168: {  	v62 =	vsub.f32 v61, v60;
	v61 =	vmax.f32 v6, v46;
	vm5 =	vgt.f32 v52, v59  }
0x169: {  	v59 =	vmin.f32 v13, v47;
	v52 =	vbroadcast v27, $0xB;
	vm4 =	vgt.f32 v57, v58  }
0x16a: {  	v56 =	vmul.f32 v37, v62;
	v57 =	vmul.f32 v38, v63;
	v40 =	vsel vm5, v49, v40  }
0x16b: {  	v42 =	vsel vm5, v51, v42;
	v58 =	vmax.f32 v5, v46;
	v49 =	vadd.f32 s31, v22  }
0x16c: {  	v51 =	vadd.f32 s31, v23;
	v43 =	vsel vm4, v50, v43;
	v41 =	vsel vm4, v48, v41  }
0x16d: {  	v60 =	vsub.f32 v59, v58;
	v48 =	vadd.f32 s31, v21;
	v58 =	vmin.f32 v15, v47  }
0x16e: {  	v50 =	vbroadcast v26, $0xB;
	vm6 =	vgt.f32 v56, v57;
	v57 =	vmax.f32 v7, v46  }
0x16f: {  	v38 =	vsel vm6, v62, v38;
	v37 =	vsel vm6, v63, v37;
	v62 =	vmin.f32 v14, v47  }
0x170: {  	v63 =	vmul.f32 v36, v60;
	v56 =	vmul.f32 v33, v48;
	v59 =	vsub.f32 v58, v57  }
0x171: {  	v57 =	vmin.f32 v16, v47;
	v47 =	vmin.f32 v17, v47;
	v55 =	vmax.f32 v4, v50  }
0x172: {  	v45 =	vsub.f32 v62, v61;
	v61 =	vmul.f32 v34, v49;
	vm7 =	vgt.f32 v63, v56  }
0x173: {  	v62 =	vmul.f32 v35, v59;
	v63 =	vmul.f32 v32, v51;
	v56 =	vmax.f32 v8, v46  }
0x174: {  	v46 =	vmax.f32 v9, v46;
	v33 =	vsel vm7, v60, v33;
	v60 =	vmul.f32 v39, v45  }
0x175: {  	v36 =	vsel vm7, v48, v36;
	v44 =	vsub.f32 v57, v56;
	v48 =	vadd.f32 s31, v24  }
0x176: {  	v57 =	vmin.f32 v11, v52;
	v56 =	vmin.f32 v12, v52;
	vm9 =	vgt.f32 v62, v63  }
0x177: {  	v63 =	vmax.f32 v3, v50;
	s1 =	spop (v2sf);
	(v2sf) =	vpush v26, $0xD;
	vm8 =	vgt.f32 v60, v61  }
0x178: {  	v32 =	vsel vm9, v59, v32;
	v58 =	vmul.f32 v31, v44;
	v59 =	vmul.f32 v29, v48  }
0x179: {  	v35 =	vsel vm9, v51, v35;
	v60 =	vmax.f32 v2, v50;
	v61 =	vmin.f32 v10, v52  }
0x17a: {  	v51 =	vsub.f32 v57, v63;
	v57 =	vmax.f32 v5, v50;
	v34 =	vsel vm8, v45, v34  }
0x17b: {  	v39 =	vsel vm8, v49, v39;
	v45 =	vsub.f32 v47, v46;
	v47 =	vadd.f32 s31, v25  }
0x17c: {  	v46 =	vadd.f32 s0, v18;
	vm10 =	vgt.f32 v58, v59;
	v59 =	vadd.f32 s0, v19  }
0x17d: {  	v29 =	vsel vm10, v44, v29;
	v62 =	vmul.f32 v30, v45;
	v44 =	vsub.f32 v61, v60  }
0x17e: {  	s31 =	spop (v2sf);
	(v2sf) =	vpush v27, $0xD;
	v58 =	vmul.f32 v28, v47;
	v61 =	vmul.f32 v43, v46  }
0x17f: {  	v31 =	vsel vm10, v48, v31;
	v63 =	vmul.f32 v40, v59;
	v60 =	vmul.f32 v41, v44  }
0x180: {  	vm11 =	vgt.f32 v62, v58;
	v62 =	vmul.f32 v42, v51;
	v58 =	vmin.f32 v13, v52  }
0x181: {  	v28 =	vsel vm11, v45, v28;
	v30 =	vsel vm11, v47, v30;
	v45 =	vadd.f32 s0, v20  }
0x182: {  	vm12 =	vgt.f32 v60, v61;
	vm13 =	vgt.f32 v62, v63;
	v60 =	vmin.f32 v14, v52  }
0x183: {  	v61 =	vmax.f32 v7, v50;
	v62 =	vmin.f32 v15, v52;
	v63 =	vmul.f32 v33, v53  }
0x184: {  	v43 =	vsel vm12, v44, v43;
	v41 =	vsel vm12, v46, v41;
	v40 =	vsel vm13, v51, v40  }
0x185: {  	v44 =	vsub.f32 v56, v55;
	v42 =	vsel vm13, v59, v42;
	v46 =	vsub.f32 v58, v57  }
0x186: {  	v47 =	vmul.f32 v38, v45;
	v59 =	vmax.f32 v6, v50;
	v51 =	vadd.f32 s0, v22  }
0x187: {  	v55 =	vsub.f32 v62, v61;
	v56 =	vadd.f32 s0, v23;
	v57 =	vmax.f32 v9, v50  }
0x188: {  	v49 =	vsub.f32 v60, v59;
	v48 =	vmul.f32 v37, v44;
	v54 =	vmul.f32 v36, v46  }
0x189: {  	v58 =	vmin.f32 v17, v52;
	v61 =	vmul.f32 v34, v51;
	v62 =	vmul.f32 v35, v55  }
0x18a: {  	v60 =	vmul.f32 v39, v49;
	vm14 =	vgt.f32 v48, v47;
	vm15 =	vgt.f32 v54, v63  }
0x18b: {  	v63 =	vmul.f32 v32, v56;
	v48 =	vbroadcast v26, $0xC;
	v47 =	vadd.f32 s0, v25  }
0x18c: {  	v38 =	vsel vm14, v44, v38;
	v37 =	vsel vm14, v45, v37;
	v33 =	vsel vm15, v46, v33  }
0x18d: {  	v36 =	vsel vm15, v53, v36;
	vm4 =	vgt.f32 v60, v61;
	v45 =	vadd.f32 s0, v24  }
0x18e: {  	s31 =	ssub.f32 s31, s1;
	v46 =	vsub.f32 v58, v57;
	vm5 =	vgt.f32 v62, v63;
	v34 =	vsel vm4, v49, v34  }
0x18f: {  	v39 =	vsel vm4, v51, v39;
	v49 =	vbroadcast v27, $0xC;
	v61 =	vmax.f32 v2, v48  }
0x190: {  	v51 =	vadd.f32 s31, v18;
	v57 =	vmul.f32 v28, v47;
	s1 =	spop (v2sf);
	(v2sf) =	vpush v26, $0xE  }
0x191: {  	v32 =	vsel vm5, v55, v32;
	v35 =	vsel vm5, v56, v35;
	v55 =	vmax.f32 v8, v50  }
0x192: {  	v56 =	vmin.f32 v16, v52;
	v60 =	vmul.f32 v29, v45;
	v50 =	vadd.f32 s31, v20  }
0x193: {  	v44 =	vsub.f32 v56, v55;
	v62 =	vmin.f32 v10, v49;
	v56 =	vmul.f32 v30, v46  }
0x194: {  	v52 =	vadd.f32 s31, v21;
	v63 =	vsub.f32 v62, v61;
	v61 =	vmin.f32 v11, v49  }
0x195: {  	v59 =	vmul.f32 v31, v44;
	vm7 =	vgt.f32 v56, v57;
	v56 =	vmin.f32 v12, v49  }
0x196: {  	v58 =	vmul.f32 v41, v63;
	v28 =	vsel vm7, v46, v28;
	v30 =	vsel vm7, v47, v30  }
0x197: {  	vm6 =	vgt.f32 v59, v60;
	v59 =	vmul.f32 v43, v51;
	v60 =	vmax.f32 v3, v48  }
0x198: {  	v29 =	vsel vm6, v44, v29;
	v31 =	vsel vm6, v45, v31;
	v44 =	vsub.f32 v61, v60  }
0x199: {  	v45 =	vadd.f32 s31, v19;
	v60 =	vmul.f32 v38, v50;
	v61 =	vmul.f32 v33, v52  }
0x19a: {  	vm8 =	vgt.f32 v58, v59;
	v58 =	vmax.f32 v5, v48;
	v59 =	vmin.f32 v13, v49  }
0x19b: {  	v43 =	vsel vm8, v63, v43;
	v62 =	vmul.f32 v42, v44;
	v63 =	vmax.f32 v4, v48  }
0x19c: {  	v57 =	vmul.f32 v40, v45;
	v41 =	vsel vm8, v51, v41;
	v51 =	vsub.f32 v59, v58  }
0x19d: {  	v58 =	vadd.f32 s31, v22;
	v47 =	vsub.f32 v56, v63;
	v63 =	vmin.f32 v14, v49  }
0x19e: {  	v56 =	vmax.f32 v8, v48;
	vm9 =	vgt.f32 v62, v57;
	v53 =	vmul.f32 v36, v51  }
0x19f: {  	v62 =	vmax.f32 v6, v48;
	v46 =	vmul.f32 v37, v47;
	v40 =	vsel vm9, v44, v40  }
0x1a0: {  	v42 =	vsel vm9, v45, v42;
	v57 =	vsub.f32 v63, v62;
	v62 =	vmul.f32 v34, v58  }
0x1a1: {  	v63 =	vadd.f32 s31, v23;
	vm11 =	vgt.f32 v53, v61;
	v61 =	vmin.f32 v15, v49  }
0x1a2: {  	vm10 =	vgt.f32 v46, v60;
	v59 =	vmul.f32 v39, v57;
	v60 =	vmax.f32 v7, v48  }
0x1a3: {  	v33 =	vsel vm11, v51, v33;
	v36 =	vsel vm11, v52, v36;
	v55 =	vmul.f32 v32, v63  }
0x1a4: {  	v46 =	vadd.f32 s31, v24;
	v48 =	vmax.f32 v9, v48;
	v51 =	vbroadcast v27, $0xD  }
0x1a5: {  	v38 =	vsel vm10, v47, v38;
	v47 =	vsub.f32 v61, v60;
	v37 =	vsel vm10, v50, v37  }
0x1a6: {  	v50 =	vbroadcast v26, $0xD;
	vm12 =	vgt.f32 v59, v62;
	v59 =	vmul.f32 v29, v46  }
0x1a7: {  	v61 =	vmin.f32 v10, v51;
	v54 =	vmul.f32 v35, v47;
	v34 =	vsel vm12, v57, v34  }
0x1a8: {  	v57 =	vmin.f32 v16, v49;
	v39 =	vsel vm12, v58, v39;
	v49 =	vmin.f32 v17, v49  }
0x1a9: {  	v60 =	vmax.f32 v2, v50;
	v44 =	vsub.f32 v57, v56;
	v45 =	vsub.f32 v49, v48  }
0x1aa: {  	v57 =	vmin.f32 v11, v51;
	v56 =	vmin.f32 v14, v51;
	vm13 =	vgt.f32 v54, v55  }
0x1ab: {  	v54 =	vmax.f32 v6, v50;
	v32 =	vsel vm13, v47, v32;
	v58 =	vmul.f32 v31, v44  }
0x1ac: {  	v35 =	vsel vm13, v63, v35;
	v47 =	vadd.f32 s31, v25;
	s31 =	spop (v2sf);
	v49 =	vmul.f32 v30, v45  }
0x1ad: {  	v63 =	vmax.f32 v3, v50;
	(v2sf) =	vpush v27, $0xE;
	s0 =	ssub.f32 s31, s1;
	vm14 =	vgt.f32 v58, v59  }
0x1ae: {  	s1 =	spop (v2sf);
	(v2sf) =	vpush v26, $0xF;
	v62 =	vmul.f32 v28, v47;
	v29 =	vsel vm14, v44, v29  }
0x1af: {  	v44 =	vsub.f32 v61, v60;
	v48 =	vadd.f32 s0, v18;
	v31 =	vsel vm14, v46, v31  }
0x1b0: {  	v46 =	vsub.f32 v57, v63;
	v53 =	vadd.f32 s0, v19;
	v63 =	vmin.f32 v12, v51  }
0x1b1: {  	vm15 =	vgt.f32 v49, v62;
	v62 =	vmax.f32 v4, v50;
	v58 =	vmul.f32 v41, v44  }
0x1b2: {  	v59 =	vmul.f32 v43, v48;
	v28 =	vsel vm15, v45, v28;
	v60 =	vmul.f32 v42, v46  }
0x1b3: {  	v61 =	vmul.f32 v40, v53;
	v57 =	vsub.f32 v63, v62;
	v63 =	vadd.f32 s0, v21  }
0x1b4: {  	v30 =	vsel vm15, v47, v30;
	v45 =	vadd.f32 s0, v22;
	v47 =	vadd.f32 s0, v23  }
0x1b5: {  	vm4 =	vgt.f32 v58, v59;
	vm5 =	vgt.f32 v60, v61;
	v58 =	vadd.f32 s0, v20  }
0x1b6: {  	v59 =	vmax.f32 v5, v50;
	v60 =	vmin.f32 v13, v51;
	v61 =	vmul.f32 v37, v57  }
0x1b7: {  	v52 =	vmul.f32 v33, v63;
	v49 =	vsub.f32 v60, v59;
	v43 =	vsel vm4, v44, v43  }
0x1b8: {  	v41 =	vsel vm4, v48, v41;
	v44 =	vsub.f32 v56, v54;
	v62 =	vmul.f32 v38, v58  }
0x1b9: {  	v40 =	vsel vm5, v46, v40;
	v42 =	vsel vm5, v53, v42;
	v60 =	vmul.f32 v34, v45  }
0x1ba: {  	v48 =	vmul.f32 v36, v49;
	v59 =	vmul.f32 v39, v44;
	vm6 =	vgt.f32 v61, v62  }
0x1bb: {  	v61 =	vmax.f32 v8, v50;
	v62 =	vmin.f32 v16, v51;
	v38 =	vsel vm6, v57, v38  }
0x1bc: {  	v37 =	vsel vm6, v58, v37;
	vm7 =	vgt.f32 v48, v52;
	v57 =	vmax.f32 v7, v50  }
0x1bd: {  	v58 =	vmin.f32 v15, v51;
	vm8 =	vgt.f32 v59, v60;
	v60 =	vmax.f32 v9, v50  }
0x1be: {  	v50 =	vbroadcast v27, $0xE;
	v33 =	vsel vm7, v49, v33;
	v46 =	vsub.f32 v58, v57  }
0x1bf: {  	v36 =	vsel vm7, v63, v36;
	v63 =	vsub.f32 v62, v61;
	v49 =	vadd.f32 s0, v24  }
0x1c0: {  	v34 =	vsel vm8, v44, v34;
	v57 =	vmul.f32 v32, v47;
	v61 =	vmin.f32 v17, v51  }
0x1c1: {  	v39 =	vsel vm8, v45, v39;
	v44 =	vsub.f32 v61, v60;
	v56 =	vmul.f32 v35, v46  }
0x1c2: {  	v45 =	vadd.f32 s0, v25;
	v58 =	vmul.f32 v31, v63;
	v59 =	vmul.f32 v29, v49  }
0x1c3: {  	s31 =	spop (v2sf);
	(v2sf) =	vpush v27, $0xF;
	v27 =	vbroadcast v27, $0xF;
	v62 =	vmul.f32 v30, v44  }
0x1c4: {  	vm9 =	vgt.f32 v56, v57;
	vm10 =	vgt.f32 v58, v59;
	v57 =	vmin.f32 v10, v50  }
0x1c5: {  	s0 =	ssub.f32 s31, s1;
	v59 =	vmin.f32 v11, v50;
	v32 =	vsel vm9, v46, v32;
	v46 =	vbroadcast v26, $0xE  }
0x1c6: {  	v35 =	vsel vm9, v47, v35;
	v29 =	vsel vm10, v63, v29;
	v63 =	vmul.f32 v28, v45  }
0x1c7: {  	v31 =	vsel vm10, v49, v31;
	v49 =	vadd.f32 s0, v18;
	v48 =	vadd.f32 s0, v19  }
0x1c8: {  	v55 =	vadd.f32 s0, v20;
	v26 =	vbroadcast v26, $0xF;
	v56 =	vmax.f32 v2, v46  }
0x1c9: {  	v58 =	vmax.f32 v3, v46;
	vm11 =	vgt.f32 v62, v63;
	v60 =	vmul.f32 v40, v48  }
0x1ca: {  	v61 =	vmax.f32 v4, v46;
	v62 =	vmin.f32 v12, v50;
	v54 =	vmul.f32 v38, v55  }
0x1cb: {  	v51 =	vsub.f32 v57, v56;
	v52 =	vsub.f32 v59, v58;
	v28 =	vsel vm11, v44, v28  }
0x1cc: {  	v44 =	vmul.f32 v43, v49;
	v30 =	vsel vm11, v45, v30;
	v63 =	vsub.f32 v62, v61  }
0x1cd: {  	v56 =	vmax.f32 v5, v46;
	v57 =	vmin.f32 v13, v50;
	v45 =	vadd.f32 s0, v21  }
0x1ce: {  	v58 =	vmax.f32 v6, v46;
	v47 =	vmul.f32 v41, v51;
	v53 =	vmul.f32 v42, v52  }
0x1cf: {  	v59 =	vmin.f32 v14, v50;
	v62 =	vmax.f32 v7, v46;
	v61 =	vmul.f32 v33, v45  }
0x1d0: {  	vm12 =	vgt.f32 v47, v44;
	vm13 =	vgt.f32 v53, v60;
	v53 =	vmul.f32 v37, v63  }
0x1d1: {  	v44 =	vsub.f32 v57, v56;
	v47 =	vsub.f32 v59, v58;
	v43 =	vsel vm12, v51, v43  }
0x1d2: {  	v41 =	vsel vm12, v49, v41;
	v40 =	vsel vm13, v52, v40;
	v42 =	vsel vm13, v48, v42  }
0x1d3: {  	v48 =	vadd.f32 s0, v22;
	v49 =	vadd.f32 s0, v23;
	vm14 =	vgt.f32 v53, v54  }
0x1d4: {  	v60 =	vmul.f32 v36, v44;
	v57 =	vmul.f32 v39, v47;
	v53 =	vadd.f32 s0, v24  }
0x1d5: {  	v38 =	vsel vm14, v63, v38;
	v63 =	vmin.f32 v15, v50;
	v58 =	vmul.f32 v34, v48  }
0x1d6: {  	v37 =	vsel vm14, v55, v37;
	v55 =	vmax.f32 v3, v26;
	v52 =	vsub.f32 v63, v62  }
0x1d7: {  	vm15 =	vgt.f32 v60, v61;
	v60 =	vmul.f32 v32, v49;
	v61 =	vmax.f32 v8, v46  }
0x1d8: {  	v62 =	vmin.f32 v16, v50;
	v46 =	vmax.f32 v9, v46;
	v33 =	vsel vm15, v44, v33  }
0x1d9: {  	vm4 =	vgt.f32 v57, v58;
	v36 =	vsel vm15, v45, v36;
	v63 =	vsub.f32 v62, v61  }
0x1da: {  	s1 =	spop (v2sf);
	v57 =	vmul.f32 v29, v53;
	v58 =	vmin.f32 v17, v50;
	v59 =	vmul.f32 v35, v52  }
0x1db: {  	s31 =	spop (v2sf);
	v34 =	vsel vm4, v47, v34;
	v39 =	vsel vm4, v48, v39;
	v46 =	vsub.f32 v58, v46  }
0x1dc: {  	v48 =	vadd.f32 s0, v25;
	s0 =	ssub.f32 s31, s1;
	v58 =	vmax.f32 v4, v26;
	v56 =	vmul.f32 v31, v63  }
0x1dd: {  	vm5 =	vgt.f32 v59, v60;
	v59 =	vmax.f32 v2, v26;
	v60 =	vmin.f32 v10, v27  }
0x1de: {  	v61 =	vmul.f32 v30, v46;
	v62 =	vmul.f32 v28, v48;
	v50 =	vadd.f32 s0, v19  }
0x1df: {  	v32 =	vsel vm5, v52, v32;
	vm6 =	vgt.f32 v56, v57;
	v44 =	vsub.f32 v60, v59  }
0x1e0: {  	v35 =	vsel vm5, v49, v35;
	v56 =	vmin.f32 v11, v27;
	v59 =	vmin.f32 v12, v27  }
0x1e1: {  	v29 =	vsel vm6, v63, v29;
	v63 =	vadd.f32 s0, v18;
	v31 =	vsel vm6, v53, v31  }
0x1e2: {  	vm7 =	vgt.f32 v61, v62;
	v57 =	vsub.f32 v56, v55;
	v60 =	vmul.f32 v40, v50  }
0x1e3: {  	v61 =	vadd.f32 s0, v20;
	v47 =	vmul.f32 v41, v44;
	v54 =	vmul.f32 v43, v63  }
0x1e4: {  	v55 =	vmin.f32 v13, v27;
	v28 =	vsel vm7, v46, v28;
	v51 =	vmul.f32 v42, v57  }
0x1e5: {  	v30 =	vsel vm7, v48, v30;
	vm8 =	vgt.f32 v47, v54;
	v47 =	vsub.f32 v59, v58  }
0x1e6: {  	vm9 =	vgt.f32 v51, v60;
	v54 =	vmax.f32 v5, v26;
	v58 =	vmax.f32 v6, v26  }
0x1e7: {  	v59 =	vmin.f32 v14, v27;
	v43 =	vsel vm8, v44, v43;
	v41 =	vsel vm8, v63, v41  }
0x1e8: {  	v63 =	vmul.f32 v38, v61;
	v40 =	vsel vm9, v57, v40;
	v56 =	vsub.f32 v55, v54  }
0x1e9: {  	v57 =	vadd.f32 s0, v21;
	v45 =	vsub.f32 v59, v58;
	v42 =	vsel vm9, v50, v42  }
0x1ea: {  	v54 =	vmin.f32 v15, v27;
	v55 =	vmax.f32 v8, v26;
	v62 =	vmul.f32 v37, v47  }
0x1eb: {  	v58 =	vadd.f32 s0, v24;
	v51 =	vmul.f32 v36, v56;
	v60 =	vmul.f32 v33, v57  }
0x1ec: {  	vm10 =	vgt.f32 v62, v63;
	v63 =	vmax.f32 v7, v26;
	v26 =	vmax.f32 v9, v26  }
0x1ed: {  	v38 =	vsel vm10, v47, v38;
	v47 =	vadd.f32 s0, v22;
	v37 =	vsel vm10, v61, v37  }
0x1ee: {  	vm11 =	vgt.f32 v51, v60;
	v61 =	vmul.f32 v39, v45;
	v46 =	vsub.f32 v54, v63  }
0x1ef: {  	v33 =	vsel vm11, v56, v33;
	v36 =	vsel vm11, v57, v36;
	v56 =	vmin.f32 v16, v27  }
0x1f0: {  	v57 =	vadd.f32 s0, v23;
	v27 =	vmin.f32 v17, v27;
	v44 =	vsub.f32 v56, v55  }
0x1f1: {  	v62 =	vmul.f32 v34, v47;
	v50 =	vmul.f32 v35, v46;
	v26 =	vsub.f32 v27, v26  }
0x1f2: {  	p1 =	sne.s32 s30, $0x1FC0;
	v27 =	vadd.f32 s0, v25;
	v59 =	vmul.f32 v32, v57;
	v60 =	vmul.f32 v31, v44  }
.Ltmp1:
0x1f3: {  	vm12 =	vgt.f32 v61, v62;
	v61 =	vmul.f32 v29, v58;
	v62 =	vmul.f32 v30, v26;
	(pc) =	sbr.rel @p1 .LBB2_5-.Ltmp1, $4  }
0x1f4: {  	v63 =	vmul.f32 v28, v27;
	v34 =	vsel vm12, v45, v34;
	vm13 =	vgt.f32 v50, v59  }
0x1f5: {  	v39 =	vsel vm12, v47, v39;
	vm14 =	vgt.f32 v60, v61;
	v32 =	vsel vm13, v46, v32  }
0x1f6: {  	v35 =	vsel vm13, v57, v35;
	vm15 =	vgt.f32 v62, v63;
	v29 =	vsel vm14, v44, v29  }
0x1f7: {  	s30 =	sadd.s32 $0x40, s30;
	v31 =	vsel vm14, v58, v31;
	v28 =	vsel vm15, v26, v28;
	v30 =	vsel vm15, v27, v30  }
0x1f8: {  	v2 =	vsub.f32 v41, v43;
	_ =	sdelay $0x1  }
0x1f9: {  	(erf) = vrcp.f32 v2  }
0x1fa: {  	v2 =	vsub.f32 v42, v40;
	_ =	sdelay $0x1  }
0x1fb: {  	(erf) = vrcp.f32 v2;
	v2 =	vsub.f32 v37, v38;
	_ =	sdelay $0x1  }
0x1fc: {  	(erf) = vrcp.f32 v2;
	v2 =	vsub.f32 v36, v33;
	_ =	sdelay $0x1  }
0x1fd: {  	(erf) = vrcp.f32 v2;
	v2 =	vsub.f32 v39, v34  }
0x1fe: {  	v3 =	vld [tilespmem:s22+$0x1200]  }
0x1ff: {  	v4 =	vpop (erf);
	(erf) = vrcp.f32 v2;
	v2 =	vsub.f32 v35, v32;
	_ =	sdelay $0x1  }
0x200: {  	v5 =	vld [tilespmem:s29+$0x1200];
	v4 =	vmul.f32 v4, v43;
	(erf) = vrcp.f32 v2;
	v2 =	vsub.f32 v31, v29  }
0x201: {  	v6 =	vld [tilespmem:s22+$0x1300]  }
0x202: {  	v7 =	vld [tilespmem:s28+$0x1200];
	v47 =	vpop (erf);
	v3 =	vsub.f32 v3, v4;
	(erf) = vrcp.f32 v2;
	v2 =	vsub.f32 v30, v28  }
0x203: {  	v8 =	vld [tilespmem:s29+$0x1300];
	v4 =	vmul.f32 v47, v40  }
0x204: {  	v10 =	vld [tilespmem:s26+$0x1200];
	v9 =	vpop (erf);
	v3 =	vand.u32 $0x7FFFFFFF, v3  }
0x205: {  	v49 =	vld [tilespmem:s28+$0x1300];
	v4 =	vsub.f32 v5, v4;
	v48 =	vmul.f32 v9, v38;
	(erf) = vrcp.f32 v2  }
0x206: {  	v11 =	vld [tilespmem:s25+$0x1200];
	v3 =	vmul.f32 v3, v6;
	v2 =	vpop (erf)  }
0x207: {  	v50 =	vld [tilespmem:s26+$0x1300];
	v4 =	vand.u32 $0x7FFFFFFF, v4;
	v5 =	vsub.f32 v7, v48;
	v2 =	vmul.f32 v2, v33  }
0x208: {  	v51 =	vld [tilespmem:s24+$0x1200];
	v0 =	vadd.f32 v6, v0;
	v1 =	vadd.f32 v3, v1;
	v3 =	vmul.f32 v4, v8;
	v12 =	vpop (erf)  }
0x209: {  	v53 =	vld [tilespmem:s25+$0x1300];
	v5 =	vand.u32 $0x7FFFFFFF, v5;
	v52 =	vmul.f32 v12, v34;
	v2 =	vsub.f32 v10, v2  }
0x20a: {  	v55 =	vld [tilespmem:s23+$0x1200];
	v0 =	vadd.f32 v8, v0;
	v1 =	vadd.f32 v3, v1;
	v3 =	vmul.f32 v5, v49;
	v54 =	vpop (erf)  }
0x20b: {  	v57 =	vld [tilespmem:s24+$0x1300];
	v6 =	vsub.f32 v11, v52;
	v56 =	vmul.f32 v54, v32;
	v2 =	vand.u32 $0x7FFFFFFF, v2  }
0x20c: {  	v0 =	vadd.f32 v49, v0;
	v1 =	vadd.f32 v3, v1;
	v3 =	vld [tilespmem:s21+$0x1200];
	v58 =	vpop (erf);
	v2 =	vmul.f32 v2, v50  }
0x20d: {  	v60 =	vld [tilespmem:s23+$0x1300];
	v6 =	vand.u32 $0x7FFFFFFF, v6;
	v4 =	vsub.f32 v51, v56;
	v59 =	vmul.f32 v58, v29  }
0x20e: {  	v0 =	vadd.f32 v50, v0;
	v61 =	vpop (erf);
	v1 =	vadd.f32 v2, v1;
	v2 =	vmul.f32 v6, v53  }
0x20f: {  	v62 =	vld [tilespmem:s21+$0x1300];
	v4 =	vand.u32 $0x7FFFFFFF, v4;
	v5 =	vsub.f32 v55, v59;
	v6 =	vmul.f32 v61, v28  }
0x210: {  	v0 =	vadd.f32 v53, v0;
	v1 =	vadd.f32 v2, v1;
	v2 =	vmul.f32 v4, v57  }
0x211: {  	v63 =	vand.u32 $0x7FFFFFFF, v5;
	v3 =	vsub.f32 v3, v6  }
.Ltmp2:
0x212: {  	v0 =	vadd.f32 v57, v0;
	v1 =	vadd.f32 v2, v1;
	v2 =	vmul.f32 v63, v60;
	(pc) =	sbr.rel @p0 .LBB2_4-.Ltmp2, $3  }
0x213: {  	v3 =	vand.u32 $0x7FFFFFFF, v3  }
0x214: {  	v0 =	vadd.f32 v60, v0;
	v1 =	vadd.f32 v2, v1;
	v2 =	vmul.f32 v3, v62;
	_ =	sdelay $0x1  }
0x215: {  	s22 =	simm.s32 $0x80;
	p1 =	por $0x0, $0x0;
	v0 =	vadd.f32 v62, v0;
	v1 =	vadd.f32 v2, v1  }
0x216: {  	_ = 	snop  }
0x217: {  	[tilespmem:$0x1700] =	vst v1  }
0x218: {  	[tilespmem:$0x1710] =	vst v0  }
0x219: {  	[hbm4b:s9+s4] =	stream.linear.scatter [tilespmem:s18], [sflag:$0x1], $0x10, $0x38;
	[tilespmem:$0x1780] =	vst v63  }
0x21a: {  	s20 =	sadd.s32 $0x1, s20;
	_ =	swait.ge [sflag:s12], $0x10  }
0x21b: {  	p0 =	sne.s32 s20, s11;
	[sflag:s12] =	ssyncset.done $0x0  }
.Ltmp3:
0x21c: {  	[sflag:s12] =	ssyncadd.s32 $0xFFFFFFF0;
	(pc) =	sbr.rel @p0 .LBB2_1-.Ltmp3, $4  }
0x21d: {  	[hbm4b:s10+s4] =	stream.linear.scatter [tilespmem:s19], [sflag:$0x1], $0x10, $0x38;
	[tilespmem:$0x1780] =	vst v63  }
0x21e: {  	_ =	swait.ge [sflag:s12], $0x10  }
0x21f: {  	[sflag:s12] =	ssyncset.done $0x0  }
0x220: {  	[sflag:s12] =	ssyncadd.s32 $0xFFFFFFF0  }
0x221: {  	_ =	sfence.sel $0x180000  }
0x222: {  	[bflag:$0x0] =	sbarrier.arrive $0xFFFF  }
0x223: {  	_ =	strace $0x90000047  }
0x224: {  	s0 =	stileid.u32;
	[bflag:$0x2] =	sbarrier.arrive $0xFFFF  }
0x225: {  	p0 =	sne.s32 s0, $0x0;
	s0 =	rddreg [dreg:$0x3]  }
0x226: {  	s0 =	sadd.s32 @!p0 $0x100000, s0  }
0x227: {  	[sflag:s0] =	ssyncadd.tile.s32 @!p0 $0x1;
	_ =	shalt  }
.Lfunc_end2:
_tile_overlayer_lowered:
.L_overlay_start_2:
0x228: {  	(tag) =	ssettag $0x2  }
0x229: {  	s0 =	rddreg [dreg:$0x0];
	s2 =	stileid.u32  }
0x22a: {  	s1 =	rddreg [dreg:$0x1];
	p0 =	sne.s32 s2, $0x0  }
0x22b: {  	s3 =	rddreg [dreg:$0x2];
	[bflag:$0x3] =	sbarrier.arrive $0xFFFF;
	s2 =	simm.s32 @!p0 $0x1C01  }
0x22c: {  	[timem:s3], [sflag:s2] =	dma.local @!p0 [hbm:s0], s1  }
0x22d: {  	s0 =	simm.s32 @!p0 $0x1  }
0x22e: {  	_ =	swait.ge @!p0 [sflag:s0], s1  }
0x22f: {  	s1 =	ssub.s32 @!p0 $0x0, s1;
	[sflag:s0] =	ssyncset.done @!p0 $0x0  }
0x230: {  	[sflag:s0] =	ssyncadd.s32 @!p0 s1  }
0x231: {  	[bflag:$0x3] =	sbarrier.arrive $0xFFFF  }
0x232: {  	_ =	shalt  }

</sc_bundles>
